<compile_context>
chip_gen: v7x
topology: tpu7x:2x2x1
jax: 0.10.2.dev20260603
libtpu: 0.0.44.dev20260713+nightly
codegen_flags: <defaults>
</compile_context>

<pallas_src>
import functools

import jax
import jax.numpy as jnp
from jax import lax
from jax.experimental import pallas as pl
from jax.experimental.pallas import tpu as pltpu
from jax.experimental.pallas import tpu_sc as plsc

_N_DIM = 128
_E_DIM = 64
_NLAYERS = 6
_E_SEL = 120
_NLOC = 8192
_NC = 2
_NS = 16
_NW = _NC * _NS


def _silu(x):
    return x * (1.0 / (1.0 + jnp.exp(-x)))


def _sc_gather(table, idx, ch, tc_tiling=True):
    V, D = table.shape
    B = idx.shape[0]
    per_w = B // _NW
    nch = per_w // ch
    assert per_w % ch == 0 and B % _NW == 0
    mesh = plsc.VectorSubcoreMesh(core_axis_name="c", subcore_axis_name="s")
    params = (None if tc_tiling
              else pltpu.CompilerParams(use_tc_tiling_on_sc=False))

    @functools.partial(
        pl.kernel,
        out_type=jax.ShapeDtypeStruct((B, D), table.dtype),
        mesh=mesh,
        compiler_params=params,
        scratch_types=[
            pltpu.VMEM((per_w,), jnp.int32),
            pltpu.VMEM((ch, D), table.dtype),
            pltpu.VMEM((ch, D), table.dtype),
            pltpu.SemaphoreType.DMA,
            pltpu.SemaphoreType.DMA,
        ],
    )
    def k(table_hbm, idx_hbm, out_hbm, idx_all, buf0, buf1, s0, s1):
        wid = lax.axis_index("s") * _NC + lax.axis_index("c")
        base = wid * per_w
        pltpu.sync_copy(idx_hbm.at[pl.ds(base, per_w)], idx_all)
        bufs = ((buf0, s0), (buf1, s1))

        def issue(slot, chunk):
            bv, sem = slot
            pltpu.async_copy(table_hbm.at[idx_all.at[pl.ds(chunk * ch, ch)]],
                             bv, sem)

        issue(bufs[0], 0)

        @pl.loop(0, nch, step=2)
        def _body(c):
            for b in range(2):
                cc = c + b
                cur = bufs[b]
                nxt = bufs[1 - b]

                @pl.when(cc < nch)
                def _():
                    @pl.when(cc + 1 < nch)
                    def _():
                        issue(nxt, cc + 1)

                    bv, sem = cur
                    pltpu.make_async_copy(
                        table_hbm.at[idx_all.at[pl.ds(cc * ch, ch)]],
                        bv, sem).wait()
                    pltpu.sync_copy(bv, out_hbm.at[pl.ds(base + cc * ch, ch)])

    return k(table, idx)


def _sc_gather_xyzt(coord_flat, atype, idx, ch):
    B = idx.shape[0]
    per_w = B // _NW
    nch = per_w // ch
    assert per_w % ch == 0
    mesh = plsc.VectorSubcoreMesh(core_axis_name="c", subcore_axis_name="s")
    o1 = jax.ShapeDtypeStruct((B,), jnp.float32)
    oi = jax.ShapeDtypeStruct((B,), jnp.int32)

    @functools.partial(
        pl.kernel,
        out_type=(o1, o1, o1, oi),
        mesh=mesh,
        scratch_types=[
            pltpu.VMEM((4 * _NLOC,), jnp.float32),
            pltpu.VMEM((_NLOC,), jnp.int32),
            pltpu.VMEM((per_w,), jnp.int32),
            pltpu.VMEM((ch,), jnp.float32),
            pltpu.VMEM((ch,), jnp.float32),
            pltpu.VMEM((ch,), jnp.float32),
            pltpu.VMEM((ch,), jnp.int32),
        ],
        compiler_params=pltpu.CompilerParams(needs_layout_passes=False),
    )
    def k(tab_hbm, at_hbm, idx_hbm, x_hbm, y_hbm, z_hbm, t_hbm,
          tab_v, at_v, idx_all, x_v, y_v, z_v, t_v):
        wid = lax.axis_index("s") * _NC + lax.axis_index("c")
        base = wid * per_w
        pltpu.sync_copy(tab_hbm, tab_v)
        pltpu.sync_copy(at_hbm, at_v)
        pltpu.sync_copy(idx_hbm.at[pl.ds(base, per_w)], idx_all)

        @pl.loop(0, nch)
        def _chunk(c):
            off = base + c * ch

            @plsc.parallel_loop(0, ch // 16, unroll=8)
            def _grp(g):
                iv = idx_all[pl.ds(c * ch + g * 16, 16)]
                i4 = iv * 4
                x_v[pl.ds(g * 16, 16)] = plsc.load_gather(tab_v, [i4])
                y_v[pl.ds(g * 16, 16)] = plsc.load_gather(tab_v, [i4 + 1])
                z_v[pl.ds(g * 16, 16)] = plsc.load_gather(tab_v, [i4 + 2])
                t_v[pl.ds(g * 16, 16)] = plsc.load_gather(at_v, [iv])

            pltpu.sync_copy(x_v, x_hbm.at[pl.ds(off, ch)])
            pltpu.sync_copy(y_v, y_hbm.at[pl.ds(off, ch)])
            pltpu.sync_copy(z_v, z_hbm.at[pl.ds(off, ch)])
            pltpu.sync_copy(t_v, t_hbm.at[pl.ds(off, ch)])

    return k(coord_flat, atype, idx)


_BA = 64
_TC_PARAMS = pltpu.CompilerParams(dimension_semantics=("arbitrary",),
                                  vmem_limit_bytes=63 * 1024 * 1024)


def _geo_body(xe_ref, ye_ref, ze_ref, coord_ref, we_ref, be_ref,
              sw_ref, h0_ref, h1_ref, h2_ref, h3_ref, e0_ref):
    co = coord_ref[...]
    dx = xe_ref[...] - co[:, 0][:, None]
    dy = ye_ref[...] - co[:, 1][:, None]
    dz = ze_ref[...] - co[:, 2][:, None]
    r2 = dx * dx + dy * dy + dz * dz + 1e-12
    dist = jnp.sqrt(r2)
    uu = jnp.clip(dist - 5.0, 0.0, 1.0)
    sw = uu * uu * uu * (-6.0 * uu * uu + 15.0 * uu - 10.0) + 1.0
    inv = 1.0 / (dist + 1e-6)
    s1 = sw * inv
    s2 = s1 * inv
    h1 = s2 * dx
    h2 = s2 * dy
    h3 = s2 * dz
    sw_ref[...] = sw
    h0_ref[...] = s1
    h1_ref[...] = h1
    h2_ref[...] = h2
    h3_ref[...] = h3
    we = we_ref[...]
    t = (s1[:, :, None] * we[0][None, None, :]
         + h1[:, :, None] * we[1][None, None, :]
         + h2[:, :, None] * we[2][None, None, :]
         + h3[:, :, None] * we[3][None, None, :]
         + be_ref[...][None, :, :])
    e0_ref[...] = _silu(t)


def _layer_a0_body(edge_ref, tnb_ref, sw_ref, atype_ref, tt_ref,
                   weg_ref, wn_ref, ws_ref, wne_ref,
                   nodeo_ref, nw_ref):
    ba = atype_ref.shape[0]
    e2 = edge_ref[...].reshape(ba * _E_SEL, _E_DIM)
    gate = jnp.dot(e2, weg_ref[...], preferred_element_type=jnp.float32)
    gate = gate.reshape(ba, _E_SEL, _N_DIM)
    tt = tt_ref[...]
    ohn = (tnb_ref[...][:, :, None]
           == lax.broadcasted_iota(jnp.int32, (1, 1, 8), 2)).astype(jnp.float32)
    nnb = jnp.dot(ohn.reshape(ba * _E_SEL, 8), tt,
                  preferred_element_type=jnp.float32).reshape(ba, _E_SEL, _N_DIM)
    ohs = (atype_ref[...]
           == lax.broadcasted_iota(jnp.int32, (1, 8), 1)).astype(jnp.float32)
    node = jnp.dot(ohs, tt, preferred_element_type=jnp.float32)
    msg = gate * nnb * sw_ref[...][:, :, None]
    agg = jnp.sum(msg, axis=1) * (1.0 / 12.0)
    pre = (jnp.dot(agg, wn_ref[...], preferred_element_type=jnp.float32)
           + jnp.dot(node, ws_ref[...], preferred_element_type=jnp.float32))
    node_new = node + _silu(pre)
    nodeo_ref[...] = node_new
    nw_ref[...] = jnp.dot(node_new, wne_ref[...], preferred_element_type=jnp.float32)


def _layer_b_body(edge_ref, g_ref, sw_ref, nw_ref, wee_ref, edgeo_ref):
    ba = nw_ref.shape[0]
    e = edge_ref[...]
    e2 = e.reshape(ba * _E_SEL, _E_DIM)
    t = jnp.dot(e2, wee_ref[...], preferred_element_type=jnp.float32)
    t = (t.reshape(ba, _E_SEL, _E_DIM)
         + nw_ref[...][:, None, :]
         + g_ref[...][:, :, _E_DIM:])
    edgeo_ref[...] = e + _silu(t) * sw_ref[...][:, :, None]


def _layer_ba_body(edge_ref, g_ref, sw_ref, nw_ref, node_ref,
                   wee_ref, weg_ref, wn_ref, ws_ref, wne_ref,
                   edgeo_ref, nodeo_ref, nwo_ref):
    ba = nw_ref.shape[0]
    sw = sw_ref[...]
    g = g_ref[...]
    e = edge_ref[...]
    e2 = e.reshape(ba * _E_SEL, _E_DIM)
    t = jnp.dot(e2, wee_ref[...], preferred_element_type=jnp.float32)
    t = (t.reshape(ba, _E_SEL, _E_DIM)
         + nw_ref[...][:, None, :]
         + g[:, :, _E_DIM:])
    edge_new = e + _silu(t) * sw[:, :, None]
    edgeo_ref[...] = edge_new
    gate = jnp.dot(edge_new.reshape(ba * _E_SEL, _E_DIM), weg_ref[...],
                   preferred_element_type=jnp.float32)
    gate = gate.reshape(ba, _E_SEL, _N_DIM)
    wi = lax.bitcast_convert_type(g[:, :, :_E_DIM], jnp.int32)
    lo = lax.bitcast_convert_type(wi << 16, jnp.float32)
    hi = lax.bitcast_convert_type(wi & jnp.int32(-65536), jnp.float32)
    nnb = jnp.concatenate([lo, hi], axis=-1)
    msg = gate * nnb * sw[:, :, None]
    agg = jnp.sum(msg, axis=1) * (1.0 / 12.0)
    node = node_ref[...]
    pre = (jnp.dot(agg, wn_ref[...], preferred_element_type=jnp.float32)
           + jnp.dot(node, ws_ref[...], preferred_element_type=jnp.float32))
    node_new = node + _silu(pre)
    nodeo_ref[...] = node_new
    nwo_ref[...] = jnp.dot(node_new, wne_ref[...],
                           preferred_element_type=jnp.float32)


def _final_body(h0_ref, h1_ref, h2_ref, h3_ref, edge_ref,
                c0_ref, c1_ref, c2_ref, c3_ref):
    e = edge_ref[...]
    scale = 1.0 / float(_E_SEL)
    gr0 = jnp.sum(h0_ref[...][:, :, None] * e, axis=1) * scale
    gr1 = jnp.sum(h1_ref[...][:, :, None] * e, axis=1) * scale
    gr2 = jnp.sum(h2_ref[...][:, :, None] * e, axis=1) * scale
    gr3 = jnp.sum(h3_ref[...][:, :, None] * e, axis=1) * scale
    grs = (gr0, gr1, gr2, gr3)
    crefs = (c0_ref, c1_ref, c2_ref, c3_ref)
    for a in range(4):
        col = (gr0 * gr0[:, a][:, None] + gr1 * gr1[:, a][:, None]
               + gr2 * gr2[:, a][:, None] + gr3 * gr3[:, a][:, None])
        crefs[a][...] = col


def _full(shape):
    nd = len(shape)
    return pl.BlockSpec(shape, lambda i: (0,) * nd)


def _blk(shape):
    nd = len(shape)
    return pl.BlockSpec(shape, lambda i: (i,) + (0,) * (nd - 1))


def _f32(shape):
    return jax.ShapeDtypeStruct(shape, jnp.float32)


def kernel(extended_coord, extended_atype, nlist, type_table, W_edge, b_edge,
           W_eg, W_node, W_self, W_ee, W_ne):
    coord = extended_coord[0]
    atype = extended_atype[0].astype(jnp.int32)
    nl = nlist[0].astype(jnp.int32)
    idxe = nl.reshape(-1)
    coordp = jnp.pad(coord, ((0, 0), (0, 1)))

    n_blocks = _NLOC // _BA

    xe, ye, ze, tnb = _sc_gather_xyzt(coordp.reshape(-1), atype, idxe, ch=1024)
    xe = xe.reshape(_NLOC, _E_SEL)
    ye = ye.reshape(_NLOC, _E_SEL)
    ze = ze.reshape(_NLOC, _E_SEL)
    tnb = tnb.reshape(_NLOC, _E_SEL)

    geo = pl.pallas_call(
        _geo_body,
        grid=(n_blocks,),
        in_specs=[
            _blk((_BA, _E_SEL)),
            _blk((_BA, _E_SEL)),
            _blk((_BA, _E_SEL)),
            _blk((_BA, 4)),
            _full((4, _E_DIM)),
            _full((1, _E_DIM)),
        ],
        out_specs=[
            _blk((_BA, _E_SEL)), _blk((_BA, _E_SEL)), _blk((_BA, _E_SEL)),
            _blk((_BA, _E_SEL)), _blk((_BA, _E_SEL)),
            _blk((_BA, _E_SEL, _E_DIM)),
        ],
        out_shape=[
            _f32((_NLOC, _E_SEL)), _f32((_NLOC, _E_SEL)), _f32((_NLOC, _E_SEL)),
            _f32((_NLOC, _E_SEL)), _f32((_NLOC, _E_SEL)),
            _f32((_NLOC, _E_SEL, _E_DIM)),
        ],
        compiler_params=_TC_PARAMS,
    )
    sw, h0, h1, h2, h3, edge = geo(xe, ye, ze, coordp,
                                   W_edge, b_edge.reshape(1, _E_DIM))

    layer_a0 = pl.pallas_call(
        _layer_a0_body,
        grid=(n_blocks,),
        in_specs=[
            _blk((_BA, _E_SEL, _E_DIM)),
            _blk((_BA, _E_SEL)),
            _blk((_BA, _E_SEL)),
            _blk((_BA, 1)),
            _full((8, _N_DIM)),
            _full((_E_DIM, _N_DIM)),
            _full((_N_DIM, _N_DIM)),
            _full((_N_DIM, _N_DIM)),
            _full((_N_DIM, _E_DIM)),
        ],
        out_specs=[_blk((_BA, _N_DIM)), _blk((_BA, _E_DIM))],
        out_shape=[_f32((_NLOC, _N_DIM)), _f32((_NLOC, _E_DIM))],
        compiler_params=_TC_PARAMS,
    )

    layer_ba = pl.pallas_call(
        _layer_ba_body,
        grid=(n_blocks,),
        in_specs=[
            _blk((_BA, _E_SEL, _E_DIM)),
            _blk((_BA, _E_SEL, _N_DIM)),
            _blk((_BA, _E_SEL)),
            _blk((_BA, _E_DIM)),
            _blk((_BA, _N_DIM)),
            _full((_E_DIM, _E_DIM)),
            _full((_E_DIM, _N_DIM)),
            _full((_N_DIM, _N_DIM)),
            _full((_N_DIM, _N_DIM)),
            _full((_N_DIM, _E_DIM)),
        ],
        out_specs=[_blk((_BA, _E_SEL, _E_DIM)), _blk((_BA, _N_DIM)),
                   _blk((_BA, _E_DIM))],
        out_shape=[_f32((_NLOC, _E_SEL, _E_DIM)), _f32((_NLOC, _N_DIM)),
                   _f32((_NLOC, _E_DIM))],
        compiler_params=_TC_PARAMS,
    )

    layer_b = pl.pallas_call(
        _layer_b_body,
        grid=(n_blocks,),
        in_specs=[
            _blk((_BA, _E_SEL, _E_DIM)),
            _blk((_BA, _E_SEL, _N_DIM)),
            _blk((_BA, _E_SEL)),
            _blk((_BA, _E_DIM)),
            _full((_E_DIM, _E_DIM)),
        ],
        out_specs=_blk((_BA, _E_SEL, _E_DIM)),
        out_shape=_f32((_NLOC, _E_SEL, _E_DIM)),
        compiler_params=_TC_PARAMS,
    )

    def pack_table(node_new, nw_new):
        nb = node_new.astype(jnp.bfloat16)
        lo = lax.bitcast_convert_type(nb[:, :_E_DIM], jnp.uint16).astype(jnp.uint32)
        hi = lax.bitcast_convert_type(nb[:, _E_DIM:], jnp.uint16).astype(jnp.uint32)
        packed = lax.bitcast_convert_type(lo | (hi << 16), jnp.float32)
        return jnp.concatenate([packed, nw_new], axis=1)

    node, nw = layer_a0(edge, tnb, sw, atype.reshape(_NLOC, 1), type_table,
                        W_eg[0], W_node[0], W_self[0], W_ne[0])
    tab = pack_table(node, nw)
    for l in range(_NLAYERS):
        g = _sc_gather(tab, idxe, ch=256).reshape(_NLOC, _E_SEL, _N_DIM)
        if l + 1 < _NLAYERS:
            edge, node, nw = layer_ba(edge, g, sw, nw, node,
                                      W_ee[l], W_eg[l + 1], W_node[l + 1],
                                      W_self[l + 1], W_ne[l + 1])
            tab = pack_table(node, nw)
        else:
            edge = layer_b(edge, g, sw, nw, W_ee[l])

    fin = pl.pallas_call(
        _final_body,
        grid=(n_blocks,),
        in_specs=[
            _blk((_BA, _E_SEL)), _blk((_BA, _E_SEL)), _blk((_BA, _E_SEL)),
            _blk((_BA, _E_SEL)),
            _blk((_BA, _E_SEL, _E_DIM)),
        ],
        out_specs=[_blk((_BA, _E_DIM))] * 4,
        out_shape=[_f32((_NLOC, _E_DIM))] * 4,
        compiler_params=_TC_PARAMS,
    )
    c0, c1, c2, c3 = fin(h0, h1, h2, h3, edge)
    grrg = jnp.stack([c0, c1, c2, c3], axis=-1).reshape(_NLOC, _E_DIM * 4)
    out = jnp.concatenate([node, grrg], axis=-1)
    return out[None]

# --- scband reference (transcript-rebuilt; emitter-appended) ---
"""Pipeline reference for scband-descrpt-dpa3-s-21672404976278 (READ-ONLY COPY).

The authoritative reference and input builder live on the scoring server;
editing this copy changes nothing except your own understanding.
"""

import jax, jax.numpy as jnp
import numpy as np

NTYPES = 8
N_DIM = 128
E_DIM = 64
NLAYERS = 6
E_RCUT = 6.0
E_RCUT_SMTH = 5.0
E_SEL = 120
AXIS = 4
SEL_RED = 10.0
NLOC = 8192

def _silu(x):
    return x * jax.nn.sigmoid(x)

def _switch(r):
    uu = jnp.clip((r - E_RCUT_SMTH) / (E_RCUT - E_RCUT_SMTH), 0.0, 1.0)
    return uu * uu * uu * (-6.0 * uu * uu + 15.0 * uu - 10.0) + 1.0

def setup_inputs(seed: int = 0):
    key = jax.random.key(seed)
    ks = jax.random.split(key, 12)
    s = 0.05
    extended_coord = jax.random.uniform(ks[0], (1, NLOC, 3), dtype=jnp.float32) * 12.0
    extended_atype = jax.random.randint(ks[1], (1, NLOC), 0, NTYPES)
    nlist = jax.random.randint(ks[2], (1, NLOC, E_SEL), 0, NLOC)
    type_table = jax.random.normal(ks[3], (NTYPES, N_DIM), dtype=jnp.float32) * s
    W_edge = jax.random.normal(ks[4], (4, E_DIM), dtype=jnp.float32) * s
    b_edge = jnp.zeros((E_DIM,), dtype=jnp.float32)
    W_eg = jax.random.normal(ks[5], (NLAYERS, E_DIM, N_DIM), dtype=jnp.float32) * s
    W_node = jax.random.normal(ks[6], (NLAYERS, N_DIM, N_DIM), dtype=jnp.float32) * s
    W_self = jax.random.normal(ks[7], (NLAYERS, N_DIM, N_DIM), dtype=jnp.float32) * s
    W_ee = jax.random.normal(ks[8], (NLAYERS, E_DIM, E_DIM), dtype=jnp.float32) * s
    W_ne = jax.random.normal(ks[9], (NLAYERS, N_DIM, E_DIM), dtype=jnp.float32) * s
    return {"extended_coord": extended_coord, "extended_atype": extended_atype, "nlist": nlist, "type_table": type_table, "W_edge": W_edge, "b_edge": b_edge, "W_eg": W_eg, "W_node": W_node, "W_self": W_self, "W_ee": W_ee, "W_ne": W_ne}

def reference(extended_coord, extended_atype, nlist, type_table, W_edge, b_edge, W_eg, W_node, W_self, W_ee, W_ne):
    coord = extended_coord[0]
    atype = extended_atype[0]
    nl = nlist[0]
    # type embedding -> initial node representation
    node = jnp.take(type_table, atype, axis=0)  # [nloc, n_dim]
    # environment matrix from neighbor list (gather)
    cnb = jnp.take(coord, nl, axis=0)  # [nloc, nnei, 3]
    diff = cnb - coord[:, None, :]
    dist = jnp.sqrt(jnp.sum(diff * diff, axis=-1) + 1e-12)
    sw = _switch(dist)
    inv = 1.0 / (dist + 1e-6)
    h2 = jnp.concatenate([(sw * inv)[..., None], (sw * inv * inv)[..., None] * diff], axis=-1)  # [nloc, nnei, 4]
    # initial edge representation
    edge = _silu(h2 @ W_edge + b_edge)  # [nloc, nnei, e_dim]
    nnei_norm = E_SEL / SEL_RED
    for l in range(NLAYERS):
        node_nb = jnp.take(node, nl, axis=0)  # gather neighbor node feats [nloc, nnei, n_dim]
        gate = edge @ W_eg[l]
        msg = node_nb * gate * sw[..., None]
        agg = jnp.sum(msg, axis=1) / nnei_norm  # neighbor reduce with sel_reduce_factor norm
        node = node + _silu(agg @ W_node[l] + node @ W_self[l])
        pair = node[:, None, :] + jnp.take(node, nl, axis=0)
        edge = edge + _silu(edge @ W_ee[l] + pair @ W_ne[l]) * sw[..., None]
    # symmetrization op (axis_neuron)
    gr = jnp.einsum('nik,nid->nkd', h2, edge) / float(E_SEL)  # [nloc, 4, e_dim]
    sub = gr[:, :, :AXIS]  # [nloc, 4, axis]
    grrg = jnp.einsum('nkd,nka->nda', gr, sub).reshape(NLOC, E_DIM * AXIS)
    out = jnp.concatenate([node, grrg], axis=-1)  # [nloc, n_dim + e_dim*axis]
    return out[None]

if __name__ == "__main__":
    import jax
    _d = setup_inputs()
    print(jax.jit(kernel)(*tuple(_d.values())))

</pallas_src>

<mosaic_0001>
#map = affine_map<(d0, d1) -> (0, 0)>
#map1 = affine_map<(d0, d1) -> (0)>
module attributes {stable_mosaic.version = 14 : i64} {
  func.func @k(%arg0: i32, %arg1: i32, %arg2: memref<8192x128xf32, #tpu.memory_space<hbm>>, %arg3: memref<983040xi32, #tpu.memory_space<hbm>>, %arg4: memref<983040x128xf32, #tpu.memory_space<hbm>>, %arg5: memref<30720xi32, #tpu.memory_space<vmem>>, %arg6: memref<256x128xf32, #tpu.memory_space<vmem>>, %arg7: memref<256x128xf32, #tpu.memory_space<vmem>>, %arg8: memref<!tpu.dma_semaphore, #tpu.memory_space<semaphore_mem>>, %arg9: memref<!tpu.dma_semaphore, #tpu.memory_space<semaphore_mem>>) attributes {dimension_semantics = [#tpu.dimension_semantics<core_parallel>, #tpu.dimension_semantics<subcore_parallel>], iteration_bounds = array<i64: 2, 16>, scalar_prefetch = 0 : i64, scratch_operands = 5 : i64, tpu.core_type = #tpu.core_type<sc_vector_subcore>, window_params = [{transform_indices = #map}, {transform_indices = #map1}, {transform_indices = #map}]} {
    %mul3A = arith.constant 2 : i32
    %mul3A_0 = arith.muli %arg1, %mul3A : i32
    %add3A = arith.addi %mul3A_0, %arg0 : i32
    %mul3A_1 = arith.constant 30720 : i32
    %mul3A_2 = arith.muli %add3A, %mul3A_1 : i32
    "tpu.region"() ({
      %run_scoped3A = tpu.sem_alloc : memref<!tpu.dma_semaphore, #tpu.memory_space<semaphore_mem>>
      %dma_start3A_11 = tpu.memref_slice %arg3[%mul3A_2] : memref<983040xi32, #tpu.memory_space<hbm>> -> memref<30720xi32, #tpu.memory_space<hbm>>
      %dma_start3A_12 = tpu.memref_slice %arg3[%mul3A_2] : memref<983040xi32, #tpu.memory_space<hbm>> -> memref<30720xi32, #tpu.memory_space<hbm>>
      tpu.enqueue_dma source(%dma_start3A_12 : memref<30720xi32, #tpu.memory_space<hbm>>) target(%arg5 : memref<30720xi32, #tpu.memory_space<vmem>>) target_semaphore(%run_scoped3A : memref<!tpu.dma_semaphore, #tpu.memory_space<semaphore_mem>>)
      %dma_wait3A = tpu.memref_slice %arg3[%mul3A_2] : memref<983040xi32, #tpu.memory_space<hbm>> -> memref<30720xi32, #tpu.memory_space<hbm>>
      %dma_wait3A_13 = tpu.memref_slice %arg3[%mul3A_2] : memref<983040xi32, #tpu.memory_space<hbm>> -> memref<30720xi32, #tpu.memory_space<hbm>>
      tpu.wait_dma2 semaphore(%run_scoped3A : memref<!tpu.dma_semaphore, #tpu.memory_space<semaphore_mem>>) src(%dma_wait3A_13 : memref<30720xi32, #tpu.memory_space<hbm>>) dst(%arg5 : memref<30720xi32, #tpu.memory_space<vmem>>)
      tpu.yield
    }) : () -> ()
    %dma_start3A = arith.constant 0 : i32
    %dma_start3A_3 = tpu.memref_slice %arg5[%dma_start3A] : memref<30720xi32, #tpu.memory_space<vmem>> -> memref<256xi32, #tpu.memory_space<vmem>>
    %dma_start3A_4 = arith.constant 0 : i32
    %dma_start3A_5 = arith.constant 0 : i32
    %dma_start3A_6 = tpu.memref_slice %arg2[%dma_start3A_4, %dma_start3A_5] : memref<8192x128xf32, #tpu.memory_space<hbm>> -> memref<8192x128xf32, #tpu.memory_space<hbm>>
    tpu.enqueue_indirect_dma source(%dma_start3A_6 : memref<8192x128xf32, #tpu.memory_space<hbm>>) target(%arg6 : memref<256x128xf32, #tpu.memory_space<vmem>>) offsets(%dma_start3A_3 : memref<256xi32, #tpu.memory_space<vmem>>) semaphore(%arg8 : memref<!tpu.dma_semaphore, #tpu.memory_space<semaphore_mem>>)
    %scan3A = arith.constant 0 : i32
    %scan3A_7 = arith.constant 60 : i32
    %scan3A_8 = arith.addi %scan3A, %scan3A_7 : i32
    %scan3A_9 = arith.constant 1 : i32
    scf.for %scan3A_11 = %scan3A to %scan3A_8 step %scan3A_9  : i32 {
      %mul3A_12 = arith.constant 2 : i32
      %mul3A_13 = arith.muli %scan3A_11, %mul3A_12 : i32
      %add3A_14 = arith.constant 0 : i32
      %add3A_15 = arith.addi %add3A_14, %mul3A_13 : i32
      %add3A_16 = arith.constant 0 : i32
      %add3A_17 = arith.addi %add3A_15, %add3A_16 : i32
      %lt3A = arith.constant 120 : i32
      %lt3A_18 = arith.cmpi slt, %add3A_17, %lt3A : i32
      %convert_element_type3A = arith.extui %lt3A_18 : i1 to i32
      %cond3A = arith.constant 0 : i32
      %cond3A_19 = arith.cmpi ne, %convert_element_type3A, %cond3A : i32
      scf.if %cond3A_19 {
        %add3A_27 = arith.constant 1 : i32
        %add3A_28 = arith.addi %add3A_17, %add3A_27 : i32
        %lt3A_29 = arith.constant 120 : i32
        %lt3A_30 = arith.cmpi slt, %add3A_28, %lt3A_29 : i32
        %convert_element_type3A_31 = arith.extui %lt3A_30 : i1 to i32
        %cond3A_32 = arith.constant 0 : i32
        %cond3A_33 = arith.cmpi ne, %convert_element_type3A_31, %cond3A_32 : i32
        scf.if %cond3A_33 {
          %add3A_42 = arith.constant 1 : i32
          %add3A_43 = arith.addi %add3A_17, %add3A_42 : i32
          %mul3A_44 = arith.constant 256 : i32
          %mul3A_45 = arith.muli %add3A_43, %mul3A_44 : i32
          %dma_start3A_46 = tpu.memref_slice %arg5[%mul3A_45] : memref<30720xi32, #tpu.memory_space<vmem>> -> memref<256xi32, #tpu.memory_space<vmem>>
          %dma_start3A_47 = arith.constant 0 : i32
          %dma_start3A_48 = arith.constant 0 : i32
          %dma_start3A_49 = tpu.memref_slice %arg2[%dma_start3A_47, %dma_start3A_48] : memref<8192x128xf32, #tpu.memory_space<hbm>> -> memref<8192x128xf32, #tpu.memory_space<hbm>>
          tpu.enqueue_indirect_dma source(%dma_start3A_49 : memref<8192x128xf32, #tpu.memory_space<hbm>>) target(%arg7 : memref<256x128xf32, #tpu.memory_space<vmem>>) offsets(%dma_start3A_46 : memref<256xi32, #tpu.memory_space<vmem>>) semaphore(%arg9 : memref<!tpu.dma_semaphore, #tpu.memory_space<semaphore_mem>>)
        } else {
        }
        %mul3A_34 = arith.constant 256 : i32
        %mul3A_35 = arith.muli %add3A_17, %mul3A_34 : i32
        %dma_wait3A = tpu.memref_slice %arg5[%mul3A_35] : memref<30720xi32, #tpu.memory_space<vmem>> -> memref<256xi32, #tpu.memory_space<vmem>>
        %dma_wait3A_36 = arith.constant 0 : i32
        %dma_wait3A_37 = arith.constant 0 : i32
        %dma_wait3A_38 = tpu.memref_slice %arg2[%dma_wait3A_36, %dma_wait3A_37] : memref<8192x128xf32, #tpu.memory_space<hbm>> -> memref<8192x128xf32, #tpu.memory_space<hbm>>
        tpu.wait_indirect_dma semaphore(%arg8 : memref<!tpu.dma_semaphore, #tpu.memory_space<semaphore_mem>>) src(%dma_wait3A_38 : memref<8192x128xf32, #tpu.memory_space<hbm>>) dst(%arg6 : memref<256x128xf32, #tpu.memory_space<vmem>>)
        %mul3A_39 = arith.constant 256 : i32
        %mul3A_40 = arith.muli %add3A_17, %mul3A_39 : i32
        %add3A_41 = arith.addi %mul3A_2, %mul3A_40 : i32
        "tpu.region"() ({
          %run_scoped3A = tpu.sem_alloc : memref<!tpu.dma_semaphore, #tpu.memory_space<semaphore_mem>>
          %dma_start3A_42 = arith.constant 0 : i32
          %dma_start3A_43 = tpu.memref_slice %arg4[%add3A_41, %dma_start3A_42] : memref<983040x128xf32, #tpu.memory_space<hbm>> -> memref<256x128xf32, #tpu.memory_space<hbm>>
          %dma_start3A_44 = arith.constant 0 : i32
          %dma_start3A_45 = tpu.memref_slice %arg4[%add3A_41, %dma_start3A_44] : memref<983040x128xf32, #tpu.memory_space<hbm>> -> memref<256x128xf32, #tpu.memory_space<hbm>>
          tpu.enqueue_dma source(%arg6 : memref<256x128xf32, #tpu.memory_space<vmem>>) target(%dma_start3A_45 : memref<256x128xf32, #tpu.memory_space<hbm>>) target_semaphore(%run_scoped3A : memref<!tpu.dma_semaphore, #tpu.memory_space<semaphore_mem>>)
          %dma_wait3A_46 = arith.constant 0 : i32
          %dma_wait3A_47 = tpu.memref_slice %arg4[%add3A_41, %dma_wait3A_46] : memref<983040x128xf32, #tpu.memory_space<hbm>> -> memref<256x128xf32, #tpu.memory_space<hbm>>
          %dma_wait3A_48 = arith.constant 0 : i32
          %dma_wait3A_49 = tpu.memref_slice %arg4[%add3A_41, %dma_wait3A_48] : memref<983040x128xf32, #tpu.memory_space<hbm>> -> memref<256x128xf32, #tpu.memory_space<hbm>>
          tpu.wait_dma2 semaphore(%run_scoped3A : memref<!tpu.dma_semaphore, #tpu.memory_space<semaphore_mem>>) src(%arg6 : memref<256x128xf32, #tpu.memory_space<vmem>>) dst(%dma_wait3A_49 : memref<256x128xf32, #tpu.memory_space<hbm>>)
          tpu.yield
        }) : () -> ()
      } else {
      }
      %add3A_20 = arith.constant 1 : i32
      %add3A_21 = arith.addi %add3A_15, %add3A_20 : i32
      %lt3A_22 = arith.constant 120 : i32
      %lt3A_23 = arith.cmpi slt, %add3A_21, %lt3A_22 : i32
      %convert_element_type3A_24 = arith.extui %lt3A_23 : i1 to i32
      %cond3A_25 = arith.constant 0 : i32
      %cond3A_26 = arith.cmpi ne, %convert_element_type3A_24, %cond3A_25 : i32
      scf.if %cond3A_26 {
        %add3A_27 = arith.constant 1 : i32
        %add3A_28 = arith.addi %add3A_21, %add3A_27 : i32
        %lt3A_29 = arith.constant 120 : i32
        %lt3A_30 = arith.cmpi slt, %add3A_28, %lt3A_29 : i32
        %convert_element_type3A_31 = arith.extui %lt3A_30 : i1 to i32
        %cond3A_32 = arith.constant 0 : i32
        %cond3A_33 = arith.cmpi ne, %convert_element_type3A_31, %cond3A_32 : i32
        scf.if %cond3A_33 {
          %add3A_42 = arith.constant 1 : i32
          %add3A_43 = arith.addi %add3A_21, %add3A_42 : i32
          %mul3A_44 = arith.constant 256 : i32
          %mul3A_45 = arith.muli %add3A_43, %mul3A_44 : i32
          %dma_start3A_46 = tpu.memref_slice %arg5[%mul3A_45] : memref<30720xi32, #tpu.memory_space<vmem>> -> memref<256xi32, #tpu.memory_space<vmem>>
          %dma_start3A_47 = arith.constant 0 : i32
          %dma_start3A_48 = arith.constant 0 : i32
          %dma_start3A_49 = tpu.memref_slice %arg2[%dma_start3A_47, %dma_start3A_48] : memref<8192x128xf32, #tpu.memory_space<hbm>> -> memref<8192x128xf32, #tpu.memory_space<hbm>>
          tpu.enqueue_indirect_dma source(%dma_start3A_49 : memref<8192x128xf32, #tpu.memory_space<hbm>>) target(%arg6 : memref<256x128xf32, #tpu.memory_space<vmem>>) offsets(%dma_start3A_46 : memref<256xi32, #tpu.memory_space<vmem>>) semaphore(%arg8 : memref<!tpu.dma_semaphore, #tpu.memory_space<semaphore_mem>>)
        } else {
        }
        %mul3A_34 = arith.constant 256 : i32
        %mul3A_35 = arith.muli %add3A_21, %mul3A_34 : i32
        %dma_wait3A = tpu.memref_slice %arg5[%mul3A_35] : memref<30720xi32, #tpu.memory_space<vmem>> -> memref<256xi32, #tpu.memory_space<vmem>>
        %dma_wait3A_36 = arith.constant 0 : i32
        %dma_wait3A_37 = arith.constant 0 : i32
        %dma_wait3A_38 = tpu.memref_slice %arg2[%dma_wait3A_36, %dma_wait3A_37] : memref<8192x128xf32, #tpu.memory_space<hbm>> -> memref<8192x128xf32, #tpu.memory_space<hbm>>
        tpu.wait_indirect_dma semaphore(%arg9 : memref<!tpu.dma_semaphore, #tpu.memory_space<semaphore_mem>>) src(%dma_wait3A_38 : memref<8192x128xf32, #tpu.memory_space<hbm>>) dst(%arg7 : memref<256x128xf32, #tpu.memory_space<vmem>>)
        %mul3A_39 = arith.constant 256 : i32
        %mul3A_40 = arith.muli %add3A_21, %mul3A_39 : i32
        %add3A_41 = arith.addi %mul3A_2, %mul3A_40 : i32
        "tpu.region"() ({
          %run_scoped3A = tpu.sem_alloc : memref<!tpu.dma_semaphore, #tpu.memory_space<semaphore_mem>>
          %dma_start3A_42 = arith.constant 0 : i32
          %dma_start3A_43 = tpu.memref_slice %arg4[%add3A_41, %dma_start3A_42] : memref<983040x128xf32, #tpu.memory_space<hbm>> -> memref<256x128xf32, #tpu.memory_space<hbm>>
          %dma_start3A_44 = arith.constant 0 : i32
          %dma_start3A_45 = tpu.memref_slice %arg4[%add3A_41, %dma_start3A_44] : memref<983040x128xf32, #tpu.memory_space<hbm>> -> memref<256x128xf32, #tpu.memory_space<hbm>>
          tpu.enqueue_dma source(%arg7 : memref<256x128xf32, #tpu.memory_space<vmem>>) target(%dma_start3A_45 : memref<256x128xf32, #tpu.memory_space<hbm>>) target_semaphore(%run_scoped3A : memref<!tpu.dma_semaphore, #tpu.memory_space<semaphore_mem>>)
          %dma_wait3A_46 = arith.constant 0 : i32
          %dma_wait3A_47 = tpu.memref_slice %arg4[%add3A_41, %dma_wait3A_46] : memref<983040x128xf32, #tpu.memory_space<hbm>> -> memref<256x128xf32, #tpu.memory_space<hbm>>
          %dma_wait3A_48 = arith.constant 0 : i32
          %dma_wait3A_49 = tpu.memref_slice %arg4[%add3A_41, %dma_wait3A_48] : memref<983040x128xf32, #tpu.memory_space<hbm>> -> memref<256x128xf32, #tpu.memory_space<hbm>>
          tpu.wait_dma2 semaphore(%run_scoped3A : memref<!tpu.dma_semaphore, #tpu.memory_space<semaphore_mem>>) src(%arg7 : memref<256x128xf32, #tpu.memory_space<vmem>>) dst(%dma_wait3A_49 : memref<256x128xf32, #tpu.memory_space<hbm>>)
          tpu.yield
        }) : () -> ()
      } else {
      }
    }
    %scan3A_10 = arith.constant 60 : i32
    return
  }
}

#map = affine_map<(d0, d1) -> (0, 0)>
#map1 = affine_map<(d0, d1) -> (0)>
module attributes {stable_mosaic.version = 14 : i64} {
  func.func @k(%arg0: i32, %arg1: i32, %arg2: memref<8192x128xf32, #tpu.memory_space<hbm>>, %arg3: memref<983040xi32, #tpu.memory_space<hbm>>, %arg4: memref<983040x128xf32, #tpu.memory_space<hbm>>, %arg5: memref<30720xi32, #tpu.memory_space<vmem>>, %arg6: memref<256x128xf32, #tpu.memory_space<vmem>>, %arg7: memref<256x128xf32, #tpu.memory_space<vmem>>, %arg8: memref<!tpu.dma_semaphore, #tpu.memory_space<semaphore_mem>>, %arg9: memref<!tpu.dma_semaphore, #tpu.memory_space<semaphore_mem>>) attributes {dimension_semantics = [#tpu.dimension_semantics<core_parallel>, #tpu.dimension_semantics<subcore_parallel>], iteration_bounds = array<i64: 2, 16>, scalar_prefetch = 0 : i64, scratch_operands = 5 : i64, tpu.core_type = #tpu.core_type<sc_vector_subcore>, window_params = [{transform_indices = #map}, {transform_indices = #map1}, {transform_indices = #map}]} {
    %mul3A = arith.constant 2 : i32
    %mul3A_0 = arith.muli %arg1, %mul3A : i32
    %add3A = arith.addi %mul3A_0, %arg0 : i32
    %mul3A_1 = arith.constant 30720 : i32
    %mul3A_2 = arith.muli %add3A, %mul3A_1 : i32
    "tpu.region"() ({
      %run_scoped3A = tpu.sem_alloc : memref<!tpu.dma_semaphore, #tpu.memory_space<semaphore_mem>>
      %dma_start3A_11 = tpu.memref_slice %arg3[%mul3A_2] : memref<983040xi32, #tpu.memory_space<hbm>> -> memref<30720xi32, #tpu.memory_space<hbm>>
      %dma_start3A_12 = tpu.memref_slice %arg3[%mul3A_2] : memref<983040xi32, #tpu.memory_space<hbm>> -> memref<30720xi32, #tpu.memory_space<hbm>>
      tpu.enqueue_dma source(%dma_start3A_12 : memref<30720xi32, #tpu.memory_space<hbm>>) target(%arg5 : memref<30720xi32, #tpu.memory_space<vmem>>) target_semaphore(%run_scoped3A : memref<!tpu.dma_semaphore, #tpu.memory_space<semaphore_mem>>)
      %dma_wait3A = tpu.memref_slice %arg3[%mul3A_2] : memref<983040xi32, #tpu.memory_space<hbm>> -> memref<30720xi32, #tpu.memory_space<hbm>>
      %dma_wait3A_13 = tpu.memref_slice %arg3[%mul3A_2] : memref<983040xi32, #tpu.memory_space<hbm>> -> memref<30720xi32, #tpu.memory_space<hbm>>
      tpu.wait_dma2 semaphore(%run_scoped3A : memref<!tpu.dma_semaphore, #tpu.memory_space<semaphore_mem>>) src(%dma_wait3A_13 : memref<30720xi32, #tpu.memory_space<hbm>>) dst(%arg5 : memref<30720xi32, #tpu.memory_space<vmem>>)
      tpu.yield
    }) : () -> ()
    %dma_start3A = arith.constant 0 : i32
    %dma_start3A_3 = tpu.memref_slice %arg5[%dma_start3A] : memref<30720xi32, #tpu.memory_space<vmem>> -> memref<256xi32, #tpu.memory_space<vmem>>
    %dma_start3A_4 = arith.constant 0 : i32
    %dma_start3A_5 = arith.constant 0 : i32
    %dma_start3A_6 = tpu.memref_slice %arg2[%dma_start3A_4, %dma_start3A_5] : memref<8192x128xf32, #tpu.memory_space<hbm>> -> memref<8192x128xf32, #tpu.memory_space<hbm>>
    tpu.enqueue_indirect_dma source(%dma_start3A_6 : memref<8192x128xf32, #tpu.memory_space<hbm>>) target(%arg6 : memref<256x128xf32, #tpu.memory_space<vmem>>) offsets(%dma_start3A_3 : memref<256xi32, #tpu.memory_space<vmem>>) semaphore(%arg8 : memref<!tpu.dma_semaphore, #tpu.memory_space<semaphore_mem>>)
    %scan3A = arith.constant 0 : i32
    %scan3A_7 = arith.constant 60 : i32
    %scan3A_8 = arith.addi %scan3A, %scan3A_7 : i32
    %scan3A_9 = arith.constant 1 : i32
    scf.for %scan3A_11 = %scan3A to %scan3A_8 step %scan3A_9  : i32 {
      %mul3A_12 = arith.constant 2 : i32
      %mul3A_13 = arith.muli %scan3A_11, %mul3A_12 : i32
      %add3A_14 = arith.constant 0 : i32
      %add3A_15 = arith.addi %add3A_14, %mul3A_13 : i32
      %add3A_16 = arith.constant 0 : i32
      %add3A_17 = arith.addi %add3A_15, %add3A_16 : i32
      %lt3A = arith.constant 120 : i32
      %lt3A_18 = arith.cmpi slt, %add3A_17, %lt3A : i32
      %convert_element_type3A = arith.extui %lt3A_18 : i1 to i32
      %cond3A = arith.constant 0 : i32
      %cond3A_19 = arith.cmpi ne, %convert_element_type3A, %cond3A : i32
      scf.if %cond3A_19 {
        %add3A_27 = arith.constant 1 : i32
        %add3A_28 = arith.addi %add3A_17, %add3A_27 : i32
        %lt3A_29 = arith.constant 120 : i32
        %lt3A_30 = arith.cmpi slt, %add3A_28, %lt3A_29 : i32
        %convert_element_type3A_31 = arith.extui %lt3A_30 : i1 to i32
        %cond3A_32 = arith.constant 0 : i32
        %cond3A_33 = arith.cmpi ne, %convert_element_type3A_31, %cond3A_32 : i32
        scf.if %cond3A_33 {
          %add3A_42 = arith.constant 1 : i32
          %add3A_43 = arith.addi %add3A_17, %add3A_42 : i32
          %mul3A_44 = arith.constant 256 : i32
          %mul3A_45 = arith.muli %add3A_43, %mul3A_44 : i32
          %dma_start3A_46 = tpu.memref_slice %arg5[%mul3A_45] : memref<30720xi32, #tpu.memory_space<vmem>> -> memref<256xi32, #tpu.memory_space<vmem>>
          %dma_start3A_47 = arith.constant 0 : i32
          %dma_start3A_48 = arith.constant 0 : i32
          %dma_start3A_49 = tpu.memref_slice %arg2[%dma_start3A_47, %dma_start3A_48] : memref<8192x128xf32, #tpu.memory_space<hbm>> -> memref<8192x128xf32, #tpu.memory_space<hbm>>
          tpu.enqueue_indirect_dma source(%dma_start3A_49 : memref<8192x128xf32, #tpu.memory_space<hbm>>) target(%arg7 : memref<256x128xf32, #tpu.memory_space<vmem>>) offsets(%dma_start3A_46 : memref<256xi32, #tpu.memory_space<vmem>>) semaphore(%arg9 : memref<!tpu.dma_semaphore, #tpu.memory_space<semaphore_mem>>)
        } else {
        }
        %mul3A_34 = arith.constant 256 : i32
        %mul3A_35 = arith.muli %add3A_17, %mul3A_34 : i32
        %dma_wait3A = tpu.memref_slice %arg5[%mul3A_35] : memref<30720xi32, #tpu.memory_space<vmem>> -> memref<256xi32, #tpu.memory_space<vmem>>
        %dma_wait3A_36 = arith.constant 0 : i32
        %dma_wait3A_37 = arith.constant 0 : i32
        %dma_wait3A_38 = tpu.memref_slice %arg2[%dma_wait3A_36, %dma_wait3A_37] : memref<8192x128xf32, #tpu.memory_space<hbm>> -> memref<8192x128xf32, #tpu.memory_space<hbm>>
        tpu.wait_indirect_dma semaphore(%arg8 : memref<!tpu.dma_semaphore, #tpu.memory_space<semaphore_mem>>) src(%dma_wait3A_38 : memref<8192x128xf32, #tpu.memory_space<hbm>>) dst(%arg6 : memref<256x128xf32, #tpu.memory_space<vmem>>)
        %mul3A_39 = arith.constant 256 : i32
        %mul3A_40 = arith.muli %add3A_17, %mul3A_39 : i32
        %add3A_41 = arith.addi %mul3A_2, %mul3A_40 : i32
        "tpu.region"() ({
          %run_scoped3A = tpu.sem_alloc : memref<!tpu.dma_semaphore, #tpu.memory_space<semaphore_mem>>
          %dma_start3A_42 = arith.constant 0 : i32
          %dma_start3A_43 = tpu.memref_slice %arg4[%add3A_41, %dma_start3A_42] : memref<983040x128xf32, #tpu.memory_space<hbm>> -> memref<256x128xf32, #tpu.memory_space<hbm>>
          %dma_start3A_44 = arith.constant 0 : i32
          %dma_start3A_45 = tpu.memref_slice %arg4[%add3A_41, %dma_start3A_44] : memref<983040x128xf32, #tpu.memory_space<hbm>> -> memref<256x128xf32, #tpu.memory_space<hbm>>
          tpu.enqueue_dma source(%arg6 : memref<256x128xf32, #tpu.memory_space<vmem>>) target(%dma_start3A_45 : memref<256x128xf32, #tpu.memory_space<hbm>>) target_semaphore(%run_scoped3A : memref<!tpu.dma_semaphore, #tpu.memory_space<semaphore_mem>>)
          %dma_wait3A_46 = arith.constant 0 : i32
          %dma_wait3A_47 = tpu.memref_slice %arg4[%add3A_41, %dma_wait3A_46] : memref<983040x128xf32, #tpu.memory_space<hbm>> -> memref<256x128xf32, #tpu.memory_space<hbm>>
          %dma_wait3A_48 = arith.constant 0 : i32
          %dma_wait3A_49 = tpu.memref_slice %arg4[%add3A_41, %dma_wait3A_48] : memref<983040x128xf32, #tpu.memory_space<hbm>> -> memref<256x128xf32, #tpu.memory_space<hbm>>
          tpu.wait_dma2 semaphore(%run_scoped3A : memref<!tpu.dma_semaphore, #tpu.memory_space<semaphore_mem>>) src(%arg6 : memref<256x128xf32, #tpu.memory_space<vmem>>) dst(%dma_wait3A_49 : memref<256x128xf32, #tpu.memory_space<hbm>>)
          tpu.yield
        }) : () -> ()
      } else {
      }
      %add3A_20 = arith.constant 1 : i32
      %add3A_21 = arith.addi %add3A_15, %add3A_20 : i32
      %lt3A_22 = arith.constant 120 : i32
      %lt3A_23 = arith.cmpi slt, %add3A_21, %lt3A_22 : i32
      %convert_element_type3A_24 = arith.extui %lt3A_23 : i1 to i32
      %cond3A_25 = arith.constant 0 : i32
      %cond3A_26 = arith.cmpi ne, %convert_element_type3A_24, %cond3A_25 : i32
      scf.if %cond3A_26 {
        %add3A_27 = arith.constant 1 : i32
        %add3A_28 = arith.addi %add3A_21, %add3A_27 : i32
        %lt3A_29 = arith.constant 120 : i32
        %lt3A_30 = arith.cmpi slt, %add3A_28, %lt3A_29 : i32
        %convert_element_type3A_31 = arith.extui %lt3A_30 : i1 to i32
        %cond3A_32 = arith.constant 0 : i32
        %cond3A_33 = arith.cmpi ne, %convert_element_type3A_31, %cond3A_32 : i32
        scf.if %cond3A_33 {
          %add3A_42 = arith.constant 1 : i32
          %add3A_43 = arith.addi %add3A_21, %add3A_42 : i32
          %mul3A_44 = arith.constant 256 : i32
          %mul3A_45 = arith.muli %add3A_43, %mul3A_44 : i32
          %dma_start3A_46 = tpu.memref_slice %arg5[%mul3A_45] : memref<30720xi32, #tpu.memory_space<vmem>> -> memref<256xi32, #tpu.memory_space<vmem>>
          %dma_start3A_47 = arith.constant 0 : i32
          %dma_start3A_48 = arith.constant 0 : i32
          %dma_start3A_49 = tpu.memref_slice %arg2[%dma_start3A_47, %dma_start3A_48] : memref<8192x128xf32, #tpu.memory_space<hbm>> -> memref<8192x128xf32, #tpu.memory_space<hbm>>
          tpu.enqueue_indirect_dma source(%dma_start3A_49 : memref<8192x128xf32, #tpu.memory_space<hbm>>) target(%arg6 : memref<256x128xf32, #tpu.memory_space<vmem>>) offsets(%dma_start3A_46 : memref<256xi32, #tpu.memory_space<vmem>>) semaphore(%arg8 : memref<!tpu.dma_semaphore, #tpu.memory_space<semaphore_mem>>)
        } else {
        }
        %mul3A_34 = arith.constant 256 : i32
        %mul3A_35 = arith.muli %add3A_21, %mul3A_34 : i32
        %dma_wait3A = tpu.memref_slice %arg5[%mul3A_35] : memref<30720xi32, #tpu.memory_space<vmem>> -> memref<256xi32, #tpu.memory_space<vmem>>
        %dma_wait3A_36 = arith.constant 0 : i32
        %dma_wait3A_37 = arith.constant 0 : i32
        %dma_wait3A_38 = tpu.memref_slice %arg2[%dma_wait3A_36, %dma_wait3A_37] : memref<8192x128xf32, #tpu.memory_space<hbm>> -> memref<8192x128xf32, #tpu.memory_space<hbm>>
        tpu.wait_indirect_dma semaphore(%arg9 : memref<!tpu.dma_semaphore, #tpu.memory_space<semaphore_mem>>) src(%dma_wait3A_38 : memref<8192x128xf32, #tpu.memory_space<hbm>>) dst(%arg7 : memref<256x128xf32, #tpu.memory_space<vmem>>)
        %mul3A_39 = arith.constant 256 : i32
        %mul3A_40 = arith.muli %add3A_21, %mul3A_39 : i32
        %add3A_41 = arith.addi %mul3A_2, %mul3A_40 : i32
        "tpu.region"() ({
          %run_scoped3A = tpu.sem_alloc : memref<!tpu.dma_semaphore, #tpu.memory_space<semaphore_mem>>
          %dma_start3A_42 = arith.constant 0 : i32
          %dma_start3A_43 = tpu.memref_slice %arg4[%add3A_41, %dma_start3A_42] : memref<983040x128xf32, #tpu.memory_space<hbm>> -> memref<256x128xf32, #tpu.memory_space<hbm>>
          %dma_start3A_44 = arith.constant 0 : i32
          %dma_start3A_45 = tpu.memref_slice %arg4[%add3A_41, %dma_start3A_44] : memref<983040x128xf32, #tpu.memory_space<hbm>> -> memref<256x128xf32, #tpu.memory_space<hbm>>
          tpu.enqueue_dma source(%arg7 : memref<256x128xf32, #tpu.memory_space<vmem>>) target(%dma_start3A_45 : memref<256x128xf32, #tpu.memory_space<hbm>>) target_semaphore(%run_scoped3A : memref<!tpu.dma_semaphore, #tpu.memory_space<semaphore_mem>>)
          %dma_wait3A_46 = arith.constant 0 : i32
          %dma_wait3A_47 = tpu.memref_slice %arg4[%add3A_41, %dma_wait3A_46] : memref<983040x128xf32, #tpu.memory_space<hbm>> -> memref<256x128xf32, #tpu.memory_space<hbm>>
          %dma_wait3A_48 = arith.constant 0 : i32
          %dma_wait3A_49 = tpu.memref_slice %arg4[%add3A_41, %dma_wait3A_48] : memref<983040x128xf32, #tpu.memory_space<hbm>> -> memref<256x128xf32, #tpu.memory_space<hbm>>
          tpu.wait_dma2 semaphore(%run_scoped3A : memref<!tpu.dma_semaphore, #tpu.memory_space<semaphore_mem>>) src(%arg7 : memref<256x128xf32, #tpu.memory_space<vmem>>) dst(%dma_wait3A_49 : memref<256x128xf32, #tpu.memory_space<hbm>>)
          tpu.yield
        }) : () -> ()
      } else {
      }
    }
    %scan3A_10 = arith.constant 60 : i32
    return
  }
}

#map = affine_map<(d0, d1) -> (0)>
module attributes {stable_mosaic.version = 14 : i64} {
  func.func @k(%arg0: i32, %arg1: i32, %arg2: memref<32768xf32, #tpu.memory_space<hbm>>, %arg3: memref<8192xi32, #tpu.memory_space<hbm>>, %arg4: memref<983040xi32, #tpu.memory_space<hbm>>, %arg5: memref<983040xf32, #tpu.memory_space<hbm>>, %arg6: memref<983040xf32, #tpu.memory_space<hbm>>, %arg7: memref<983040xf32, #tpu.memory_space<hbm>>, %arg8: memref<983040xi32, #tpu.memory_space<hbm>>, %arg9: memref<32768xf32, #tpu.memory_space<vmem>>, %arg10: memref<8192xi32, #tpu.memory_space<vmem>>, %arg11: memref<30720xi32, #tpu.memory_space<vmem>>, %arg12: memref<1024xf32, #tpu.memory_space<vmem>>, %arg13: memref<1024xf32, #tpu.memory_space<vmem>>, %arg14: memref<1024xf32, #tpu.memory_space<vmem>>, %arg15: memref<1024xi32, #tpu.memory_space<vmem>>) attributes {dimension_semantics = [#tpu.dimension_semantics<core_parallel>, #tpu.dimension_semantics<subcore_parallel>], iteration_bounds = array<i64: 2, 16>, scalar_prefetch = 0 : i64, scratch_operands = 7 : i64, tpu.core_type = #tpu.core_type<sc_vector_subcore>, window_params = [{transform_indices = #map}, {transform_indices = #map}, {transform_indices = #map}, {transform_indices = #map}, {transform_indices = #map}, {transform_indices = #map}, {transform_indices = #map}]} {
    %mul3A = arith.constant 2 : i32
    %mul3A_0 = arith.muli %arg1, %mul3A : i32
    %add3A = arith.addi %mul3A_0, %arg0 : i32
    %mul3A_1 = arith.constant 30720 : i32
    %mul3A_2 = arith.muli %add3A, %mul3A_1 : i32
    "tpu.region"() ({
      %run_scoped3A = tpu.sem_alloc : memref<!tpu.dma_semaphore, #tpu.memory_space<semaphore_mem>>
      tpu.enqueue_dma source(%arg2 : memref<32768xf32, #tpu.memory_space<hbm>>) target(%arg9 : memref<32768xf32, #tpu.memory_space<vmem>>) target_semaphore(%run_scoped3A : memref<!tpu.dma_semaphore, #tpu.memory_space<semaphore_mem>>)
      tpu.wait_dma2 semaphore(%run_scoped3A : memref<!tpu.dma_semaphore, #tpu.memory_space<semaphore_mem>>) src(%arg2 : memref<32768xf32, #tpu.memory_space<hbm>>) dst(%arg9 : memref<32768xf32, #tpu.memory_space<vmem>>)
      tpu.yield
    }) : () -> ()
    "tpu.region"() ({
      %run_scoped3A = tpu.sem_alloc : memref<!tpu.dma_semaphore, #tpu.memory_space<semaphore_mem>>
      tpu.enqueue_dma source(%arg3 : memref<8192xi32, #tpu.memory_space<hbm>>) target(%arg10 : memref<8192xi32, #tpu.memory_space<vmem>>) target_semaphore(%run_scoped3A : memref<!tpu.dma_semaphore, #tpu.memory_space<semaphore_mem>>)
      tpu.wait_dma2 semaphore(%run_scoped3A : memref<!tpu.dma_semaphore, #tpu.memory_space<semaphore_mem>>) src(%arg3 : memref<8192xi32, #tpu.memory_space<hbm>>) dst(%arg10 : memref<8192xi32, #tpu.memory_space<vmem>>)
      tpu.yield
    }) : () -> ()
    "tpu.region"() ({
      %run_scoped3A = tpu.sem_alloc : memref<!tpu.dma_semaphore, #tpu.memory_space<semaphore_mem>>
      %dma_start3A = tpu.memref_slice %arg4[%mul3A_2] : memref<983040xi32, #tpu.memory_space<hbm>> -> memref<30720xi32, #tpu.memory_space<hbm>>
      %dma_start3A_7 = tpu.memref_slice %arg4[%mul3A_2] : memref<983040xi32, #tpu.memory_space<hbm>> -> memref<30720xi32, #tpu.memory_space<hbm>>
      tpu.enqueue_dma source(%dma_start3A_7 : memref<30720xi32, #tpu.memory_space<hbm>>) target(%arg11 : memref<30720xi32, #tpu.memory_space<vmem>>) target_semaphore(%run_scoped3A : memref<!tpu.dma_semaphore, #tpu.memory_space<semaphore_mem>>)
      %dma_wait3A = tpu.memref_slice %arg4[%mul3A_2] : memref<983040xi32, #tpu.memory_space<hbm>> -> memref<30720xi32, #tpu.memory_space<hbm>>
      %dma_wait3A_8 = tpu.memref_slice %arg4[%mul3A_2] : memref<983040xi32, #tpu.memory_space<hbm>> -> memref<30720xi32, #tpu.memory_space<hbm>>
      tpu.wait_dma2 semaphore(%run_scoped3A : memref<!tpu.dma_semaphore, #tpu.memory_space<semaphore_mem>>) src(%dma_wait3A_8 : memref<30720xi32, #tpu.memory_space<hbm>>) dst(%arg11 : memref<30720xi32, #tpu.memory_space<vmem>>)
      tpu.yield
    }) : () -> ()
    %scan3A = arith.constant 0 : i32
    %scan3A_3 = arith.constant 30 : i32
    %scan3A_4 = arith.addi %scan3A, %scan3A_3 : i32
    %scan3A_5 = arith.constant 1 : i32
    scf.for %scan3A_7 = %scan3A to %scan3A_4 step %scan3A_5  : i32 {
      %mul3A_8 = arith.constant 1 : i32
      %mul3A_9 = arith.muli %scan3A_7, %mul3A_8 : i32
      %add3A_10 = arith.constant 0 : i32
      %add3A_11 = arith.addi %add3A_10, %mul3A_9 : i32
      %mul3A_12 = arith.constant 1024 : i32
      %mul3A_13 = arith.muli %add3A_11, %mul3A_12 : i32
      %add3A_14 = arith.addi %mul3A_2, %mul3A_13 : i32
      %parallel_loop3A = arith.constant 0 : i32
      %parallel_loop3A_15 = arith.constant 64 : i32
      %parallel_loop3A_16 = arith.constant 1 : i32
      scf.for %parallel_loop3A_17 = %parallel_loop3A to %parallel_loop3A_15 step %parallel_loop3A_16  : i32 {
        %parallel_loop3A_18 = arith.constant 1024 : i32
        %parallel_loop3A_19 = arith.muli %add3A_11, %parallel_loop3A_18 : i32
        %parallel_loop3A_20 = arith.constant 16 : i32
        %parallel_loop3A_21 = arith.muli %parallel_loop3A_17, %parallel_loop3A_20 : i32
        %parallel_loop3A_22 = arith.addi %parallel_loop3A_19, %parallel_loop3A_21 : i32
        %parallel_loop3A_23 = arith.index_cast %parallel_loop3A_22 : i32 to index
        %parallel_loop3A_24 = tpu.vector_load %arg11[%parallel_loop3A_23] {strides = array<i32>} : memref<30720xi32, #tpu.memory_space<vmem>>, vector<16xi32>,
        %parallel_loop3A_25 = arith.constant 4 : i32
        %parallel_loop3A_26 = vector.broadcast %parallel_loop3A_25 : i32 to vector<16xi32>
        %parallel_loop3A_27 = arith.muli %parallel_loop3A_24, %parallel_loop3A_26 : vector<16xi32>
        %parallel_loop3A_28 = tpu.vector_load_idx %arg9[%parallel_loop3A_27] : memref<32768xf32, #tpu.memory_space<vmem>>[vector<16xi32>], vector<16xf32>,
        %parallel_loop3A_29 = arith.constant 16 : i32
        %parallel_loop3A_30 = arith.muli %parallel_loop3A_17, %parallel_loop3A_29 : i32
        %parallel_loop3A_31 = arith.index_cast %parallel_loop3A_30 : i32 to index
        %parallel_loop3A_32 = tpu.vector_load %arg12[%parallel_loop3A_31] {strides = array<i32>} : memref<1024xf32, #tpu.memory_space<vmem>>, vector<16xf32>,
        tpu.vector_store %arg12[%parallel_loop3A_31], %parallel_loop3A_28 {strides = array<i32>} : memref<1024xf32, #tpu.memory_space<vmem>>, vector<16xf32>,
        %parallel_loop3A_33 = arith.constant 1 : i32
        %parallel_loop3A_34 = vector.broadcast %parallel_loop3A_33 : i32 to vector<16xi32>
        %parallel_loop3A_35 = arith.addi %parallel_loop3A_27, %parallel_loop3A_34 : vector<16xi32>
        %parallel_loop3A_36 = tpu.vector_load_idx %arg9[%parallel_loop3A_35] : memref<32768xf32, #tpu.memory_space<vmem>>[vector<16xi32>], vector<16xf32>,
        %parallel_loop3A_37 = arith.constant 16 : i32
        %parallel_loop3A_38 = arith.muli %parallel_loop3A_17, %parallel_loop3A_37 : i32
        %parallel_loop3A_39 = arith.index_cast %parallel_loop3A_38 : i32 to index
        %parallel_loop3A_40 = tpu.vector_load %arg13[%parallel_loop3A_39] {strides = array<i32>} : memref<1024xf32, #tpu.memory_space<vmem>>, vector<16xf32>,
        tpu.vector_store %arg13[%parallel_loop3A_39], %parallel_loop3A_36 {strides = array<i32>} : memref<1024xf32, #tpu.memory_space<vmem>>, vector<16xf32>,
        %parallel_loop3A_41 = arith.constant 2 : i32
        %parallel_loop3A_42 = vector.broadcast %parallel_loop3A_41 : i32 to vector<16xi32>
        %parallel_loop3A_43 = arith.addi %parallel_loop3A_27, %parallel_loop3A_42 : vector<16xi32>
        %parallel_loop3A_44 = tpu.vector_load_idx %arg9[%parallel_loop3A_43] : memref<32768xf32, #tpu.memory_space<vmem>>[vector<16xi32>], vector<16xf32>,
        %parallel_loop3A_45 = arith.constant 16 : i32
        %parallel_loop3A_46 = arith.muli %parallel_loop3A_17, %parallel_loop3A_45 : i32
        %parallel_loop3A_47 = arith.index_cast %parallel_loop3A_46 : i32 to index
        %parallel_loop3A_48 = tpu.vector_load %arg14[%parallel_loop3A_47] {strides = array<i32>} : memref<1024xf32, #tpu.memory_space<vmem>>, vector<16xf32>,
        tpu.vector_store %arg14[%parallel_loop3A_47], %parallel_loop3A_44 {strides = array<i32>} : memref<1024xf32, #tpu.memory_space<vmem>>, vector<16xf32>,
        %parallel_loop3A_49 = tpu.vector_load_idx %arg10[%parallel_loop3A_24] : memref<8192xi32, #tpu.memory_space<vmem>>[vector<16xi32>], vector<16xi32>,
        %parallel_loop3A_50 = arith.constant 16 : i32
        %parallel_loop3A_51 = arith.muli %parallel_loop3A_17, %parallel_loop3A_50 : i32
        %parallel_loop3A_52 = arith.index_cast %parallel_loop3A_51 : i32 to index
        %parallel_loop3A_53 = tpu.vector_load %arg15[%parallel_loop3A_52] {strides = array<i32>} : memref<1024xi32, #tpu.memory_space<vmem>>, vector<16xi32>,
        tpu.vector_store %arg15[%parallel_loop3A_52], %parallel_loop3A_49 {strides = array<i32>} : memref<1024xi32, #tpu.memory_space<vmem>>, vector<16xi32>,
      } {sc.loop_unroll_factor = 8 : i64, sc.parallel_access}
      "tpu.region"() ({
        %run_scoped3A = tpu.sem_alloc : memref<!tpu.dma_semaphore, #tpu.memory_space<semaphore_mem>>
        %dma_start3A = tpu.memref_slice %arg5[%add3A_14] : memref<983040xf32, #tpu.memory_space<hbm>> -> memref<1024xf32, #tpu.memory_space<hbm>>
        %dma_start3A_17 = tpu.memref_slice %arg5[%add3A_14] : memref<983040xf32, #tpu.memory_space<hbm>> -> memref<1024xf32, #tpu.memory_space<hbm>>
        tpu.enqueue_dma source(%arg12 : memref<1024xf32, #tpu.memory_space<vmem>>) target(%dma_start3A_17 : memref<1024xf32, #tpu.memory_space<hbm>>) target_semaphore(%run_scoped3A : memref<!tpu.dma_semaphore, #tpu.memory_space<semaphore_mem>>)
        %dma_wait3A = tpu.memref_slice %arg5[%add3A_14] : memref<983040xf32, #tpu.memory_space<hbm>> -> memref<1024xf32, #tpu.memory_space<hbm>>
        %dma_wait3A_18 = tpu.memref_slice %arg5[%add3A_14] : memref<983040xf32, #tpu.memory_space<hbm>> -> memref<1024xf32, #tpu.memory_space<hbm>>
        tpu.wait_dma2 semaphore(%run_scoped3A : memref<!tpu.dma_semaphore, #tpu.memory_space<semaphore_mem>>) src(%arg12 : memref<1024xf32, #tpu.memory_space<vmem>>) dst(%dma_wait3A_18 : memref<1024xf32, #tpu.memory_space<hbm>>)
        tpu.yield
      }) : () -> ()
      "tpu.region"() ({
        %run_scoped3A = tpu.sem_alloc : memref<!tpu.dma_semaphore, #tpu.memory_space<semaphore_mem>>
        %dma_start3A = tpu.memref_slice %arg6[%add3A_14] : memref<983040xf32, #tpu.memory_space<hbm>> -> memref<1024xf32, #tpu.memory_space<hbm>>
        %dma_start3A_17 = tpu.memref_slice %arg6[%add3A_14] : memref<983040xf32, #tpu.memory_space<hbm>> -> memref<1024xf32, #tpu.memory_space<hbm>>
        tpu.enqueue_dma source(%arg13 : memref<1024xf32, #tpu.memory_space<vmem>>) target(%dma_start3A_17 : memref<1024xf32, #tpu.memory_space<hbm>>) target_semaphore(%run_scoped3A : memref<!tpu.dma_semaphore, #tpu.memory_space<semaphore_mem>>)
        %dma_wait3A = tpu.memref_slice %arg6[%add3A_14] : memref<983040xf32, #tpu.memory_space<hbm>> -> memref<1024xf32, #tpu.memory_space<hbm>>
        %dma_wait3A_18 = tpu.memref_slice %arg6[%add3A_14] : memref<983040xf32, #tpu.memory_space<hbm>> -> memref<1024xf32, #tpu.memory_space<hbm>>
        tpu.wait_dma2 semaphore(%run_scoped3A : memref<!tpu.dma_semaphore, #tpu.memory_space<semaphore_mem>>) src(%arg13 : memref<1024xf32, #tpu.memory_space<vmem>>) dst(%dma_wait3A_18 : memref<1024xf32, #tpu.memory_space<hbm>>)
        tpu.yield
      }) : () -> ()
      "tpu.region"() ({
        %run_scoped3A = tpu.sem_alloc : memref<!tpu.dma_semaphore, #tpu.memory_space<semaphore_mem>>
        %dma_start3A = tpu.memref_slice %arg7[%add3A_14] : memref<983040xf32, #tpu.memory_space<hbm>> -> memref<1024xf32, #tpu.memory_space<hbm>>
        %dma_start3A_17 = tpu.memref_slice %arg7[%add3A_14] : memref<983040xf32, #tpu.memory_space<hbm>> -> memref<1024xf32, #tpu.memory_space<hbm>>
        tpu.enqueue_dma source(%arg14 : memref<1024xf32, #tpu.memory_space<vmem>>) target(%dma_start3A_17 : memref<1024xf32, #tpu.memory_space<hbm>>) target_semaphore(%run_scoped3A : memref<!tpu.dma_semaphore, #tpu.memory_space<semaphore_mem>>)
        %dma_wait3A = tpu.memref_slice %arg7[%add3A_14] : memref<983040xf32, #tpu.memory_space<hbm>> -> memref<1024xf32, #tpu.memory_space<hbm>>
        %dma_wait3A_18 = tpu.memref_slice %arg7[%add3A_14] : memref<983040xf32, #tpu.memory_space<hbm>> -> memref<1024xf32, #tpu.memory_space<hbm>>
        tpu.wait_dma2 semaphore(%run_scoped3A : memref<!tpu.dma_semaphore, #tpu.memory_space<semaphore_mem>>) src(%arg14 : memref<1024xf32, #tpu.memory_space<vmem>>) dst(%dma_wait3A_18 : memref<1024xf32, #tpu.memory_space<hbm>>)
        tpu.yield
      }) : () -> ()
      "tpu.region"() ({
        %run_scoped3A = tpu.sem_alloc : memref<!tpu.dma_semaphore, #tpu.memory_space<semaphore_mem>>
        %dma_start3A = tpu.memref_slice %arg8[%add3A_14] : memref<983040xi32, #tpu.memory_space<hbm>> -> memref<1024xi32, #tpu.memory_space<hbm>>
        %dma_start3A_17 = tpu.memref_slice %arg8[%add3A_14] : memref<983040xi32, #tpu.memory_space<hbm>> -> memref<1024xi32, #tpu.memory_space<hbm>>
        tpu.enqueue_dma source(%arg15 : memref<1024xi32, #tpu.memory_space<vmem>>) target(%dma_start3A_17 : memref<1024xi32, #tpu.memory_space<hbm>>) target_semaphore(%run_scoped3A : memref<!tpu.dma_semaphore, #tpu.memory_space<semaphore_mem>>)
        %dma_wait3A = tpu.memref_slice %arg8[%add3A_14] : memref<983040xi32, #tpu.memory_space<hbm>> -> memref<1024xi32, #tpu.memory_space<hbm>>
        %dma_wait3A_18 = tpu.memref_slice %arg8[%add3A_14] : memref<983040xi32, #tpu.memory_space<hbm>> -> memref<1024xi32, #tpu.memory_space<hbm>>
        tpu.wait_dma2 semaphore(%run_scoped3A : memref<!tpu.dma_semaphore, #tpu.memory_space<semaphore_mem>>) src(%arg15 : memref<1024xi32, #tpu.memory_space<vmem>>) dst(%dma_wait3A_18 : memref<1024xi32, #tpu.memory_space<hbm>>)
        tpu.yield
      }) : () -> ()
    }
    %scan3A_6 = arith.constant 30 : i32
    return
  }
}

#map = affine_map<(d0, d1) -> (0, 0)>
#map1 = affine_map<(d0, d1) -> (0)>
module attributes {stable_mosaic.version = 14 : i64} {
  func.func @k(%arg0: i32, %arg1: i32, %arg2: memref<8192x128xf32, #tpu.memory_space<hbm>>, %arg3: memref<983040xi32, #tpu.memory_space<hbm>>, %arg4: memref<983040x128xf32, #tpu.memory_space<hbm>>, %arg5: memref<30720xi32, #tpu.memory_space<vmem>>, %arg6: memref<256x128xf32, #tpu.memory_space<vmem>>, %arg7: memref<256x128xf32, #tpu.memory_space<vmem>>, %arg8: memref<!tpu.dma_semaphore, #tpu.memory_space<semaphore_mem>>, %arg9: memref<!tpu.dma_semaphore, #tpu.memory_space<semaphore_mem>>) attributes {dimension_semantics = [#tpu.dimension_semantics<core_parallel>, #tpu.dimension_semantics<subcore_parallel>], iteration_bounds = array<i64: 2, 16>, scalar_prefetch = 0 : i64, scratch_operands = 5 : i64, tpu.core_type = #tpu.core_type<sc_vector_subcore>, window_params = [{transform_indices = #map}, {transform_indices = #map1}, {transform_indices = #map}]} {
    %mul3A = arith.constant 2 : i32
    %mul3A_0 = arith.muli %arg1, %mul3A : i32
    %add3A = arith.addi %mul3A_0, %arg0 : i32
    %mul3A_1 = arith.constant 30720 : i32
    %mul3A_2 = arith.muli %add3A, %mul3A_1 : i32
    "tpu.region"() ({
      %run_scoped3A = tpu.sem_alloc : memref<!tpu.dma_semaphore, #tpu.memory_space<semaphore_mem>>
      %dma_start3A_11 = tpu.memref_slice %arg3[%mul3A_2] : memref<983040xi32, #tpu.memory_space<hbm>> -> memref<30720xi32, #tpu.memory_space<hbm>>
      %dma_start3A_12 = tpu.memref_slice %arg3[%mul3A_2] : memref<983040xi32, #tpu.memory_space<hbm>> -> memref<30720xi32, #tpu.memory_space<hbm>>
      tpu.enqueue_dma source(%dma_start3A_12 : memref<30720xi32, #tpu.memory_space<hbm>>) target(%arg5 : memref<30720xi32, #tpu.memory_space<vmem>>) target_semaphore(%run_scoped3A : memref<!tpu.dma_semaphore, #tpu.memory_space<semaphore_mem>>)
      %dma_wait3A = tpu.memref_slice %arg3[%mul3A_2] : memref<983040xi32, #tpu.memory_space<hbm>> -> memref<30720xi32, #tpu.memory_space<hbm>>
      %dma_wait3A_13 = tpu.memref_slice %arg3[%mul3A_2] : memref<983040xi32, #tpu.memory_space<hbm>> -> memref<30720xi32, #tpu.memory_space<hbm>>
      tpu.wait_dma2 semaphore(%run_scoped3A : memref<!tpu.dma_semaphore, #tpu.memory_space<semaphore_mem>>) src(%dma_wait3A_13 : memref<30720xi32, #tpu.memory_space<hbm>>) dst(%arg5 : memref<30720xi32, #tpu.memory_space<vmem>>)
      tpu.yield
    }) : () -> ()
    %dma_start3A = arith.constant 0 : i32
    %dma_start3A_3 = tpu.memref_slice %arg5[%dma_start3A] : memref<30720xi32, #tpu.memory_space<vmem>> -> memref<256xi32, #tpu.memory_space<vmem>>
    %dma_start3A_4 = arith.constant 0 : i32
    %dma_start3A_5 = arith.constant 0 : i32
    %dma_start3A_6 = tpu.memref_slice %arg2[%dma_start3A_4, %dma_start3A_5] : memref<8192x128xf32, #tpu.memory_space<hbm>> -> memref<8192x128xf32, #tpu.memory_space<hbm>>
    tpu.enqueue_indirect_dma source(%dma_start3A_6 : memref<8192x128xf32, #tpu.memory_space<hbm>>) target(%arg6 : memref<256x128xf32, #tpu.memory_space<vmem>>) offsets(%dma_start3A_3 : memref<256xi32, #tpu.memory_space<vmem>>) semaphore(%arg8 : memref<!tpu.dma_semaphore, #tpu.memory_space<semaphore_mem>>)
    %scan3A = arith.constant 0 : i32
    %scan3A_7 = arith.constant 60 : i32
    %scan3A_8 = arith.addi %scan3A, %scan3A_7 : i32
    %scan3A_9 = arith.constant 1 : i32
    scf.for %scan3A_11 = %scan3A to %scan3A_8 step %scan3A_9  : i32 {
      %mul3A_12 = arith.constant 2 : i32
      %mul3A_13 = arith.muli %scan3A_11, %mul3A_12 : i32
      %add3A_14 = arith.constant 0 : i32
      %add3A_15 = arith.addi %add3A_14, %mul3A_13 : i32
      %add3A_16 = arith.constant 0 : i32
      %add3A_17 = arith.addi %add3A_15, %add3A_16 : i32
      %lt3A = arith.constant 120 : i32
      %lt3A_18 = arith.cmpi slt, %add3A_17, %lt3A : i32
      %convert_element_type3A = arith.extui %lt3A_18 : i1 to i32
      %cond3A = arith.constant 0 : i32
      %cond3A_19 = arith.cmpi ne, %convert_element_type3A, %cond3A : i32
      scf.if %cond3A_19 {
        %add3A_27 = arith.constant 1 : i32
        %add3A_28 = arith.addi %add3A_17, %add3A_27 : i32
        %lt3A_29 = arith.constant 120 : i32
        %lt3A_30 = arith.cmpi slt, %add3A_28, %lt3A_29 : i32
        %convert_element_type3A_31 = arith.extui %lt3A_30 : i1 to i32
        %cond3A_32 = arith.constant 0 : i32
        %cond3A_33 = arith.cmpi ne, %convert_element_type3A_31, %cond3A_32 : i32
        scf.if %cond3A_33 {
          %add3A_42 = arith.constant 1 : i32
          %add3A_43 = arith.addi %add3A_17, %add3A_42 : i32
          %mul3A_44 = arith.constant 256 : i32
          %mul3A_45 = arith.muli %add3A_43, %mul3A_44 : i32
          %dma_start3A_46 = tpu.memref_slice %arg5[%mul3A_45] : memref<30720xi32, #tpu.memory_space<vmem>> -> memref<256xi32, #tpu.memory_space<vmem>>
          %dma_start3A_47 = arith.constant 0 : i32
          %dma_start3A_48 = arith.constant 0 : i32
          %dma_start3A_49 = tpu.memref_slice %arg2[%dma_start3A_47, %dma_start3A_48] : memref<8192x128xf32, #tpu.memory_space<hbm>> -> memref<8192x128xf32, #tpu.memory_space<hbm>>
          tpu.enqueue_indirect_dma source(%dma_start3A_49 : memref<8192x128xf32, #tpu.memory_space<hbm>>) target(%arg7 : memref<256x128xf32, #tpu.memory_space<vmem>>) offsets(%dma_start3A_46 : memref<256xi32, #tpu.memory_space<vmem>>) semaphore(%arg9 : memref<!tpu.dma_semaphore, #tpu.memory_space<semaphore_mem>>)
        } else {
        }
        %mul3A_34 = arith.constant 256 : i32
        %mul3A_35 = arith.muli %add3A_17, %mul3A_34 : i32
        %dma_wait3A = tpu.memref_slice %arg5[%mul3A_35] : memref<30720xi32, #tpu.memory_space<vmem>> -> memref<256xi32, #tpu.memory_space<vmem>>
        %dma_wait3A_36 = arith.constant 0 : i32
        %dma_wait3A_37 = arith.constant 0 : i32
        %dma_wait3A_38 = tpu.memref_slice %arg2[%dma_wait3A_36, %dma_wait3A_37] : memref<8192x128xf32, #tpu.memory_space<hbm>> -> memref<8192x128xf32, #tpu.memory_space<hbm>>
        tpu.wait_indirect_dma semaphore(%arg8 : memref<!tpu.dma_semaphore, #tpu.memory_space<semaphore_mem>>) src(%dma_wait3A_38 : memref<8192x128xf32, #tpu.memory_space<hbm>>) dst(%arg6 : memref<256x128xf32, #tpu.memory_space<vmem>>)
        %mul3A_39 = arith.constant 256 : i32
        %mul3A_40 = arith.muli %add3A_17, %mul3A_39 : i32
        %add3A_41 = arith.addi %mul3A_2, %mul3A_40 : i32
        "tpu.region"() ({
          %run_scoped3A = tpu.sem_alloc : memref<!tpu.dma_semaphore, #tpu.memory_space<semaphore_mem>>
          %dma_start3A_42 = arith.constant 0 : i32
          %dma_start3A_43 = tpu.memref_slice %arg4[%add3A_41, %dma_start3A_42] : memref<983040x128xf32, #tpu.memory_space<hbm>> -> memref<256x128xf32, #tpu.memory_space<hbm>>
          %dma_start3A_44 = arith.constant 0 : i32
          %dma_start3A_45 = tpu.memref_slice %arg4[%add3A_41, %dma_start3A_44] : memref<983040x128xf32, #tpu.memory_space<hbm>> -> memref<256x128xf32, #tpu.memory_space<hbm>>
          tpu.enqueue_dma source(%arg6 : memref<256x128xf32, #tpu.memory_space<vmem>>) target(%dma_start3A_45 : memref<256x128xf32, #tpu.memory_space<hbm>>) target_semaphore(%run_scoped3A : memref<!tpu.dma_semaphore, #tpu.memory_space<semaphore_mem>>)
          %dma_wait3A_46 = arith.constant 0 : i32
          %dma_wait3A_47 = tpu.memref_slice %arg4[%add3A_41, %dma_wait3A_46] : memref<983040x128xf32, #tpu.memory_space<hbm>> -> memref<256x128xf32, #tpu.memory_space<hbm>>
          %dma_wait3A_48 = arith.constant 0 : i32
          %dma_wait3A_49 = tpu.memref_slice %arg4[%add3A_41, %dma_wait3A_48] : memref<983040x128xf32, #tpu.memory_space<hbm>> -> memref<256x128xf32, #tpu.memory_space<hbm>>
          tpu.wait_dma2 semaphore(%run_scoped3A : memref<!tpu.dma_semaphore, #tpu.memory_space<semaphore_mem>>) src(%arg6 : memref<256x128xf32, #tpu.memory_space<vmem>>) dst(%dma_wait3A_49 : memref<256x128xf32, #tpu.memory_space<hbm>>)
          tpu.yield
        }) : () -> ()
      } else {
      }
      %add3A_20 = arith.constant 1 : i32
      %add3A_21 = arith.addi %add3A_15, %add3A_20 : i32
      %lt3A_22 = arith.constant 120 : i32
      %lt3A_23 = arith.cmpi slt, %add3A_21, %lt3A_22 : i32
      %convert_element_type3A_24 = arith.extui %lt3A_23 : i1 to i32
      %cond3A_25 = arith.constant 0 : i32
      %cond3A_26 = arith.cmpi ne, %convert_element_type3A_24, %cond3A_25 : i32
      scf.if %cond3A_26 {
        %add3A_27 = arith.constant 1 : i32
        %add3A_28 = arith.addi %add3A_21, %add3A_27 : i32
        %lt3A_29 = arith.constant 120 : i32
        %lt3A_30 = arith.cmpi slt, %add3A_28, %lt3A_29 : i32
        %convert_element_type3A_31 = arith.extui %lt3A_30 : i1 to i32
        %cond3A_32 = arith.constant 0 : i32
        %cond3A_33 = arith.cmpi ne, %convert_element_type3A_31, %cond3A_32 : i32
        scf.if %cond3A_33 {
          %add3A_42 = arith.constant 1 : i32
          %add3A_43 = arith.addi %add3A_21, %add3A_42 : i32
          %mul3A_44 = arith.constant 256 : i32
          %mul3A_45 = arith.muli %add3A_43, %mul3A_44 : i32
          %dma_start3A_46 = tpu.memref_slice %arg5[%mul3A_45] : memref<30720xi32, #tpu.memory_space<vmem>> -> memref<256xi32, #tpu.memory_space<vmem>>
          %dma_start3A_47 = arith.constant 0 : i32
          %dma_start3A_48 = arith.constant 0 : i32
          %dma_start3A_49 = tpu.memref_slice %arg2[%dma_start3A_47, %dma_start3A_48] : memref<8192x128xf32, #tpu.memory_space<hbm>> -> memref<8192x128xf32, #tpu.memory_space<hbm>>
          tpu.enqueue_indirect_dma source(%dma_start3A_49 : memref<8192x128xf32, #tpu.memory_space<hbm>>) target(%arg6 : memref<256x128xf32, #tpu.memory_space<vmem>>) offsets(%dma_start3A_46 : memref<256xi32, #tpu.memory_space<vmem>>) semaphore(%arg8 : memref<!tpu.dma_semaphore, #tpu.memory_space<semaphore_mem>>)
        } else {
        }
        %mul3A_34 = arith.constant 256 : i32
        %mul3A_35 = arith.muli %add3A_21, %mul3A_34 : i32
        %dma_wait3A = tpu.memref_slice %arg5[%mul3A_35] : memref<30720xi32, #tpu.memory_space<vmem>> -> memref<256xi32, #tpu.memory_space<vmem>>
        %dma_wait3A_36 = arith.constant 0 : i32
        %dma_wait3A_37 = arith.constant 0 : i32
        %dma_wait3A_38 = tpu.memref_slice %arg2[%dma_wait3A_36, %dma_wait3A_37] : memref<8192x128xf32, #tpu.memory_space<hbm>> -> memref<8192x128xf32, #tpu.memory_space<hbm>>
        tpu.wait_indirect_dma semaphore(%arg9 : memref<!tpu.dma_semaphore, #tpu.memory_space<semaphore_mem>>) src(%dma_wait3A_38 : memref<8192x128xf32, #tpu.memory_space<hbm>>) dst(%arg7 : memref<256x128xf32, #tpu.memory_space<vmem>>)
        %mul3A_39 = arith.constant 256 : i32
        %mul3A_40 = arith.muli %add3A_21, %mul3A_39 : i32
        %add3A_41 = arith.addi %mul3A_2, %mul3A_40 : i32
        "tpu.region"() ({
          %run_scoped3A = tpu.sem_alloc : memref<!tpu.dma_semaphore, #tpu.memory_space<semaphore_mem>>
          %dma_start3A_42 = arith.constant 0 : i32
          %dma_start3A_43 = tpu.memref_slice %arg4[%add3A_41, %dma_start3A_42] : memref<983040x128xf32, #tpu.memory_space<hbm>> -> memref<256x128xf32, #tpu.memory_space<hbm>>
          %dma_start3A_44 = arith.constant 0 : i32
          %dma_start3A_45 = tpu.memref_slice %arg4[%add3A_41, %dma_start3A_44] : memref<983040x128xf32, #tpu.memory_space<hbm>> -> memref<256x128xf32, #tpu.memory_space<hbm>>
          tpu.enqueue_dma source(%arg7 : memref<256x128xf32, #tpu.memory_space<vmem>>) target(%dma_start3A_45 : memref<256x128xf32, #tpu.memory_space<hbm>>) target_semaphore(%run_scoped3A : memref<!tpu.dma_semaphore, #tpu.memory_space<semaphore_mem>>)
          %dma_wait3A_46 = arith.constant 0 : i32
          %dma_wait3A_47 = tpu.memref_slice %arg4[%add3A_41, %dma_wait3A_46] : memref<983040x128xf32, #tpu.memory_space<hbm>> -> memref<256x128xf32, #tpu.memory_space<hbm>>
          %dma_wait3A_48 = arith.constant 0 : i32
          %dma_wait3A_49 = tpu.memref_slice %arg4[%add3A_41, %dma_wait3A_48] : memref<983040x128xf32, #tpu.memory_space<hbm>> -> memref<256x128xf32, #tpu.memory_space<hbm>>
          tpu.wait_dma2 semaphore(%run_scoped3A : memref<!tpu.dma_semaphore, #tpu.memory_space<semaphore_mem>>) src(%arg7 : memref<256x128xf32, #tpu.memory_space<vmem>>) dst(%dma_wait3A_49 : memref<256x128xf32, #tpu.memory_space<hbm>>)
          tpu.yield
        }) : () -> ()
      } else {
      }
    }
    %scan3A_10 = arith.constant 60 : i32
    return
  }
}

#map = affine_map<(d0, d1) -> (0, 0)>
#map1 = affine_map<(d0, d1) -> (0)>
module attributes {stable_mosaic.version = 14 : i64} {
  func.func @k(%arg0: i32, %arg1: i32, %arg2: memref<8192x128xf32, #tpu.memory_space<hbm>>, %arg3: memref<983040xi32, #tpu.memory_space<hbm>>, %arg4: memref<983040x128xf32, #tpu.memory_space<hbm>>, %arg5: memref<30720xi32, #tpu.memory_space<vmem>>, %arg6: memref<256x128xf32, #tpu.memory_space<vmem>>, %arg7: memref<256x128xf32, #tpu.memory_space<vmem>>, %arg8: memref<!tpu.dma_semaphore, #tpu.memory_space<semaphore_mem>>, %arg9: memref<!tpu.dma_semaphore, #tpu.memory_space<semaphore_mem>>) attributes {dimension_semantics = [#tpu.dimension_semantics<core_parallel>, #tpu.dimension_semantics<subcore_parallel>], iteration_bounds = array<i64: 2, 16>, scalar_prefetch = 0 : i64, scratch_operands = 5 : i64, tpu.core_type = #tpu.core_type<sc_vector_subcore>, window_params = [{transform_indices = #map}, {transform_indices = #map1}, {transform_indices = #map}]} {
    %mul3A = arith.constant 2 : i32
    %mul3A_0 = arith.muli %arg1, %mul3A : i32
    %add3A = arith.addi %mul3A_0, %arg0 : i32
    %mul3A_1 = arith.constant 30720 : i32
    %mul3A_2 = arith.muli %add3A, %mul3A_1 : i32
    "tpu.region"() ({
      %run_scoped3A = tpu.sem_alloc : memref<!tpu.dma_semaphore, #tpu.memory_space<semaphore_mem>>
      %dma_start3A_11 = tpu.memref_slice %arg3[%mul3A_2] : memref<983040xi32, #tpu.memory_space<hbm>> -> memref<30720xi32, #tpu.memory_space<hbm>>
      %dma_start3A_12 = tpu.memref_slice %arg3[%mul3A_2] : memref<983040xi32, #tpu.memory_space<hbm>> -> memref<30720xi32, #tpu.memory_space<hbm>>
      tpu.enqueue_dma source(%dma_start3A_12 : memref<30720xi32, #tpu.memory_space<hbm>>) target(%arg5 : memref<30720xi32, #tpu.memory_space<vmem>>) target_semaphore(%run_scoped3A : memref<!tpu.dma_semaphore, #tpu.memory_space<semaphore_mem>>)
      %dma_wait3A = tpu.memref_slice %arg3[%mul3A_2] : memref<983040xi32, #tpu.memory_space<hbm>> -> memref<30720xi32, #tpu.memory_space<hbm>>
      %dma_wait3A_13 = tpu.memref_slice %arg3[%mul3A_2] : memref<983040xi32, #tpu.memory_space<hbm>> -> memref<30720xi32, #tpu.memory_space<hbm>>
      tpu.wait_dma2 semaphore(%run_scoped3A : memref<!tpu.dma_semaphore, #tpu.memory_space<semaphore_mem>>) src(%dma_wait3A_13 : memref<30720xi32, #tpu.memory_space<hbm>>) dst(%arg5 : memref<30720xi32, #tpu.memory_space<vmem>>)
      tpu.yield
    }) : () -> ()
    %dma_start3A = arith.constant 0 : i32
    %dma_start3A_3 = tpu.memref_slice %arg5[%dma_start3A] : memref<30720xi32, #tpu.memory_space<vmem>> -> memref<256xi32, #tpu.memory_space<vmem>>
    %dma_start3A_4 = arith.constant 0 : i32
    %dma_start3A_5 = arith.constant 0 : i32
    %dma_start3A_6 = tpu.memref_slice %arg2[%dma_start3A_4, %dma_start3A_5] : memref<8192x128xf32, #tpu.memory_space<hbm>> -> memref<8192x128xf32, #tpu.memory_space<hbm>>
    tpu.enqueue_indirect_dma source(%dma_start3A_6 : memref<8192x128xf32, #tpu.memory_space<hbm>>) target(%arg6 : memref<256x128xf32, #tpu.memory_space<vmem>>) offsets(%dma_start3A_3 : memref<256xi32, #tpu.memory_space<vmem>>) semaphore(%arg8 : memref<!tpu.dma_semaphore, #tpu.memory_space<semaphore_mem>>)
    %scan3A = arith.constant 0 : i32
    %scan3A_7 = arith.constant 60 : i32
    %scan3A_8 = arith.addi %scan3A, %scan3A_7 : i32
    %scan3A_9 = arith.constant 1 : i32
    scf.for %scan3A_11 = %scan3A to %scan3A_8 step %scan3A_9  : i32 {
      %mul3A_12 = arith.constant 2 : i32
      %mul3A_13 = arith.muli %scan3A_11, %mul3A_12 : i32
      %add3A_14 = arith.constant 0 : i32
      %add3A_15 = arith.addi %add3A_14, %mul3A_13 : i32
      %add3A_16 = arith.constant 0 : i32
      %add3A_17 = arith.addi %add3A_15, %add3A_16 : i32
      %lt3A = arith.constant 120 : i32
      %lt3A_18 = arith.cmpi slt, %add3A_17, %lt3A : i32
      %convert_element_type3A = arith.extui %lt3A_18 : i1 to i32
      %cond3A = arith.constant 0 : i32
      %cond3A_19 = arith.cmpi ne, %convert_element_type3A, %cond3A : i32
      scf.if %cond3A_19 {
        %add3A_27 = arith.constant 1 : i32
        %add3A_28 = arith.addi %add3A_17, %add3A_27 : i32
        %lt3A_29 = arith.constant 120 : i32
        %lt3A_30 = arith.cmpi slt, %add3A_28, %lt3A_29 : i32
        %convert_element_type3A_31 = arith.extui %lt3A_30 : i1 to i32
        %cond3A_32 = arith.constant 0 : i32
        %cond3A_33 = arith.cmpi ne, %convert_element_type3A_31, %cond3A_32 : i32
        scf.if %cond3A_33 {
          %add3A_42 = arith.constant 1 : i32
          %add3A_43 = arith.addi %add3A_17, %add3A_42 : i32
          %mul3A_44 = arith.constant 256 : i32
          %mul3A_45 = arith.muli %add3A_43, %mul3A_44 : i32
          %dma_start3A_46 = tpu.memref_slice %arg5[%mul3A_45] : memref<30720xi32, #tpu.memory_space<vmem>> -> memref<256xi32, #tpu.memory_space<vmem>>
          %dma_start3A_47 = arith.constant 0 : i32
          %dma_start3A_48 = arith.constant 0 : i32
          %dma_start3A_49 = tpu.memref_slice %arg2[%dma_start3A_47, %dma_start3A_48] : memref<8192x128xf32, #tpu.memory_space<hbm>> -> memref<8192x128xf32, #tpu.memory_space<hbm>>
          tpu.enqueue_indirect_dma source(%dma_start3A_49 : memref<8192x128xf32, #tpu.memory_space<hbm>>) target(%arg7 : memref<256x128xf32, #tpu.memory_space<vmem>>) offsets(%dma_start3A_46 : memref<256xi32, #tpu.memory_space<vmem>>) semaphore(%arg9 : memref<!tpu.dma_semaphore, #tpu.memory_space<semaphore_mem>>)
        } else {
        }
        %mul3A_34 = arith.constant 256 : i32
        %mul3A_35 = arith.muli %add3A_17, %mul3A_34 : i32
        %dma_wait3A = tpu.memref_slice %arg5[%mul3A_35] : memref<30720xi32, #tpu.memory_space<vmem>> -> memref<256xi32, #tpu.memory_space<vmem>>
        %dma_wait3A_36 = arith.constant 0 : i32
        %dma_wait3A_37 = arith.constant 0 : i32
        %dma_wait3A_38 = tpu.memref_slice %arg2[%dma_wait3A_36, %dma_wait3A_37] : memref<8192x128xf32, #tpu.memory_space<hbm>> -> memref<8192x128xf32, #tpu.memory_space<hbm>>
        tpu.wait_indirect_dma semaphore(%arg8 : memref<!tpu.dma_semaphore, #tpu.memory_space<semaphore_mem>>) src(%dma_wait3A_38 : memref<8192x128xf32, #tpu.memory_space<hbm>>) dst(%arg6 : memref<256x128xf32, #tpu.memory_space<vmem>>)
        %mul3A_39 = arith.constant 256 : i32
        %mul3A_40 = arith.muli %add3A_17, %mul3A_39 : i32
        %add3A_41 = arith.addi %mul3A_2, %mul3A_40 : i32
        "tpu.region"() ({
          %run_scoped3A = tpu.sem_alloc : memref<!tpu.dma_semaphore, #tpu.memory_space<semaphore_mem>>
          %dma_start3A_42 = arith.constant 0 : i32
          %dma_start3A_43 = tpu.memref_slice %arg4[%add3A_41, %dma_start3A_42] : memref<983040x128xf32, #tpu.memory_space<hbm>> -> memref<256x128xf32, #tpu.memory_space<hbm>>
          %dma_start3A_44 = arith.constant 0 : i32
          %dma_start3A_45 = tpu.memref_slice %arg4[%add3A_41, %dma_start3A_44] : memref<983040x128xf32, #tpu.memory_space<hbm>> -> memref<256x128xf32, #tpu.memory_space<hbm>>
          tpu.enqueue_dma source(%arg6 : memref<256x128xf32, #tpu.memory_space<vmem>>) target(%dma_start3A_45 : memref<256x128xf32, #tpu.memory_space<hbm>>) target_semaphore(%run_scoped3A : memref<!tpu.dma_semaphore, #tpu.memory_space<semaphore_mem>>)
          %dma_wait3A_46 = arith.constant 0 : i32
          %dma_wait3A_47 = tpu.memref_slice %arg4[%add3A_41, %dma_wait3A_46] : memref<983040x128xf32, #tpu.memory_space<hbm>> -> memref<256x128xf32, #tpu.memory_space<hbm>>
          %dma_wait3A_48 = arith.constant 0 : i32
          %dma_wait3A_49 = tpu.memref_slice %arg4[%add3A_41, %dma_wait3A_48] : memref<983040x128xf32, #tpu.memory_space<hbm>> -> memref<256x128xf32, #tpu.memory_space<hbm>>
          tpu.wait_dma2 semaphore(%run_scoped3A : memref<!tpu.dma_semaphore, #tpu.memory_space<semaphore_mem>>) src(%arg6 : memref<256x128xf32, #tpu.memory_space<vmem>>) dst(%dma_wait3A_49 : memref<256x128xf32, #tpu.memory_space<hbm>>)
          tpu.yield
        }) : () -> ()
      } else {
      }
      %add3A_20 = arith.constant 1 : i32
      %add3A_21 = arith.addi %add3A_15, %add3A_20 : i32
      %lt3A_22 = arith.constant 120 : i32
      %lt3A_23 = arith.cmpi slt, %add3A_21, %lt3A_22 : i32
      %convert_element_type3A_24 = arith.extui %lt3A_23 : i1 to i32
      %cond3A_25 = arith.constant 0 : i32
      %cond3A_26 = arith.cmpi ne, %convert_element_type3A_24, %cond3A_25 : i32
      scf.if %cond3A_26 {
        %add3A_27 = arith.constant 1 : i32
        %add3A_28 = arith.addi %add3A_21, %add3A_27 : i32
        %lt3A_29 = arith.constant 120 : i32
        %lt3A_30 = arith.cmpi slt, %add3A_28, %lt3A_29 : i32
        %convert_element_type3A_31 = arith.extui %lt3A_30 : i1 to i32
        %cond3A_32 = arith.constant 0 : i32
        %cond3A_33 = arith.cmpi ne, %convert_element_type3A_31, %cond3A_32 : i32
        scf.if %cond3A_33 {
          %add3A_42 = arith.constant 1 : i32
          %add3A_43 = arith.addi %add3A_21, %add3A_42 : i32
          %mul3A_44 = arith.constant 256 : i32
          %mul3A_45 = arith.muli %add3A_43, %mul3A_44 : i32
          %dma_start3A_46 = tpu.memref_slice %arg5[%mul3A_45] : memref<30720xi32, #tpu.memory_space<vmem>> -> memref<256xi32, #tpu.memory_space<vmem>>
          %dma_start3A_47 = arith.constant 0 : i32
          %dma_start3A_48 = arith.constant 0 : i32
          %dma_start3A_49 = tpu.memref_slice %arg2[%dma_start3A_47, %dma_start3A_48] : memref<8192x128xf32, #tpu.memory_space<hbm>> -> memref<8192x128xf32, #tpu.memory_space<hbm>>
          tpu.enqueue_indirect_dma source(%dma_start3A_49 : memref<8192x128xf32, #tpu.memory_space<hbm>>) target(%arg6 : memref<256x128xf32, #tpu.memory_space<vmem>>) offsets(%dma_start3A_46 : memref<256xi32, #tpu.memory_space<vmem>>) semaphore(%arg8 : memref<!tpu.dma_semaphore, #tpu.memory_space<semaphore_mem>>)
        } else {
        }
        %mul3A_34 = arith.constant 256 : i32
        %mul3A_35 = arith.muli %add3A_21, %mul3A_34 : i32
        %dma_wait3A = tpu.memref_slice %arg5[%mul3A_35] : memref<30720xi32, #tpu.memory_space<vmem>> -> memref<256xi32, #tpu.memory_space<vmem>>
        %dma_wait3A_36 = arith.constant 0 : i32
        %dma_wait3A_37 = arith.constant 0 : i32
        %dma_wait3A_38 = tpu.memref_slice %arg2[%dma_wait3A_36, %dma_wait3A_37] : memref<8192x128xf32, #tpu.memory_space<hbm>> -> memref<8192x128xf32, #tpu.memory_space<hbm>>
        tpu.wait_indirect_dma semaphore(%arg9 : memref<!tpu.dma_semaphore, #tpu.memory_space<semaphore_mem>>) src(%dma_wait3A_38 : memref<8192x128xf32, #tpu.memory_space<hbm>>) dst(%arg7 : memref<256x128xf32, #tpu.memory_space<vmem>>)
        %mul3A_39 = arith.constant 256 : i32
        %mul3A_40 = arith.muli %add3A_21, %mul3A_39 : i32
        %add3A_41 = arith.addi %mul3A_2, %mul3A_40 : i32
        "tpu.region"() ({
          %run_scoped3A = tpu.sem_alloc : memref<!tpu.dma_semaphore, #tpu.memory_space<semaphore_mem>>
          %dma_start3A_42 = arith.constant 0 : i32
          %dma_start3A_43 = tpu.memref_slice %arg4[%add3A_41, %dma_start3A_42] : memref<983040x128xf32, #tpu.memory_space<hbm>> -> memref<256x128xf32, #tpu.memory_space<hbm>>
          %dma_start3A_44 = arith.constant 0 : i32
          %dma_start3A_45 = tpu.memref_slice %arg4[%add3A_41, %dma_start3A_44] : memref<983040x128xf32, #tpu.memory_space<hbm>> -> memref<256x128xf32, #tpu.memory_space<hbm>>
          tpu.enqueue_dma source(%arg7 : memref<256x128xf32, #tpu.memory_space<vmem>>) target(%dma_start3A_45 : memref<256x128xf32, #tpu.memory_space<hbm>>) target_semaphore(%run_scoped3A : memref<!tpu.dma_semaphore, #tpu.memory_space<semaphore_mem>>)
          %dma_wait3A_46 = arith.constant 0 : i32
          %dma_wait3A_47 = tpu.memref_slice %arg4[%add3A_41, %dma_wait3A_46] : memref<983040x128xf32, #tpu.memory_space<hbm>> -> memref<256x128xf32, #tpu.memory_space<hbm>>
          %dma_wait3A_48 = arith.constant 0 : i32
          %dma_wait3A_49 = tpu.memref_slice %arg4[%add3A_41, %dma_wait3A_48] : memref<983040x128xf32, #tpu.memory_space<hbm>> -> memref<256x128xf32, #tpu.memory_space<hbm>>
          tpu.wait_dma2 semaphore(%run_scoped3A : memref<!tpu.dma_semaphore, #tpu.memory_space<semaphore_mem>>) src(%arg7 : memref<256x128xf32, #tpu.memory_space<vmem>>) dst(%dma_wait3A_49 : memref<256x128xf32, #tpu.memory_space<hbm>>)
          tpu.yield
        }) : () -> ()
      } else {
      }
    }
    %scan3A_10 = arith.constant 60 : i32
    return
  }
}

#map = affine_map<(d0, d1) -> (0, 0)>
#map1 = affine_map<(d0, d1) -> (0)>
module attributes {stable_mosaic.version = 14 : i64} {
  func.func @k(%arg0: i32, %arg1: i32, %arg2: memref<8192x128xf32, #tpu.memory_space<hbm>>, %arg3: memref<983040xi32, #tpu.memory_space<hbm>>, %arg4: memref<983040x128xf32, #tpu.memory_space<hbm>>, %arg5: memref<30720xi32, #tpu.memory_space<vmem>>, %arg6: memref<256x128xf32, #tpu.memory_space<vmem>>, %arg7: memref<256x128xf32, #tpu.memory_space<vmem>>, %arg8: memref<!tpu.dma_semaphore, #tpu.memory_space<semaphore_mem>>, %arg9: memref<!tpu.dma_semaphore, #tpu.memory_space<semaphore_mem>>) attributes {dimension_semantics = [#tpu.dimension_semantics<core_parallel>, #tpu.dimension_semantics<subcore_parallel>], iteration_bounds = array<i64: 2, 16>, scalar_prefetch = 0 : i64, scratch_operands = 5 : i64, tpu.core_type = #tpu.core_type<sc_vector_subcore>, window_params = [{transform_indices = #map}, {transform_indices = #map1}, {transform_indices = #map}]} {
    %mul3A = arith.constant 2 : i32
    %mul3A_0 = arith.muli %arg1, %mul3A : i32
    %add3A = arith.addi %mul3A_0, %arg0 : i32
    %mul3A_1 = arith.constant 30720 : i32
    %mul3A_2 = arith.muli %add3A, %mul3A_1 : i32
    "tpu.region"() ({
      %run_scoped3A = tpu.sem_alloc : memref<!tpu.dma_semaphore, #tpu.memory_space<semaphore_mem>>
      %dma_start3A_11 = tpu.memref_slice %arg3[%mul3A_2] : memref<983040xi32, #tpu.memory_space<hbm>> -> memref<30720xi32, #tpu.memory_space<hbm>>
      %dma_start3A_12 = tpu.memref_slice %arg3[%mul3A_2] : memref<983040xi32, #tpu.memory_space<hbm>> -> memref<30720xi32, #tpu.memory_space<hbm>>
      tpu.enqueue_dma source(%dma_start3A_12 : memref<30720xi32, #tpu.memory_space<hbm>>) target(%arg5 : memref<30720xi32, #tpu.memory_space<vmem>>) target_semaphore(%run_scoped3A : memref<!tpu.dma_semaphore, #tpu.memory_space<semaphore_mem>>)
      %dma_wait3A = tpu.memref_slice %arg3[%mul3A_2] : memref<983040xi32, #tpu.memory_space<hbm>> -> memref<30720xi32, #tpu.memory_space<hbm>>
      %dma_wait3A_13 = tpu.memref_slice %arg3[%mul3A_2] : memref<983040xi32, #tpu.memory_space<hbm>> -> memref<30720xi32, #tpu.memory_space<hbm>>
      tpu.wait_dma2 semaphore(%run_scoped3A : memref<!tpu.dma_semaphore, #tpu.memory_space<semaphore_mem>>) src(%dma_wait3A_13 : memref<30720xi32, #tpu.memory_space<hbm>>) dst(%arg5 : memref<30720xi32, #tpu.memory_space<vmem>>)
      tpu.yield
    }) : () -> ()
    %dma_start3A = arith.constant 0 : i32
    %dma_start3A_3 = tpu.memref_slice %arg5[%dma_start3A] : memref<30720xi32, #tpu.memory_space<vmem>> -> memref<256xi32, #tpu.memory_space<vmem>>
    %dma_start3A_4 = arith.constant 0 : i32
    %dma_start3A_5 = arith.constant 0 : i32
    %dma_start3A_6 = tpu.memref_slice %arg2[%dma_start3A_4, %dma_start3A_5] : memref<8192x128xf32, #tpu.memory_space<hbm>> -> memref<8192x128xf32, #tpu.memory_space<hbm>>
    tpu.enqueue_indirect_dma source(%dma_start3A_6 : memref<8192x128xf32, #tpu.memory_space<hbm>>) target(%arg6 : memref<256x128xf32, #tpu.memory_space<vmem>>) offsets(%dma_start3A_3 : memref<256xi32, #tpu.memory_space<vmem>>) semaphore(%arg8 : memref<!tpu.dma_semaphore, #tpu.memory_space<semaphore_mem>>)
    %scan3A = arith.constant 0 : i32
    %scan3A_7 = arith.constant 60 : i32
    %scan3A_8 = arith.addi %scan3A, %scan3A_7 : i32
    %scan3A_9 = arith.constant 1 : i32
    scf.for %scan3A_11 = %scan3A to %scan3A_8 step %scan3A_9  : i32 {
      %mul3A_12 = arith.constant 2 : i32
      %mul3A_13 = arith.muli %scan3A_11, %mul3A_12 : i32
      %add3A_14 = arith.constant 0 : i32
      %add3A_15 = arith.addi %add3A_14, %mul3A_13 : i32
      %add3A_16 = arith.constant 0 : i32
      %add3A_17 = arith.addi %add3A_15, %add3A_16 : i32
      %lt3A = arith.constant 120 : i32
      %lt3A_18 = arith.cmpi slt, %add3A_17, %lt3A : i32
      %convert_element_type3A = arith.extui %lt3A_18 : i1 to i32
      %cond3A = arith.constant 0 : i32
      %cond3A_19 = arith.cmpi ne, %convert_element_type3A, %cond3A : i32
      scf.if %cond3A_19 {
        %add3A_27 = arith.constant 1 : i32
        %add3A_28 = arith.addi %add3A_17, %add3A_27 : i32
        %lt3A_29 = arith.constant 120 : i32
        %lt3A_30 = arith.cmpi slt, %add3A_28, %lt3A_29 : i32
        %convert_element_type3A_31 = arith.extui %lt3A_30 : i1 to i32
        %cond3A_32 = arith.constant 0 : i32
        %cond3A_33 = arith.cmpi ne, %convert_element_type3A_31, %cond3A_32 : i32
        scf.if %cond3A_33 {
          %add3A_42 = arith.constant 1 : i32
          %add3A_43 = arith.addi %add3A_17, %add3A_42 : i32
          %mul3A_44 = arith.constant 256 : i32
          %mul3A_45 = arith.muli %add3A_43, %mul3A_44 : i32
          %dma_start3A_46 = tpu.memref_slice %arg5[%mul3A_45] : memref<30720xi32, #tpu.memory_space<vmem>> -> memref<256xi32, #tpu.memory_space<vmem>>
          %dma_start3A_47 = arith.constant 0 : i32
          %dma_start3A_48 = arith.constant 0 : i32
          %dma_start3A_49 = tpu.memref_slice %arg2[%dma_start3A_47, %dma_start3A_48] : memref<8192x128xf32, #tpu.memory_space<hbm>> -> memref<8192x128xf32, #tpu.memory_space<hbm>>
          tpu.enqueue_indirect_dma source(%dma_start3A_49 : memref<8192x128xf32, #tpu.memory_space<hbm>>) target(%arg7 : memref<256x128xf32, #tpu.memory_space<vmem>>) offsets(%dma_start3A_46 : memref<256xi32, #tpu.memory_space<vmem>>) semaphore(%arg9 : memref<!tpu.dma_semaphore, #tpu.memory_space<semaphore_mem>>)
        } else {
        }
        %mul3A_34 = arith.constant 256 : i32
        %mul3A_35 = arith.muli %add3A_17, %mul3A_34 : i32
        %dma_wait3A = tpu.memref_slice %arg5[%mul3A_35] : memref<30720xi32, #tpu.memory_space<vmem>> -> memref<256xi32, #tpu.memory_space<vmem>>
        %dma_wait3A_36 = arith.constant 0 : i32
        %dma_wait3A_37 = arith.constant 0 : i32
        %dma_wait3A_38 = tpu.memref_slice %arg2[%dma_wait3A_36, %dma_wait3A_37] : memref<8192x128xf32, #tpu.memory_space<hbm>> -> memref<8192x128xf32, #tpu.memory_space<hbm>>
        tpu.wait_indirect_dma semaphore(%arg8 : memref<!tpu.dma_semaphore, #tpu.memory_space<semaphore_mem>>) src(%dma_wait3A_38 : memref<8192x128xf32, #tpu.memory_space<hbm>>) dst(%arg6 : memref<256x128xf32, #tpu.memory_space<vmem>>)
        %mul3A_39 = arith.constant 256 : i32
        %mul3A_40 = arith.muli %add3A_17, %mul3A_39 : i32
        %add3A_41 = arith.addi %mul3A_2, %mul3A_40 : i32
        "tpu.region"() ({
          %run_scoped3A = tpu.sem_alloc : memref<!tpu.dma_semaphore, #tpu.memory_space<semaphore_mem>>
          %dma_start3A_42 = arith.constant 0 : i32
          %dma_start3A_43 = tpu.memref_slice %arg4[%add3A_41, %dma_start3A_42] : memref<983040x128xf32, #tpu.memory_space<hbm>> -> memref<256x128xf32, #tpu.memory_space<hbm>>
          %dma_start3A_44 = arith.constant 0 : i32
          %dma_start3A_45 = tpu.memref_slice %arg4[%add3A_41, %dma_start3A_44] : memref<983040x128xf32, #tpu.memory_space<hbm>> -> memref<256x128xf32, #tpu.memory_space<hbm>>
          tpu.enqueue_dma source(%arg6 : memref<256x128xf32, #tpu.memory_space<vmem>>) target(%dma_start3A_45 : memref<256x128xf32, #tpu.memory_space<hbm>>) target_semaphore(%run_scoped3A : memref<!tpu.dma_semaphore, #tpu.memory_space<semaphore_mem>>)
          %dma_wait3A_46 = arith.constant 0 : i32
          %dma_wait3A_47 = tpu.memref_slice %arg4[%add3A_41, %dma_wait3A_46] : memref<983040x128xf32, #tpu.memory_space<hbm>> -> memref<256x128xf32, #tpu.memory_space<hbm>>
          %dma_wait3A_48 = arith.constant 0 : i32
          %dma_wait3A_49 = tpu.memref_slice %arg4[%add3A_41, %dma_wait3A_48] : memref<983040x128xf32, #tpu.memory_space<hbm>> -> memref<256x128xf32, #tpu.memory_space<hbm>>
          tpu.wait_dma2 semaphore(%run_scoped3A : memref<!tpu.dma_semaphore, #tpu.memory_space<semaphore_mem>>) src(%arg6 : memref<256x128xf32, #tpu.memory_space<vmem>>) dst(%dma_wait3A_49 : memref<256x128xf32, #tpu.memory_space<hbm>>)
          tpu.yield
        }) : () -> ()
      } else {
      }
      %add3A_20 = arith.constant 1 : i32
      %add3A_21 = arith.addi %add3A_15, %add3A_20 : i32
      %lt3A_22 = arith.constant 120 : i32
      %lt3A_23 = arith.cmpi slt, %add3A_21, %lt3A_22 : i32
      %convert_element_type3A_24 = arith.extui %lt3A_23 : i1 to i32
      %cond3A_25 = arith.constant 0 : i32
      %cond3A_26 = arith.cmpi ne, %convert_element_type3A_24, %cond3A_25 : i32
      scf.if %cond3A_26 {
        %add3A_27 = arith.constant 1 : i32
        %add3A_28 = arith.addi %add3A_21, %add3A_27 : i32
        %lt3A_29 = arith.constant 120 : i32
        %lt3A_30 = arith.cmpi slt, %add3A_28, %lt3A_29 : i32
        %convert_element_type3A_31 = arith.extui %lt3A_30 : i1 to i32
        %cond3A_32 = arith.constant 0 : i32
        %cond3A_33 = arith.cmpi ne, %convert_element_type3A_31, %cond3A_32 : i32
        scf.if %cond3A_33 {
          %add3A_42 = arith.constant 1 : i32
          %add3A_43 = arith.addi %add3A_21, %add3A_42 : i32
          %mul3A_44 = arith.constant 256 : i32
          %mul3A_45 = arith.muli %add3A_43, %mul3A_44 : i32
          %dma_start3A_46 = tpu.memref_slice %arg5[%mul3A_45] : memref<30720xi32, #tpu.memory_space<vmem>> -> memref<256xi32, #tpu.memory_space<vmem>>
          %dma_start3A_47 = arith.constant 0 : i32
          %dma_start3A_48 = arith.constant 0 : i32
          %dma_start3A_49 = tpu.memref_slice %arg2[%dma_start3A_47, %dma_start3A_48] : memref<8192x128xf32, #tpu.memory_space<hbm>> -> memref<8192x128xf32, #tpu.memory_space<hbm>>
          tpu.enqueue_indirect_dma source(%dma_start3A_49 : memref<8192x128xf32, #tpu.memory_space<hbm>>) target(%arg6 : memref<256x128xf32, #tpu.memory_space<vmem>>) offsets(%dma_start3A_46 : memref<256xi32, #tpu.memory_space<vmem>>) semaphore(%arg8 : memref<!tpu.dma_semaphore, #tpu.memory_space<semaphore_mem>>)
        } else {
        }
        %mul3A_34 = arith.constant 256 : i32
        %mul3A_35 = arith.muli %add3A_21, %mul3A_34 : i32
        %dma_wait3A = tpu.memref_slice %arg5[%mul3A_35] : memref<30720xi32, #tpu.memory_space<vmem>> -> memref<256xi32, #tpu.memory_space<vmem>>
        %dma_wait3A_36 = arith.constant 0 : i32
        %dma_wait3A_37 = arith.constant 0 : i32
        %dma_wait3A_38 = tpu.memref_slice %arg2[%dma_wait3A_36, %dma_wait3A_37] : memref<8192x128xf32, #tpu.memory_space<hbm>> -> memref<8192x128xf32, #tpu.memory_space<hbm>>
        tpu.wait_indirect_dma semaphore(%arg9 : memref<!tpu.dma_semaphore, #tpu.memory_space<semaphore_mem>>) src(%dma_wait3A_38 : memref<8192x128xf32, #tpu.memory_space<hbm>>) dst(%arg7 : memref<256x128xf32, #tpu.memory_space<vmem>>)
        %mul3A_39 = arith.constant 256 : i32
        %mul3A_40 = arith.muli %add3A_21, %mul3A_39 : i32
        %add3A_41 = arith.addi %mul3A_2, %mul3A_40 : i32
        "tpu.region"() ({
          %run_scoped3A = tpu.sem_alloc : memref<!tpu.dma_semaphore, #tpu.memory_space<semaphore_mem>>
          %dma_start3A_42 = arith.constant 0 : i32
          %dma_start3A_43 = tpu.memref_slice %arg4[%add3A_41, %dma_start3A_42] : memref<983040x128xf32, #tpu.memory_space<hbm>> -> memref<256x128xf32, #tpu.memory_space<hbm>>
          %dma_start3A_44 = arith.constant 0 : i32
          %dma_start3A_45 = tpu.memref_slice %arg4[%add3A_41, %dma_start3A_44] : memref<983040x128xf32, #tpu.memory_space<hbm>> -> memref<256x128xf32, #tpu.memory_space<hbm>>
          tpu.enqueue_dma source(%arg7 : memref<256x128xf32, #tpu.memory_space<vmem>>) target(%dma_start3A_45 : memref<256x128xf32, #tpu.memory_space<hbm>>) target_semaphore(%run_scoped3A : memref<!tpu.dma_semaphore, #tpu.memory_space<semaphore_mem>>)
          %dma_wait3A_46 = arith.constant 0 : i32
          %dma_wait3A_47 = tpu.memref_slice %arg4[%add3A_41, %dma_wait3A_46] : memref<983040x128xf32, #tpu.memory_space<hbm>> -> memref<256x128xf32, #tpu.memory_space<hbm>>
          %dma_wait3A_48 = arith.constant 0 : i32
          %dma_wait3A_49 = tpu.memref_slice %arg4[%add3A_41, %dma_wait3A_48] : memref<983040x128xf32, #tpu.memory_space<hbm>> -> memref<256x128xf32, #tpu.memory_space<hbm>>
          tpu.wait_dma2 semaphore(%run_scoped3A : memref<!tpu.dma_semaphore, #tpu.memory_space<semaphore_mem>>) src(%arg7 : memref<256x128xf32, #tpu.memory_space<vmem>>) dst(%dma_wait3A_49 : memref<256x128xf32, #tpu.memory_space<hbm>>)
          tpu.yield
        }) : () -> ()
      } else {
      }
    }
    %scan3A_10 = arith.constant 60 : i32
    return
  }
}

#map = affine_map<(d0, d1) -> (0, 0)>
#map1 = affine_map<(d0, d1) -> (0)>
module attributes {stable_mosaic.version = 14 : i64} {
  func.func @k(%arg0: i32, %arg1: i32, %arg2: memref<8192x128xf32, #tpu.memory_space<hbm>>, %arg3: memref<983040xi32, #tpu.memory_space<hbm>>, %arg4: memref<983040x128xf32, #tpu.memory_space<hbm>>, %arg5: memref<30720xi32, #tpu.memory_space<vmem>>, %arg6: memref<256x128xf32, #tpu.memory_space<vmem>>, %arg7: memref<256x128xf32, #tpu.memory_space<vmem>>, %arg8: memref<!tpu.dma_semaphore, #tpu.memory_space<semaphore_mem>>, %arg9: memref<!tpu.dma_semaphore, #tpu.memory_space<semaphore_mem>>) attributes {dimension_semantics = [#tpu.dimension_semantics<core_parallel>, #tpu.dimension_semantics<subcore_parallel>], iteration_bounds = array<i64: 2, 16>, scalar_prefetch = 0 : i64, scratch_operands = 5 : i64, tpu.core_type = #tpu.core_type<sc_vector_subcore>, window_params = [{transform_indices = #map}, {transform_indices = #map1}, {transform_indices = #map}]} {
    %mul3A = arith.constant 2 : i32
    %mul3A_0 = arith.muli %arg1, %mul3A : i32
    %add3A = arith.addi %mul3A_0, %arg0 : i32
    %mul3A_1 = arith.constant 30720 : i32
    %mul3A_2 = arith.muli %add3A, %mul3A_1 : i32
    "tpu.region"() ({
      %run_scoped3A = tpu.sem_alloc : memref<!tpu.dma_semaphore, #tpu.memory_space<semaphore_mem>>
      %dma_start3A_11 = tpu.memref_slice %arg3[%mul3A_2] : memref<983040xi32, #tpu.memory_space<hbm>> -> memref<30720xi32, #tpu.memory_space<hbm>>
      %dma_start3A_12 = tpu.memref_slice %arg3[%mul3A_2] : memref<983040xi32, #tpu.memory_space<hbm>> -> memref<30720xi32, #tpu.memory_space<hbm>>
      tpu.enqueue_dma source(%dma_start3A_12 : memref<30720xi32, #tpu.memory_space<hbm>>) target(%arg5 : memref<30720xi32, #tpu.memory_space<vmem>>) target_semaphore(%run_scoped3A : memref<!tpu.dma_semaphore, #tpu.memory_space<semaphore_mem>>)
      %dma_wait3A = tpu.memref_slice %arg3[%mul3A_2] : memref<983040xi32, #tpu.memory_space<hbm>> -> memref<30720xi32, #tpu.memory_space<hbm>>
      %dma_wait3A_13 = tpu.memref_slice %arg3[%mul3A_2] : memref<983040xi32, #tpu.memory_space<hbm>> -> memref<30720xi32, #tpu.memory_space<hbm>>
      tpu.wait_dma2 semaphore(%run_scoped3A : memref<!tpu.dma_semaphore, #tpu.memory_space<semaphore_mem>>) src(%dma_wait3A_13 : memref<30720xi32, #tpu.memory_space<hbm>>) dst(%arg5 : memref<30720xi32, #tpu.memory_space<vmem>>)
      tpu.yield
    }) : () -> ()
    %dma_start3A = arith.constant 0 : i32
    %dma_start3A_3 = tpu.memref_slice %arg5[%dma_start3A] : memref<30720xi32, #tpu.memory_space<vmem>> -> memref<256xi32, #tpu.memory_space<vmem>>
    %dma_start3A_4 = arith.constant 0 : i32
    %dma_start3A_5 = arith.constant 0 : i32
    %dma_start3A_6 = tpu.memref_slice %arg2[%dma_start3A_4, %dma_start3A_5] : memref<8192x128xf32, #tpu.memory_space<hbm>> -> memref<8192x128xf32, #tpu.memory_space<hbm>>
    tpu.enqueue_indirect_dma source(%dma_start3A_6 : memref<8192x128xf32, #tpu.memory_space<hbm>>) target(%arg6 : memref<256x128xf32, #tpu.memory_space<vmem>>) offsets(%dma_start3A_3 : memref<256xi32, #tpu.memory_space<vmem>>) semaphore(%arg8 : memref<!tpu.dma_semaphore, #tpu.memory_space<semaphore_mem>>)
    %scan3A = arith.constant 0 : i32
    %scan3A_7 = arith.constant 60 : i32
    %scan3A_8 = arith.addi %scan3A, %scan3A_7 : i32
    %scan3A_9 = arith.constant 1 : i32
    scf.for %scan3A_11 = %scan3A to %scan3A_8 step %scan3A_9  : i32 {
      %mul3A_12 = arith.constant 2 : i32
      %mul3A_13 = arith.muli %scan3A_11, %mul3A_12 : i32
      %add3A_14 = arith.constant 0 : i32
      %add3A_15 = arith.addi %add3A_14, %mul3A_13 : i32
      %add3A_16 = arith.constant 0 : i32
      %add3A_17 = arith.addi %add3A_15, %add3A_16 : i32
      %lt3A = arith.constant 120 : i32
      %lt3A_18 = arith.cmpi slt, %add3A_17, %lt3A : i32
      %convert_element_type3A = arith.extui %lt3A_18 : i1 to i32
      %cond3A = arith.constant 0 : i32
      %cond3A_19 = arith.cmpi ne, %convert_element_type3A, %cond3A : i32
      scf.if %cond3A_19 {
        %add3A_27 = arith.constant 1 : i32
        %add3A_28 = arith.addi %add3A_17, %add3A_27 : i32
        %lt3A_29 = arith.constant 120 : i32
        %lt3A_30 = arith.cmpi slt, %add3A_28, %lt3A_29 : i32
        %convert_element_type3A_31 = arith.extui %lt3A_30 : i1 to i32
        %cond3A_32 = arith.constant 0 : i32
        %cond3A_33 = arith.cmpi ne, %convert_element_type3A_31, %cond3A_32 : i32
        scf.if %cond3A_33 {
          %add3A_42 = arith.constant 1 : i32
          %add3A_43 = arith.addi %add3A_17, %add3A_42 : i32
          %mul3A_44 = arith.constant 256 : i32
          %mul3A_45 = arith.muli %add3A_43, %mul3A_44 : i32
          %dma_start3A_46 = tpu.memref_slice %arg5[%mul3A_45] : memref<30720xi32, #tpu.memory_space<vmem>> -> memref<256xi32, #tpu.memory_space<vmem>>
          %dma_start3A_47 = arith.constant 0 : i32
          %dma_start3A_48 = arith.constant 0 : i32
          %dma_start3A_49 = tpu.memref_slice %arg2[%dma_start3A_47, %dma_start3A_48] : memref<8192x128xf32, #tpu.memory_space<hbm>> -> memref<8192x128xf32, #tpu.memory_space<hbm>>
          tpu.enqueue_indirect_dma source(%dma_start3A_49 : memref<8192x128xf32, #tpu.memory_space<hbm>>) target(%arg7 : memref<256x128xf32, #tpu.memory_space<vmem>>) offsets(%dma_start3A_46 : memref<256xi32, #tpu.memory_space<vmem>>) semaphore(%arg9 : memref<!tpu.dma_semaphore, #tpu.memory_space<semaphore_mem>>)
        } else {
        }
        %mul3A_34 = arith.constant 256 : i32
        %mul3A_35 = arith.muli %add3A_17, %mul3A_34 : i32
        %dma_wait3A = tpu.memref_slice %arg5[%mul3A_35] : memref<30720xi32, #tpu.memory_space<vmem>> -> memref<256xi32, #tpu.memory_space<vmem>>
        %dma_wait3A_36 = arith.constant 0 : i32
        %dma_wait3A_37 = arith.constant 0 : i32
        %dma_wait3A_38 = tpu.memref_slice %arg2[%dma_wait3A_36, %dma_wait3A_37] : memref<8192x128xf32, #tpu.memory_space<hbm>> -> memref<8192x128xf32, #tpu.memory_space<hbm>>
        tpu.wait_indirect_dma semaphore(%arg8 : memref<!tpu.dma_semaphore, #tpu.memory_space<semaphore_mem>>) src(%dma_wait3A_38 : memref<8192x128xf32, #tpu.memory_space<hbm>>) dst(%arg6 : memref<256x128xf32, #tpu.memory_space<vmem>>)
        %mul3A_39 = arith.constant 256 : i32
        %mul3A_40 = arith.muli %add3A_17, %mul3A_39 : i32
        %add3A_41 = arith.addi %mul3A_2, %mul3A_40 : i32
        "tpu.region"() ({
          %run_scoped3A = tpu.sem_alloc : memref<!tpu.dma_semaphore, #tpu.memory_space<semaphore_mem>>
          %dma_start3A_42 = arith.constant 0 : i32
          %dma_start3A_43 = tpu.memref_slice %arg4[%add3A_41, %dma_start3A_42] : memref<983040x128xf32, #tpu.memory_space<hbm>> -> memref<256x128xf32, #tpu.memory_space<hbm>>
          %dma_start3A_44 = arith.constant 0 : i32
          %dma_start3A_45 = tpu.memref_slice %arg4[%add3A_41, %dma_start3A_44] : memref<983040x128xf32, #tpu.memory_space<hbm>> -> memref<256x128xf32, #tpu.memory_space<hbm>>
          tpu.enqueue_dma source(%arg6 : memref<256x128xf32, #tpu.memory_space<vmem>>) target(%dma_start3A_45 : memref<256x128xf32, #tpu.memory_space<hbm>>) target_semaphore(%run_scoped3A : memref<!tpu.dma_semaphore, #tpu.memory_space<semaphore_mem>>)
          %dma_wait3A_46 = arith.constant 0 : i32
          %dma_wait3A_47 = tpu.memref_slice %arg4[%add3A_41, %dma_wait3A_46] : memref<983040x128xf32, #tpu.memory_space<hbm>> -> memref<256x128xf32, #tpu.memory_space<hbm>>
          %dma_wait3A_48 = arith.constant 0 : i32
          %dma_wait3A_49 = tpu.memref_slice %arg4[%add3A_41, %dma_wait3A_48] : memref<983040x128xf32, #tpu.memory_space<hbm>> -> memref<256x128xf32, #tpu.memory_space<hbm>>
          tpu.wait_dma2 semaphore(%run_scoped3A : memref<!tpu.dma_semaphore, #tpu.memory_space<semaphore_mem>>) src(%arg6 : memref<256x128xf32, #tpu.memory_space<vmem>>) dst(%dma_wait3A_49 : memref<256x128xf32, #tpu.memory_space<hbm>>)
          tpu.yield
        }) : () -> ()
      } else {
      }
      %add3A_20 = arith.constant 1 : i32
      %add3A_21 = arith.addi %add3A_15, %add3A_20 : i32
      %lt3A_22 = arith.constant 120 : i32
      %lt3A_23 = arith.cmpi slt, %add3A_21, %lt3A_22 : i32
      %convert_element_type3A_24 = arith.extui %lt3A_23 : i1 to i32
      %cond3A_25 = arith.constant 0 : i32
      %cond3A_26 = arith.cmpi ne, %convert_element_type3A_24, %cond3A_25 : i32
      scf.if %cond3A_26 {
        %add3A_27 = arith.constant 1 : i32
        %add3A_28 = arith.addi %add3A_21, %add3A_27 : i32
        %lt3A_29 = arith.constant 120 : i32
        %lt3A_30 = arith.cmpi slt, %add3A_28, %lt3A_29 : i32
        %convert_element_type3A_31 = arith.extui %lt3A_30 : i1 to i32
        %cond3A_32 = arith.constant 0 : i32
        %cond3A_33 = arith.cmpi ne, %convert_element_type3A_31, %cond3A_32 : i32
        scf.if %cond3A_33 {
          %add3A_42 = arith.constant 1 : i32
          %add3A_43 = arith.addi %add3A_21, %add3A_42 : i32
          %mul3A_44 = arith.constant 256 : i32
          %mul3A_45 = arith.muli %add3A_43, %mul3A_44 : i32
          %dma_start3A_46 = tpu.memref_slice %arg5[%mul3A_45] : memref<30720xi32, #tpu.memory_space<vmem>> -> memref<256xi32, #tpu.memory_space<vmem>>
          %dma_start3A_47 = arith.constant 0 : i32
          %dma_start3A_48 = arith.constant 0 : i32
          %dma_start3A_49 = tpu.memref_slice %arg2[%dma_start3A_47, %dma_start3A_48] : memref<8192x128xf32, #tpu.memory_space<hbm>> -> memref<8192x128xf32, #tpu.memory_space<hbm>>
          tpu.enqueue_indirect_dma source(%dma_start3A_49 : memref<8192x128xf32, #tpu.memory_space<hbm>>) target(%arg6 : memref<256x128xf32, #tpu.memory_space<vmem>>) offsets(%dma_start3A_46 : memref<256xi32, #tpu.memory_space<vmem>>) semaphore(%arg8 : memref<!tpu.dma_semaphore, #tpu.memory_space<semaphore_mem>>)
        } else {
        }
        %mul3A_34 = arith.constant 256 : i32
        %mul3A_35 = arith.muli %add3A_21, %mul3A_34 : i32
        %dma_wait3A = tpu.memref_slice %arg5[%mul3A_35] : memref<30720xi32, #tpu.memory_space<vmem>> -> memref<256xi32, #tpu.memory_space<vmem>>
        %dma_wait3A_36 = arith.constant 0 : i32
        %dma_wait3A_37 = arith.constant 0 : i32
        %dma_wait3A_38 = tpu.memref_slice %arg2[%dma_wait3A_36, %dma_wait3A_37] : memref<8192x128xf32, #tpu.memory_space<hbm>> -> memref<8192x128xf32, #tpu.memory_space<hbm>>
        tpu.wait_indirect_dma semaphore(%arg9 : memref<!tpu.dma_semaphore, #tpu.memory_space<semaphore_mem>>) src(%dma_wait3A_38 : memref<8192x128xf32, #tpu.memory_space<hbm>>) dst(%arg7 : memref<256x128xf32, #tpu.memory_space<vmem>>)
        %mul3A_39 = arith.constant 256 : i32
        %mul3A_40 = arith.muli %add3A_21, %mul3A_39 : i32
        %add3A_41 = arith.addi %mul3A_2, %mul3A_40 : i32
        "tpu.region"() ({
          %run_scoped3A = tpu.sem_alloc : memref<!tpu.dma_semaphore, #tpu.memory_space<semaphore_mem>>
          %dma_start3A_42 = arith.constant 0 : i32
          %dma_start3A_43 = tpu.memref_slice %arg4[%add3A_41, %dma_start3A_42] : memref<983040x128xf32, #tpu.memory_space<hbm>> -> memref<256x128xf32, #tpu.memory_space<hbm>>
          %dma_start3A_44 = arith.constant 0 : i32
          %dma_start3A_45 = tpu.memref_slice %arg4[%add3A_41, %dma_start3A_44] : memref<983040x128xf32, #tpu.memory_space<hbm>> -> memref<256x128xf32, #tpu.memory_space<hbm>>
          tpu.enqueue_dma source(%arg7 : memref<256x128xf32, #tpu.memory_space<vmem>>) target(%dma_start3A_45 : memref<256x128xf32, #tpu.memory_space<hbm>>) target_semaphore(%run_scoped3A : memref<!tpu.dma_semaphore, #tpu.memory_space<semaphore_mem>>)
          %dma_wait3A_46 = arith.constant 0 : i32
          %dma_wait3A_47 = tpu.memref_slice %arg4[%add3A_41, %dma_wait3A_46] : memref<983040x128xf32, #tpu.memory_space<hbm>> -> memref<256x128xf32, #tpu.memory_space<hbm>>
          %dma_wait3A_48 = arith.constant 0 : i32
          %dma_wait3A_49 = tpu.memref_slice %arg4[%add3A_41, %dma_wait3A_48] : memref<983040x128xf32, #tpu.memory_space<hbm>> -> memref<256x128xf32, #tpu.memory_space<hbm>>
          tpu.wait_dma2 semaphore(%run_scoped3A : memref<!tpu.dma_semaphore, #tpu.memory_space<semaphore_mem>>) src(%arg7 : memref<256x128xf32, #tpu.memory_space<vmem>>) dst(%dma_wait3A_49 : memref<256x128xf32, #tpu.memory_space<hbm>>)
          tpu.yield
        }) : () -> ()
      } else {
      }
    }
    %scan3A_10 = arith.constant 60 : i32
    return
  }
}

module attributes {stable_mosaic.version = 14 : i64} {
  func.func @_geo_body(%arg0: i32, %arg1: memref<64x120xf32, #tpu.memory_space<vmem>>, %arg2: memref<64x120xf32, #tpu.memory_space<vmem>>, %arg3: memref<64x120xf32, #tpu.memory_space<vmem>>, %arg4: memref<64x4xf32, #tpu.memory_space<vmem>>, %arg5: memref<4x64xf32, #tpu.memory_space<vmem>>, %arg6: memref<1x64xf32, #tpu.memory_space<vmem>>, %arg7: memref<64x120xf32, #tpu.memory_space<vmem>>, %arg8: memref<64x120xf32, #tpu.memory_space<vmem>>, %arg9: memref<64x120xf32, #tpu.memory_space<vmem>>, %arg10: memref<64x120xf32, #tpu.memory_space<vmem>>, %arg11: memref<64x120xf32, #tpu.memory_space<vmem>>, %arg12: memref<64x120x64xf32, #tpu.memory_space<vmem>>) attributes {dimension_semantics = [#tpu.dimension_semantics<arbitrary>], iteration_bounds = array<i64: 128>, scalar_prefetch = 0 : i64, scratch_operands = 0 : i64, tpu.core_type = #tpu.core_type<tc>, window_params = [{transform_indices = @transform_0, window_bounds = array<i64: 64, 120>}, {transform_indices = @transform_1, window_bounds = array<i64: 64, 120>}, {transform_indices = @transform_2, window_bounds = array<i64: 64, 120>}, {transform_indices = @transform_3, window_bounds = array<i64: 64, 4>}, {pipeline_mode = #tpu.pipeline_mode<synchronous>, transform_indices = @transform_4, window_bounds = array<i64: 4, 64>}, {pipeline_mode = #tpu.pipeline_mode<synchronous>, transform_indices = @transform_5, window_bounds = array<i64: 1, 64>}, {transform_indices = @transform_6, window_bounds = array<i64: 64, 120>}, {transform_indices = @transform_7, window_bounds = array<i64: 64, 120>}, {transform_indices = @transform_8, window_bounds = array<i64: 64, 120>}, {transform_indices = @transform_9, window_bounds = array<i64: 64, 120>}, {transform_indices = @transform_10, window_bounds = array<i64: 64, 120>}, {transform_indices = @transform_11, window_bounds = array<i64: 64, 120, 64>}]} {
    %get3A = arith.constant 0 : index
    %get3A_0 = arith.constant 0 : index
    %get3A_1 = vector.load %arg4[%get3A, %get3A_0] : memref<64x4xf32, #tpu.memory_space<vmem>>, vector<64x4xf32>
    %get3A_2 = arith.constant 0 : index
    %get3A_3 = arith.constant 0 : index
    %get3A_4 = vector.load %arg1[%get3A_2, %get3A_3] : memref<64x120xf32, #tpu.memory_space<vmem>>, vector<64x120xf32>
    %slice3A = vector.extract_strided_slice %get3A_1 {offsets = [0, 0], sizes = [64, 1], strides = [1, 1]} : vector<64x4xf32> to vector<64x1xf32>
    %squeeze3A = vector.shape_cast %slice3A : vector<64x1xf32> to vector<64xf32>
    %broadcast_in_dim3A = vector.shape_cast %squeeze3A : vector<64xf32> to vector<64x1xf32>
    %sub3A = vector.broadcast %broadcast_in_dim3A : vector<64x1xf32> to vector<64x120xf32>
    %sub3A_5 = arith.subf %get3A_4, %sub3A : vector<64x120xf32>
    %get3A_6 = arith.constant 0 : index
    %get3A_7 = arith.constant 0 : index
    %get3A_8 = vector.load %arg2[%get3A_6, %get3A_7] : memref<64x120xf32, #tpu.memory_space<vmem>>, vector<64x120xf32>
    %slice3A_9 = vector.extract_strided_slice %get3A_1 {offsets = [0, 1], sizes = [64, 1], strides = [1, 1]} : vector<64x4xf32> to vector<64x1xf32>
    %squeeze3A_10 = vector.shape_cast %slice3A_9 : vector<64x1xf32> to vector<64xf32>
    %broadcast_in_dim3A_11 = vector.shape_cast %squeeze3A_10 : vector<64xf32> to vector<64x1xf32>
    %sub3A_12 = vector.broadcast %broadcast_in_dim3A_11 : vector<64x1xf32> to vector<64x120xf32>
    %sub3A_13 = arith.subf %get3A_8, %sub3A_12 : vector<64x120xf32>
    %get3A_14 = arith.constant 0 : index
    %get3A_15 = arith.constant 0 : index
    %get3A_16 = vector.load %arg3[%get3A_14, %get3A_15] : memref<64x120xf32, #tpu.memory_space<vmem>>, vector<64x120xf32>
    %slice3A_17 = vector.extract_strided_slice %get3A_1 {offsets = [0, 2], sizes = [64, 1], strides = [1, 1]} : vector<64x4xf32> to vector<64x1xf32>
    %squeeze3A_18 = vector.shape_cast %slice3A_17 : vector<64x1xf32> to vector<64xf32>
    %broadcast_in_dim3A_19 = vector.shape_cast %squeeze3A_18 : vector<64xf32> to vector<64x1xf32>
    %sub3A_20 = vector.broadcast %broadcast_in_dim3A_19 : vector<64x1xf32> to vector<64x120xf32>
    %sub3A_21 = arith.subf %get3A_16, %sub3A_20 : vector<64x120xf32>
    %mul3A = arith.mulf %sub3A_5, %sub3A_5 : vector<64x120xf32>
    %mul3A_22 = arith.mulf %sub3A_13, %sub3A_13 : vector<64x120xf32>
    %add3A = arith.addf %mul3A, %mul3A_22 : vector<64x120xf32>
    %mul3A_23 = arith.mulf %sub3A_21, %sub3A_21 : vector<64x120xf32>
    %add3A_24 = arith.addf %add3A, %mul3A_23 : vector<64x120xf32>
    %add3A_25 = arith.constant 9.99999996E-13 : f32
    %add3A_26 = vector.broadcast %add3A_25 : f32 to vector<64x120xf32>
    %add3A_27 = arith.addf %add3A_24, %add3A_26 : vector<64x120xf32>
    %sqrt3A = math.sqrt %add3A_27 : vector<64x120xf32>
    %sub3A_28 = arith.constant 5.000000e+00 : f32
    %sub3A_29 = vector.broadcast %sub3A_28 : f32 to vector<64x120xf32>
    %sub3A_30 = arith.subf %sqrt3A, %sub3A_29 : vector<64x120xf32>
    %jit3A = arith.constant 0.000000e+00 : f32
    %jit3A_31 = arith.constant 1.000000e+00 : f32
    %max3A = vector.broadcast %jit3A : f32 to vector<64x120xf32>
    %max3A_32 = arith.maximumf %max3A, %sub3A_30 : vector<64x120xf32>
    %min3A = vector.broadcast %jit3A_31 : f32 to vector<64x120xf32>
    %min3A_33 = arith.minimumf %min3A, %max3A_32 : vector<64x120xf32>
    %mul3A_34 = arith.mulf %min3A_33, %min3A_33 : vector<64x120xf32>
    %mul3A_35 = arith.mulf %mul3A_34, %min3A_33 : vector<64x120xf32>
    %mul3A_36 = arith.constant -6.000000e+00 : f32
    %mul3A_37 = vector.broadcast %mul3A_36 : f32 to vector<64x120xf32>
    %mul3A_38 = arith.mulf %mul3A_37, %min3A_33 : vector<64x120xf32>
    %mul3A_39 = arith.mulf %mul3A_38, %min3A_33 : vector<64x120xf32>
    %mul3A_40 = arith.constant 1.500000e+01 : f32
    %mul3A_41 = vector.broadcast %mul3A_40 : f32 to vector<64x120xf32>
    %mul3A_42 = arith.mulf %mul3A_41, %min3A_33 : vector<64x120xf32>
    %add3A_43 = arith.addf %mul3A_39, %mul3A_42 : vector<64x120xf32>
    %sub3A_44 = arith.constant 1.000000e+01 : f32
    %sub3A_45 = vector.broadcast %sub3A_44 : f32 to vector<64x120xf32>
    %sub3A_46 = arith.subf %add3A_43, %sub3A_45 : vector<64x120xf32>
    %mul3A_47 = arith.mulf %mul3A_35, %sub3A_46 : vector<64x120xf32>
    %add3A_48 = arith.constant 1.000000e+00 : f32
    %add3A_49 = vector.broadcast %add3A_48 : f32 to vector<64x120xf32>
    %add3A_50 = arith.addf %mul3A_47, %add3A_49 : vector<64x120xf32>
    %add3A_51 = arith.constant 9.99999997E-7 : f32
    %add3A_52 = vector.broadcast %add3A_51 : f32 to vector<64x120xf32>
    %add3A_53 = arith.addf %sqrt3A, %add3A_52 : vector<64x120xf32>
    %div3A = arith.constant 1.000000e+00 : f32
    %div3A_54 = vector.broadcast %div3A : f32 to vector<64x120xf32>
    %div3A_55 = arith.divf %div3A_54, %add3A_53 : vector<64x120xf32>
    %mul3A_56 = arith.mulf %add3A_50, %div3A_55 : vector<64x120xf32>
    %mul3A_57 = arith.mulf %mul3A_56, %div3A_55 : vector<64x120xf32>
    %mul3A_58 = arith.mulf %mul3A_57, %sub3A_5 : vector<64x120xf32>
    %mul3A_59 = arith.mulf %mul3A_57, %sub3A_13 : vector<64x120xf32>
    %mul3A_60 = arith.mulf %mul3A_57, %sub3A_21 : vector<64x120xf32>
    %swap3A = arith.constant 0 : index
    %swap3A_61 = arith.constant 0 : index
    %swap3A_62 = vector.load %arg7[%swap3A, %swap3A_61] : memref<64x120xf32, #tpu.memory_space<vmem>>, vector<64x120xf32>
    tpu.vector_store %arg7[%swap3A, %swap3A_61], %add3A_50 {strides = array<i32>} : memref<64x120xf32, #tpu.memory_space<vmem>>, vector<64x120xf32>,
    %swap3A_63 = arith.constant 0 : index
    %swap3A_64 = arith.constant 0 : index
    %swap3A_65 = vector.load %arg8[%swap3A_63, %swap3A_64] : memref<64x120xf32, #tpu.memory_space<vmem>>, vector<64x120xf32>
    tpu.vector_store %arg8[%swap3A_63, %swap3A_64], %mul3A_56 {strides = array<i32>} : memref<64x120xf32, #tpu.memory_space<vmem>>, vector<64x120xf32>,
    %swap3A_66 = arith.constant 0 : index
    %swap3A_67 = arith.constant 0 : index
    %swap3A_68 = vector.load %arg9[%swap3A_66, %swap3A_67] : memref<64x120xf32, #tpu.memory_space<vmem>>, vector<64x120xf32>
    tpu.vector_store %arg9[%swap3A_66, %swap3A_67], %mul3A_58 {strides = array<i32>} : memref<64x120xf32, #tpu.memory_space<vmem>>, vector<64x120xf32>,
    %swap3A_69 = arith.constant 0 : index
    %swap3A_70 = arith.constant 0 : index
    %swap3A_71 = vector.load %arg10[%swap3A_69, %swap3A_70] : memref<64x120xf32, #tpu.memory_space<vmem>>, vector<64x120xf32>
    tpu.vector_store %arg10[%swap3A_69, %swap3A_70], %mul3A_59 {strides = array<i32>} : memref<64x120xf32, #tpu.memory_space<vmem>>, vector<64x120xf32>,
    %swap3A_72 = arith.constant 0 : index
    %swap3A_73 = arith.constant 0 : index
    %swap3A_74 = vector.load %arg11[%swap3A_72, %swap3A_73] : memref<64x120xf32, #tpu.memory_space<vmem>>, vector<64x120xf32>
    tpu.vector_store %arg11[%swap3A_72, %swap3A_73], %mul3A_60 {strides = array<i32>} : memref<64x120xf32, #tpu.memory_space<vmem>>, vector<64x120xf32>,
    %get3A_75 = arith.constant 0 : index
    %get3A_76 = arith.constant 0 : index
    %get3A_77 = vector.load %arg5[%get3A_75, %get3A_76] : memref<4x64xf32, #tpu.memory_space<vmem>>, vector<4x64xf32>
    %broadcast_in_dim3A_78 = vector.shape_cast %mul3A_56 : vector<64x120xf32> to vector<64x120x1xf32>
    %slice3A_79 = vector.extract_strided_slice %get3A_77 {offsets = [0, 0], sizes = [1, 64], strides = [1, 1]} : vector<4x64xf32> to vector<1x64xf32>
    %squeeze3A_80 = vector.shape_cast %slice3A_79 : vector<1x64xf32> to vector<64xf32>
    %broadcast_in_dim3A_81 = vector.shape_cast %squeeze3A_80 : vector<64xf32> to vector<1x1x64xf32>
    %mul3A_82 = vector.broadcast %broadcast_in_dim3A_78 : vector<64x120x1xf32> to vector<64x120x64xf32>
    %mul3A_83 = vector.broadcast %broadcast_in_dim3A_81 : vector<1x1x64xf32> to vector<64x120x64xf32>
    %mul3A_84 = arith.mulf %mul3A_82, %mul3A_83 : vector<64x120x64xf32>
    %broadcast_in_dim3A_85 = vector.shape_cast %mul3A_58 : vector<64x120xf32> to vector<64x120x1xf32>
    %slice3A_86 = vector.extract_strided_slice %get3A_77 {offsets = [1, 0], sizes = [1, 64], strides = [1, 1]} : vector<4x64xf32> to vector<1x64xf32>
    %squeeze3A_87 = vector.shape_cast %slice3A_86 : vector<1x64xf32> to vector<64xf32>
    %broadcast_in_dim3A_88 = vector.shape_cast %squeeze3A_87 : vector<64xf32> to vector<1x1x64xf32>
    %mul3A_89 = vector.broadcast %broadcast_in_dim3A_85 : vector<64x120x1xf32> to vector<64x120x64xf32>
    %mul3A_90 = vector.broadcast %broadcast_in_dim3A_88 : vector<1x1x64xf32> to vector<64x120x64xf32>
    %mul3A_91 = arith.mulf %mul3A_89, %mul3A_90 : vector<64x120x64xf32>
    %add3A_92 = arith.addf %mul3A_84, %mul3A_91 : vector<64x120x64xf32>
    %broadcast_in_dim3A_93 = vector.shape_cast %mul3A_59 : vector<64x120xf32> to vector<64x120x1xf32>
    %slice3A_94 = vector.extract_strided_slice %get3A_77 {offsets = [2, 0], sizes = [1, 64], strides = [1, 1]} : vector<4x64xf32> to vector<1x64xf32>
    %squeeze3A_95 = vector.shape_cast %slice3A_94 : vector<1x64xf32> to vector<64xf32>
    %broadcast_in_dim3A_96 = vector.shape_cast %squeeze3A_95 : vector<64xf32> to vector<1x1x64xf32>
    %mul3A_97 = vector.broadcast %broadcast_in_dim3A_93 : vector<64x120x1xf32> to vector<64x120x64xf32>
    %mul3A_98 = vector.broadcast %broadcast_in_dim3A_96 : vector<1x1x64xf32> to vector<64x120x64xf32>
    %mul3A_99 = arith.mulf %mul3A_97, %mul3A_98 : vector<64x120x64xf32>
    %add3A_100 = arith.addf %add3A_92, %mul3A_99 : vector<64x120x64xf32>
    %broadcast_in_dim3A_101 = vector.shape_cast %mul3A_60 : vector<64x120xf32> to vector<64x120x1xf32>
    %slice3A_102 = vector.extract_strided_slice %get3A_77 {offsets = [3, 0], sizes = [1, 64], strides = [1, 1]} : vector<4x64xf32> to vector<1x64xf32>
    %squeeze3A_103 = vector.shape_cast %slice3A_102 : vector<1x64xf32> to vector<64xf32>
    %broadcast_in_dim3A_104 = vector.shape_cast %squeeze3A_103 : vector<64xf32> to vector<1x1x64xf32>
    %mul3A_105 = vector.broadcast %broadcast_in_dim3A_101 : vector<64x120x1xf32> to vector<64x120x64xf32>
    %mul3A_106 = vector.broadcast %broadcast_in_dim3A_104 : vector<1x1x64xf32> to vector<64x120x64xf32>
    %mul3A_107 = arith.mulf %mul3A_105, %mul3A_106 : vector<64x120x64xf32>
    %add3A_108 = arith.addf %add3A_100, %mul3A_107 : vector<64x120x64xf32>
    %get3A_109 = arith.constant 0 : index
    %get3A_110 = arith.constant 0 : index
    %get3A_111 = vector.load %arg6[%get3A_109, %get3A_110] : memref<1x64xf32, #tpu.memory_space<vmem>>, vector<1x64xf32>
    %broadcast_in_dim3A_112 = vector.shape_cast %get3A_111 : vector<1x64xf32> to vector<1x1x64xf32>
    %add3A_113 = vector.broadcast %broadcast_in_dim3A_112 : vector<1x1x64xf32> to vector<64x120x64xf32>
    %add3A_114 = arith.addf %add3A_108, %add3A_113 : vector<64x120x64xf32>
    %logistic3A = arith.negf %add3A_114 : vector<64x120x64xf32>
    %logistic3A_115 = math.exp %logistic3A : vector<64x120x64xf32>
    %logistic3A_116 = arith.constant 1.000000e+00 : f32
    %logistic3A_117 = vector.broadcast %logistic3A_116 : f32 to vector<64x120x64xf32>
    %logistic3A_118 = arith.addf %logistic3A_117, %logistic3A_115 : vector<64x120x64xf32>
    %logistic3A_119 = arith.divf %logistic3A_117, %logistic3A_118 : vector<64x120x64xf32>
    %mul3A_120 = arith.mulf %add3A_114, %logistic3A_119 : vector<64x120x64xf32>
    %swap3A_121 = arith.constant 0 : index
    %swap3A_122 = arith.constant 0 : index
    %swap3A_123 = arith.constant 0 : index
    %swap3A_124 = vector.load %arg12[%swap3A_121, %swap3A_122, %swap3A_123] : memref<64x120x64xf32, #tpu.memory_space<vmem>>, vector<64x120x64xf32>
    tpu.vector_store %arg12[%swap3A_121, %swap3A_122, %swap3A_123], %mul3A_120 {strides = array<i32>} : memref<64x120x64xf32, #tpu.memory_space<vmem>>, vector<64x120x64xf32>,
    return
  }
  func.func @transform_0(%arg0: i32) -> (i32, i32) {
    %c0_i32 = arith.constant 0 : i32
    %c0_i32_0 = arith.constant 0 : i32
    return %arg0, %c0_i32 : i32, i32
  }
  func.func @transform_1(%arg0: i32) -> (i32, i32) {
    %c0_i32 = arith.constant 0 : i32
    %c0_i32_0 = arith.constant 0 : i32
    return %arg0, %c0_i32 : i32, i32
  }
  func.func @transform_2(%arg0: i32) -> (i32, i32) {
    %c0_i32 = arith.constant 0 : i32
    %c0_i32_0 = arith.constant 0 : i32
    return %arg0, %c0_i32 : i32, i32
  }
  func.func @transform_3(%arg0: i32) -> (i32, i32) {
    %c0_i32 = arith.constant 0 : i32
    %c0_i32_0 = arith.constant 0 : i32
    return %arg0, %c0_i32 : i32, i32
  }
  func.func @transform_4(%arg0: i32) -> (i32, i32) {
    %c0_i32 = arith.constant 0 : i32
    %c0_i32_0 = arith.constant 0 : i32
    %c0_i32_1 = arith.constant 0 : i32
    return %c0_i32, %c0_i32_0 : i32, i32
  }
  func.func @transform_5(%arg0: i32) -> (i32, i32) {
    %c0_i32 = arith.constant 0 : i32
    %c0_i32_0 = arith.constant 0 : i32
    %c0_i32_1 = arith.constant 0 : i32
    return %c0_i32, %c0_i32_0 : i32, i32
  }
  func.func @transform_6(%arg0: i32) -> (i32, i32) {
    %c0_i32 = arith.constant 0 : i32
    %c0_i32_0 = arith.constant 0 : i32
    return %arg0, %c0_i32 : i32, i32
  }
  func.func @transform_7(%arg0: i32) -> (i32, i32) {
    %c0_i32 = arith.constant 0 : i32
    %c0_i32_0 = arith.constant 0 : i32
    return %arg0, %c0_i32 : i32, i32
  }
  func.func @transform_8(%arg0: i32) -> (i32, i32) {
    %c0_i32 = arith.constant 0 : i32
    %c0_i32_0 = arith.constant 0 : i32
    return %arg0, %c0_i32 : i32, i32
  }
  func.func @transform_9(%arg0: i32) -> (i32, i32) {
    %c0_i32 = arith.constant 0 : i32
    %c0_i32_0 = arith.constant 0 : i32
    return %arg0, %c0_i32 : i32, i32
  }
  func.func @transform_10(%arg0: i32) -> (i32, i32) {
    %c0_i32 = arith.constant 0 : i32
    %c0_i32_0 = arith.constant 0 : i32
    return %arg0, %c0_i32 : i32, i32
  }
  func.func @transform_11(%arg0: i32) -> (i32, i32, i32) {
    %c0_i32 = arith.constant 0 : i32
    %c0_i32_0 = arith.constant 0 : i32
    %c0_i32_1 = arith.constant 0 : i32
    return %arg0, %c0_i32, %c0_i32_0 : i32, i32, i32
  }
}

module attributes {stable_mosaic.version = 14 : i64} {
  func.func @_layer_a0_body(%arg0: i32, %arg1: memref<64x120x64xf32, #tpu.memory_space<vmem>>, %arg2: memref<64x120xi32, #tpu.memory_space<vmem>>, %arg3: memref<64x120xf32, #tpu.memory_space<vmem>>, %arg4: memref<64x1xi32, #tpu.memory_space<vmem>>, %arg5: memref<8x128xf32, #tpu.memory_space<vmem>>, %arg6: memref<64x128xf32, #tpu.memory_space<vmem>>, %arg7: memref<128x128xf32, #tpu.memory_space<vmem>>, %arg8: memref<128x128xf32, #tpu.memory_space<vmem>>, %arg9: memref<128x64xf32, #tpu.memory_space<vmem>>, %arg10: memref<64x128xf32, #tpu.memory_space<vmem>>, %arg11: memref<64x64xf32, #tpu.memory_space<vmem>>) attributes {dimension_semantics = [#tpu.dimension_semantics<arbitrary>], iteration_bounds = array<i64: 128>, scalar_prefetch = 0 : i64, scratch_operands = 0 : i64, tpu.core_type = #tpu.core_type<tc>, window_params = [{transform_indices = @transform_0, window_bounds = array<i64: 64, 120, 64>}, {transform_indices = @transform_1, window_bounds = array<i64: 64, 120>}, {transform_indices = @transform_2, window_bounds = array<i64: 64, 120>}, {transform_indices = @transform_3, window_bounds = array<i64: 64, 1>}, {pipeline_mode = #tpu.pipeline_mode<synchronous>, transform_indices = @transform_4, window_bounds = array<i64: 8, 128>}, {pipeline_mode = #tpu.pipeline_mode<synchronous>, transform_indices = @transform_5, window_bounds = array<i64: 64, 128>}, {pipeline_mode = #tpu.pipeline_mode<synchronous>, transform_indices = @transform_6, window_bounds = array<i64: 128, 128>}, {pipeline_mode = #tpu.pipeline_mode<synchronous>, transform_indices = @transform_7, window_bounds = array<i64: 128, 128>}, {pipeline_mode = #tpu.pipeline_mode<synchronous>, transform_indices = @transform_8, window_bounds = array<i64: 128, 64>}, {transform_indices = @transform_9, window_bounds = array<i64: 64, 128>}, {transform_indices = @transform_10, window_bounds = array<i64: 64, 64>}]} {
    %get3A = arith.constant 0 : index
    %get3A_0 = arith.constant 0 : index
    %get3A_1 = arith.constant 0 : index
    %get3A_2 = vector.load %arg1[%get3A, %get3A_0, %get3A_1] : memref<64x120x64xf32, #tpu.memory_space<vmem>>, vector<64x120x64xf32>
    %reshape3A = vector.shape_cast %get3A_2 : vector<64x120x64xf32> to vector<7680x64xf32>
    %get3A_3 = arith.constant 0 : index
    %get3A_4 = arith.constant 0 : index
    %get3A_5 = vector.load %arg6[%get3A_3, %get3A_4] : memref<64x128xf32, #tpu.memory_space<vmem>>, vector<64x128xf32>
    %dot_general3A = arith.constant dense<0.000000e+00> : vector<7680x128xf32>
    %dot_general3A_6 = tpu.matmul %reshape3A, %get3A_5, %dot_general3A {dimension_numbers = #tpu.dot_dimension_numbers<[1], [0], [0], [1], [0, 0, 1, 1], [], []>, transpose_lhs_hint = false} : vector<7680x64xf32>, vector<64x128xf32>, vector<7680x128xf32> -> vector<7680x128xf32>
    %reshape3A_7 = vector.shape_cast %dot_general3A_6 : vector<7680x128xf32> to vector<64x120x128xf32>
    %get3A_8 = arith.constant 0 : index
    %get3A_9 = arith.constant 0 : index
    %get3A_10 = vector.load %arg5[%get3A_8, %get3A_9] : memref<8x128xf32, #tpu.memory_space<vmem>>, vector<8x128xf32>
    %get3A_11 = arith.constant 0 : index
    %get3A_12 = arith.constant 0 : index
    %get3A_13 = vector.load %arg2[%get3A_11, %get3A_12] : memref<64x120xi32, #tpu.memory_space<vmem>>, vector<64x120xi32>
    %broadcast_in_dim3A = vector.shape_cast %get3A_13 : vector<64x120xi32> to vector<64x120x1xi32>
    %iota3A = tpu.iota {dimensions = array<i32: 2>} : vector<1x1x8xi32>
    %eq3A = vector.broadcast %broadcast_in_dim3A : vector<64x120x1xi32> to vector<64x120x8xi32>
    %eq3A_14 = vector.broadcast %iota3A : vector<1x1x8xi32> to vector<64x120x8xi32>
    %eq3A_15 = arith.cmpi eq, %eq3A, %eq3A_14 : vector<64x120x8xi32>
    %convert_element_type3A = arith.extui %eq3A_15 : vector<64x120x8xi1> to vector<64x120x8xi32>
    %convert_element_type3A_16 = arith.sitofp %convert_element_type3A : vector<64x120x8xi32> to vector<64x120x8xf32>
    %reshape3A_17 = vector.shape_cast %convert_element_type3A_16 : vector<64x120x8xf32> to vector<7680x8xf32>
    %dot_general3A_18 = arith.constant dense<0.000000e+00> : vector<7680x128xf32>
    %dot_general3A_19 = tpu.matmul %reshape3A_17, %get3A_10, %dot_general3A_18 {dimension_numbers = #tpu.dot_dimension_numbers<[1], [0], [0], [1], [0, 0, 1, 1], [], []>, transpose_lhs_hint = false} : vector<7680x8xf32>, vector<8x128xf32>, vector<7680x128xf32> -> vector<7680x128xf32>
    %reshape3A_20 = vector.shape_cast %dot_general3A_19 : vector<7680x128xf32> to vector<64x120x128xf32>
    %get3A_21 = arith.constant 0 : index
    %get3A_22 = arith.constant 0 : index
    %get3A_23 = vector.load %arg4[%get3A_21, %get3A_22] : memref<64x1xi32, #tpu.memory_space<vmem>>, vector<64x1xi32>
    %iota3A_24 = tpu.iota {dimensions = array<i32: 1>} : vector<1x8xi32>
    %eq3A_25 = vector.broadcast %get3A_23 : vector<64x1xi32> to vector<64x8xi32>
    %eq3A_26 = vector.broadcast %iota3A_24 : vector<1x8xi32> to vector<64x8xi32>
    %eq3A_27 = arith.cmpi eq, %eq3A_25, %eq3A_26 : vector<64x8xi32>
    %convert_element_type3A_28 = arith.extui %eq3A_27 : vector<64x8xi1> to vector<64x8xi32>
    %convert_element_type3A_29 = arith.sitofp %convert_element_type3A_28 : vector<64x8xi32> to vector<64x8xf32>
    %dot_general3A_30 = arith.constant dense<0.000000e+00> : vector<64x128xf32>
    %dot_general3A_31 = tpu.matmul %convert_element_type3A_29, %get3A_10, %dot_general3A_30 {dimension_numbers = #tpu.dot_dimension_numbers<[1], [0], [0], [1], [0, 0, 1, 1], [], []>, transpose_lhs_hint = false} : vector<64x8xf32>, vector<8x128xf32>, vector<64x128xf32> -> vector<64x128xf32>
    %mul3A = arith.mulf %reshape3A_7, %reshape3A_20 : vector<64x120x128xf32>
    %get3A_32 = arith.constant 0 : index
    %get3A_33 = arith.constant 0 : index
    %get3A_34 = vector.load %arg3[%get3A_32, %get3A_33] : memref<64x120xf32, #tpu.memory_space<vmem>>, vector<64x120xf32>
    %broadcast_in_dim3A_35 = vector.shape_cast %get3A_34 : vector<64x120xf32> to vector<64x120x1xf32>
    %mul3A_36 = vector.broadcast %broadcast_in_dim3A_35 : vector<64x120x1xf32> to vector<64x120x128xf32>
    %mul3A_37 = arith.mulf %mul3A, %mul3A_36 : vector<64x120x128xf32>
    %reduce_sum3A = arith.constant dense<0.000000e+00> : vector<64x128xf32>
    %reduce_sum3A_38 = vector.multi_reduction <add>, %mul3A_37, %reduce_sum3A [1] : vector<64x120x128xf32> to vector<64x128xf32>
    %mul3A_39 = arith.constant 0.0833333358 : f32
    %mul3A_40 = vector.broadcast %mul3A_39 : f32 to vector<64x128xf32>
    %mul3A_41 = arith.mulf %reduce_sum3A_38, %mul3A_40 : vector<64x128xf32>
    %get3A_42 = arith.constant 0 : index
    %get3A_43 = arith.constant 0 : index
    %get3A_44 = vector.load %arg7[%get3A_42, %get3A_43] : memref<128x128xf32, #tpu.memory_space<vmem>>, vector<128x128xf32>
    %dot_general3A_45 = arith.constant dense<0.000000e+00> : vector<64x128xf32>
    %dot_general3A_46 = tpu.matmul %mul3A_41, %get3A_44, %dot_general3A_45 {dimension_numbers = #tpu.dot_dimension_numbers<[1], [0], [0], [1], [0, 0, 1, 1], [], []>, transpose_lhs_hint = false} : vector<64x128xf32>, vector<128x128xf32>, vector<64x128xf32> -> vector<64x128xf32>
    %get3A_47 = arith.constant 0 : index
    %get3A_48 = arith.constant 0 : index
    %get3A_49 = vector.load %arg8[%get3A_47, %get3A_48] : memref<128x128xf32, #tpu.memory_space<vmem>>, vector<128x128xf32>
    %dot_general3A_50 = arith.constant dense<0.000000e+00> : vector<64x128xf32>
    %dot_general3A_51 = tpu.matmul %dot_general3A_31, %get3A_49, %dot_general3A_50 {dimension_numbers = #tpu.dot_dimension_numbers<[1], [0], [0], [1], [0, 0, 1, 1], [], []>, transpose_lhs_hint = false} : vector<64x128xf32>, vector<128x128xf32>, vector<64x128xf32> -> vector<64x128xf32>
    %add3A = arith.addf %dot_general3A_46, %dot_general3A_51 : vector<64x128xf32>
    %logistic3A = arith.negf %add3A : vector<64x128xf32>
    %logistic3A_52 = math.exp %logistic3A : vector<64x128xf32>
    %logistic3A_53 = arith.constant 1.000000e+00 : f32
    %logistic3A_54 = vector.broadcast %logistic3A_53 : f32 to vector<64x128xf32>
    %logistic3A_55 = arith.addf %logistic3A_54, %logistic3A_52 : vector<64x128xf32>
    %logistic3A_56 = arith.divf %logistic3A_54, %logistic3A_55 : vector<64x128xf32>
    %mul3A_57 = arith.mulf %add3A, %logistic3A_56 : vector<64x128xf32>
    %add3A_58 = arith.addf %dot_general3A_31, %mul3A_57 : vector<64x128xf32>
    %swap3A = arith.constant 0 : index
    %swap3A_59 = arith.constant 0 : index
    %swap3A_60 = vector.load %arg10[%swap3A, %swap3A_59] : memref<64x128xf32, #tpu.memory_space<vmem>>, vector<64x128xf32>
    tpu.vector_store %arg10[%swap3A, %swap3A_59], %add3A_58 {strides = array<i32>} : memref<64x128xf32, #tpu.memory_space<vmem>>, vector<64x128xf32>,
    %get3A_61 = arith.constant 0 : index
    %get3A_62 = arith.constant 0 : index
    %get3A_63 = vector.load %arg9[%get3A_61, %get3A_62] : memref<128x64xf32, #tpu.memory_space<vmem>>, vector<128x64xf32>
    %dot_general3A_64 = arith.constant dense<0.000000e+00> : vector<64x64xf32>
    %dot_general3A_65 = tpu.matmul %add3A_58, %get3A_63, %dot_general3A_64 {dimension_numbers = #tpu.dot_dimension_numbers<[1], [0], [0], [1], [0, 0, 1, 1], [], []>, transpose_lhs_hint = false} : vector<64x128xf32>, vector<128x64xf32>, vector<64x64xf32> -> vector<64x64xf32>
    %swap3A_66 = arith.constant 0 : index
    %swap3A_67 = arith.constant 0 : index
    %swap3A_68 = vector.load %arg11[%swap3A_66, %swap3A_67] : memref<64x64xf32, #tpu.memory_space<vmem>>, vector<64x64xf32>
    tpu.vector_store %arg11[%swap3A_66, %swap3A_67], %dot_general3A_65 {strides = array<i32>} : memref<64x64xf32, #tpu.memory_space<vmem>>, vector<64x64xf32>,
    return
  }
  func.func @transform_0(%arg0: i32) -> (i32, i32, i32) {
    %c0_i32 = arith.constant 0 : i32
    %c0_i32_0 = arith.constant 0 : i32
    %c0_i32_1 = arith.constant 0 : i32
    return %arg0, %c0_i32, %c0_i32_0 : i32, i32, i32
  }
  func.func @transform_1(%arg0: i32) -> (i32, i32) {
    %c0_i32 = arith.constant 0 : i32
    %c0_i32_0 = arith.constant 0 : i32
    return %arg0, %c0_i32 : i32, i32
  }
  func.func @transform_2(%arg0: i32) -> (i32, i32) {
    %c0_i32 = arith.constant 0 : i32
    %c0_i32_0 = arith.constant 0 : i32
    return %arg0, %c0_i32 : i32, i32
  }
  func.func @transform_3(%arg0: i32) -> (i32, i32) {
    %c0_i32 = arith.constant 0 : i32
    %c0_i32_0 = arith.constant 0 : i32
    return %arg0, %c0_i32 : i32, i32
  }
  func.func @transform_4(%arg0: i32) -> (i32, i32) {
    %c0_i32 = arith.constant 0 : i32
    %c0_i32_0 = arith.constant 0 : i32
    %c0_i32_1 = arith.constant 0 : i32
    return %c0_i32, %c0_i32_0 : i32, i32
  }
  func.func @transform_5(%arg0: i32) -> (i32, i32) {
    %c0_i32 = arith.constant 0 : i32
    %c0_i32_0 = arith.constant 0 : i32
    %c0_i32_1 = arith.constant 0 : i32
    return %c0_i32, %c0_i32_0 : i32, i32
  }
  func.func @transform_6(%arg0: i32) -> (i32, i32) {
    %c0_i32 = arith.constant 0 : i32
    %c0_i32_0 = arith.constant 0 : i32
    %c0_i32_1 = arith.constant 0 : i32
    return %c0_i32, %c0_i32_0 : i32, i32
  }
  func.func @transform_7(%arg0: i32) -> (i32, i32) {
    %c0_i32 = arith.constant 0 : i32
    %c0_i32_0 = arith.constant 0 : i32
    %c0_i32_1 = arith.constant 0 : i32
    return %c0_i32, %c0_i32_0 : i32, i32
  }
  func.func @transform_8(%arg0: i32) -> (i32, i32) {
    %c0_i32 = arith.constant 0 : i32
    %c0_i32_0 = arith.constant 0 : i32
    %c0_i32_1 = arith.constant 0 : i32
    return %c0_i32, %c0_i32_0 : i32, i32
  }
  func.func @transform_9(%arg0: i32) -> (i32, i32) {
    %c0_i32 = arith.constant 0 : i32
    %c0_i32_0 = arith.constant 0 : i32
    return %arg0, %c0_i32 : i32, i32
  }
  func.func @transform_10(%arg0: i32) -> (i32, i32) {
    %c0_i32 = arith.constant 0 : i32
    %c0_i32_0 = arith.constant 0 : i32
    return %arg0, %c0_i32 : i32, i32
  }
}

module attributes {stable_mosaic.version = 14 : i64} {
  func.func @_layer_ba_body(%arg0: i32, %arg1: memref<64x120x64xf32, #tpu.memory_space<vmem>>, %arg2: memref<64x120x128xf32, #tpu.memory_space<vmem>>, %arg3: memref<64x120xf32, #tpu.memory_space<vmem>>, %arg4: memref<64x64xf32, #tpu.memory_space<vmem>>, %arg5: memref<64x128xf32, #tpu.memory_space<vmem>>, %arg6: memref<64x64xf32, #tpu.memory_space<vmem>>, %arg7: memref<64x128xf32, #tpu.memory_space<vmem>>, %arg8: memref<128x128xf32, #tpu.memory_space<vmem>>, %arg9: memref<128x128xf32, #tpu.memory_space<vmem>>, %arg10: memref<128x64xf32, #tpu.memory_space<vmem>>, %arg11: memref<64x120x64xf32, #tpu.memory_space<vmem>>, %arg12: memref<64x128xf32, #tpu.memory_space<vmem>>, %arg13: memref<64x64xf32, #tpu.memory_space<vmem>>) attributes {dimension_semantics = [#tpu.dimension_semantics<arbitrary>], iteration_bounds = array<i64: 128>, scalar_prefetch = 0 : i64, scratch_operands = 0 : i64, tpu.core_type = #tpu.core_type<tc>, window_params = [{transform_indices = @transform_0, window_bounds = array<i64: 64, 120, 64>}, {transform_indices = @transform_1, window_bounds = array<i64: 64, 120, 128>}, {transform_indices = @transform_2, window_bounds = array<i64: 64, 120>}, {transform_indices = @transform_3, window_bounds = array<i64: 64, 64>}, {transform_indices = @transform_4, window_bounds = array<i64: 64, 128>}, {pipeline_mode = #tpu.pipeline_mode<synchronous>, transform_indices = @transform_5, window_bounds = array<i64: 64, 64>}, {pipeline_mode = #tpu.pipeline_mode<synchronous>, transform_indices = @transform_6, window_bounds = array<i64: 64, 128>}, {pipeline_mode = #tpu.pipeline_mode<synchronous>, transform_indices = @transform_7, window_bounds = array<i64: 128, 128>}, {pipeline_mode = #tpu.pipeline_mode<synchronous>, transform_indices = @transform_8, window_bounds = array<i64: 128, 128>}, {pipeline_mode = #tpu.pipeline_mode<synchronous>, transform_indices = @transform_9, window_bounds = array<i64: 128, 64>}, {transform_indices = @transform_10, window_bounds = array<i64: 64, 120, 64>}, {transform_indices = @transform_11, window_bounds = array<i64: 64, 128>}, {transform_indices = @transform_12, window_bounds = array<i64: 64, 64>}]} {
    %get3A = arith.constant 0 : index
    %get3A_0 = arith.constant 0 : index
    %get3A_1 = vector.load %arg3[%get3A, %get3A_0] : memref<64x120xf32, #tpu.memory_space<vmem>>, vector<64x120xf32>
    %get3A_2 = arith.constant 0 : index
    %get3A_3 = arith.constant 0 : index
    %get3A_4 = arith.constant 0 : index
    %get3A_5 = vector.load %arg2[%get3A_2, %get3A_3, %get3A_4] : memref<64x120x128xf32, #tpu.memory_space<vmem>>, vector<64x120x128xf32>
    %get3A_6 = arith.constant 0 : index
    %get3A_7 = arith.constant 0 : index
    %get3A_8 = arith.constant 0 : index
    %get3A_9 = vector.load %arg1[%get3A_6, %get3A_7, %get3A_8] : memref<64x120x64xf32, #tpu.memory_space<vmem>>, vector<64x120x64xf32>
    %reshape3A = vector.shape_cast %get3A_9 : vector<64x120x64xf32> to vector<7680x64xf32>
    %get3A_10 = arith.constant 0 : index
    %get3A_11 = arith.constant 0 : index
    %get3A_12 = vector.load %arg6[%get3A_10, %get3A_11] : memref<64x64xf32, #tpu.memory_space<vmem>>, vector<64x64xf32>
    %dot_general3A = arith.constant dense<0.000000e+00> : vector<7680x64xf32>
    %dot_general3A_13 = tpu.matmul %reshape3A, %get3A_12, %dot_general3A {dimension_numbers = #tpu.dot_dimension_numbers<[1], [0], [0], [1], [0, 0, 1, 1], [], []>, transpose_lhs_hint = false} : vector<7680x64xf32>, vector<64x64xf32>, vector<7680x64xf32> -> vector<7680x64xf32>
    %reshape3A_14 = vector.shape_cast %dot_general3A_13 : vector<7680x64xf32> to vector<64x120x64xf32>
    %get3A_15 = arith.constant 0 : index
    %get3A_16 = arith.constant 0 : index
    %get3A_17 = vector.load %arg4[%get3A_15, %get3A_16] : memref<64x64xf32, #tpu.memory_space<vmem>>, vector<64x64xf32>
    %broadcast_in_dim3A = vector.shape_cast %get3A_17 : vector<64x64xf32> to vector<64x1x64xf32>
    %add3A = vector.broadcast %broadcast_in_dim3A : vector<64x1x64xf32> to vector<64x120x64xf32>
    %add3A_18 = arith.addf %reshape3A_14, %add3A : vector<64x120x64xf32>
    %slice3A = vector.extract_strided_slice %get3A_5 {offsets = [0, 0, 64], sizes = [64, 120, 64], strides = [1, 1, 1]} : vector<64x120x128xf32> to vector<64x120x64xf32>
    %add3A_19 = arith.addf %add3A_18, %slice3A : vector<64x120x64xf32>
    %logistic3A = arith.negf %add3A_19 : vector<64x120x64xf32>
    %logistic3A_20 = math.exp %logistic3A : vector<64x120x64xf32>
    %logistic3A_21 = arith.constant 1.000000e+00 : f32
    %logistic3A_22 = vector.broadcast %logistic3A_21 : f32 to vector<64x120x64xf32>
    %logistic3A_23 = arith.addf %logistic3A_22, %logistic3A_20 : vector<64x120x64xf32>
    %logistic3A_24 = arith.divf %logistic3A_22, %logistic3A_23 : vector<64x120x64xf32>
    %mul3A = arith.mulf %add3A_19, %logistic3A_24 : vector<64x120x64xf32>
    %broadcast_in_dim3A_25 = vector.shape_cast %get3A_1 : vector<64x120xf32> to vector<64x120x1xf32>
    %mul3A_26 = vector.broadcast %broadcast_in_dim3A_25 : vector<64x120x1xf32> to vector<64x120x64xf32>
    %mul3A_27 = arith.mulf %mul3A, %mul3A_26 : vector<64x120x64xf32>
    %add3A_28 = arith.addf %get3A_9, %mul3A_27 : vector<64x120x64xf32>
    %swap3A = arith.constant 0 : index
    %swap3A_29 = arith.constant 0 : index
    %swap3A_30 = arith.constant 0 : index
    %swap3A_31 = vector.load %arg11[%swap3A, %swap3A_29, %swap3A_30] : memref<64x120x64xf32, #tpu.memory_space<vmem>>, vector<64x120x64xf32>
    tpu.vector_store %arg11[%swap3A, %swap3A_29, %swap3A_30], %add3A_28 {strides = array<i32>} : memref<64x120x64xf32, #tpu.memory_space<vmem>>, vector<64x120x64xf32>,
    %reshape3A_32 = vector.shape_cast %add3A_28 : vector<64x120x64xf32> to vector<7680x64xf32>
    %get3A_33 = arith.constant 0 : index
    %get3A_34 = arith.constant 0 : index
    %get3A_35 = vector.load %arg7[%get3A_33, %get3A_34] : memref<64x128xf32, #tpu.memory_space<vmem>>, vector<64x128xf32>
    %dot_general3A_36 = arith.constant dense<0.000000e+00> : vector<7680x128xf32>
    %dot_general3A_37 = tpu.matmul %reshape3A_32, %get3A_35, %dot_general3A_36 {dimension_numbers = #tpu.dot_dimension_numbers<[1], [0], [0], [1], [0, 0, 1, 1], [], []>, transpose_lhs_hint = false} : vector<7680x64xf32>, vector<64x128xf32>, vector<7680x128xf32> -> vector<7680x128xf32>
    %reshape3A_38 = vector.shape_cast %dot_general3A_37 : vector<7680x128xf32> to vector<64x120x128xf32>
    %slice3A_39 = vector.extract_strided_slice %get3A_5 {offsets = [0, 0, 0], sizes = [64, 120, 64], strides = [1, 1, 1]} : vector<64x120x128xf32> to vector<64x120x64xf32>
    %bitcast_convert_type3A = tpu.bitcast %slice3A_39 : vector<64x120x64xf32> -> vector<64x120x64xi32>
    %shift_left3A = arith.constant 16 : i32
    %shift_left3A_40 = vector.broadcast %shift_left3A : i32 to vector<64x120x64xi32>
    %shift_left3A_41 = arith.shli %bitcast_convert_type3A, %shift_left3A_40 : vector<64x120x64xi32>
    %bitcast_convert_type3A_42 = tpu.bitcast %shift_left3A_41 : vector<64x120x64xi32> -> vector<64x120x64xf32>
    %and3A = arith.constant -65536 : i32
    %and3A_43 = vector.broadcast %and3A : i32 to vector<64x120x64xi32>
    %and3A_44 = arith.andi %bitcast_convert_type3A, %and3A_43 : vector<64x120x64xi32>
    %bitcast_convert_type3A_45 = tpu.bitcast %and3A_44 : vector<64x120x64xi32> -> vector<64x120x64xf32>
    %concatenate3A = tpu.concatenate %bitcast_convert_type3A_42, %bitcast_convert_type3A_45 in 2 : vector<64x120x64xf32>, vector<64x120x64xf32> -> vector<64x120x128xf32>
    %mul3A_46 = arith.mulf %reshape3A_38, %concatenate3A : vector<64x120x128xf32>
    %broadcast_in_dim3A_47 = vector.shape_cast %get3A_1 : vector<64x120xf32> to vector<64x120x1xf32>
    %mul3A_48 = vector.broadcast %broadcast_in_dim3A_47 : vector<64x120x1xf32> to vector<64x120x128xf32>
    %mul3A_49 = arith.mulf %mul3A_46, %mul3A_48 : vector<64x120x128xf32>
    %reduce_sum3A = arith.constant dense<0.000000e+00> : vector<64x128xf32>
    %reduce_sum3A_50 = vector.multi_reduction <add>, %mul3A_49, %reduce_sum3A [1] : vector<64x120x128xf32> to vector<64x128xf32>
    %mul3A_51 = arith.constant 0.0833333358 : f32
    %mul3A_52 = vector.broadcast %mul3A_51 : f32 to vector<64x128xf32>
    %mul3A_53 = arith.mulf %reduce_sum3A_50, %mul3A_52 : vector<64x128xf32>
    %get3A_54 = arith.constant 0 : index
    %get3A_55 = arith.constant 0 : index
    %get3A_56 = vector.load %arg5[%get3A_54, %get3A_55] : memref<64x128xf32, #tpu.memory_space<vmem>>, vector<64x128xf32>
    %get3A_57 = arith.constant 0 : index
    %get3A_58 = arith.constant 0 : index
    %get3A_59 = vector.load %arg8[%get3A_57, %get3A_58] : memref<128x128xf32, #tpu.memory_space<vmem>>, vector<128x128xf32>
    %dot_general3A_60 = arith.constant dense<0.000000e+00> : vector<64x128xf32>
    %dot_general3A_61 = tpu.matmul %mul3A_53, %get3A_59, %dot_general3A_60 {dimension_numbers = #tpu.dot_dimension_numbers<[1], [0], [0], [1], [0, 0, 1, 1], [], []>, transpose_lhs_hint = false} : vector<64x128xf32>, vector<128x128xf32>, vector<64x128xf32> -> vector<64x128xf32>
    %get3A_62 = arith.constant 0 : index
    %get3A_63 = arith.constant 0 : index
    %get3A_64 = vector.load %arg9[%get3A_62, %get3A_63] : memref<128x128xf32, #tpu.memory_space<vmem>>, vector<128x128xf32>
    %dot_general3A_65 = arith.constant dense<0.000000e+00> : vector<64x128xf32>
    %dot_general3A_66 = tpu.matmul %get3A_56, %get3A_64, %dot_general3A_65 {dimension_numbers = #tpu.dot_dimension_numbers<[1], [0], [0], [1], [0, 0, 1, 1], [], []>, transpose_lhs_hint = false} : vector<64x128xf32>, vector<128x128xf32>, vector<64x128xf32> -> vector<64x128xf32>
    %add3A_67 = arith.addf %dot_general3A_61, %dot_general3A_66 : vector<64x128xf32>
    %logistic3A_68 = arith.negf %add3A_67 : vector<64x128xf32>
    %logistic3A_69 = math.exp %logistic3A_68 : vector<64x128xf32>
    %logistic3A_70 = arith.constant 1.000000e+00 : f32
    %logistic3A_71 = vector.broadcast %logistic3A_70 : f32 to vector<64x128xf32>
    %logistic3A_72 = arith.addf %logistic3A_71, %logistic3A_69 : vector<64x128xf32>
    %logistic3A_73 = arith.divf %logistic3A_71, %logistic3A_72 : vector<64x128xf32>
    %mul3A_74 = arith.mulf %add3A_67, %logistic3A_73 : vector<64x128xf32>
    %add3A_75 = arith.addf %get3A_56, %mul3A_74 : vector<64x128xf32>
    %swap3A_76 = arith.constant 0 : index
    %swap3A_77 = arith.constant 0 : index
    %swap3A_78 = vector.load %arg12[%swap3A_76, %swap3A_77] : memref<64x128xf32, #tpu.memory_space<vmem>>, vector<64x128xf32>
    tpu.vector_store %arg12[%swap3A_76, %swap3A_77], %add3A_75 {strides = array<i32>} : memref<64x128xf32, #tpu.memory_space<vmem>>, vector<64x128xf32>,
    %get3A_79 = arith.constant 0 : index
    %get3A_80 = arith.constant 0 : index
    %get3A_81 = vector.load %arg10[%get3A_79, %get3A_80] : memref<128x64xf32, #tpu.memory_space<vmem>>, vector<128x64xf32>
    %dot_general3A_82 = arith.constant dense<0.000000e+00> : vector<64x64xf32>
    %dot_general3A_83 = tpu.matmul %add3A_75, %get3A_81, %dot_general3A_82 {dimension_numbers = #tpu.dot_dimension_numbers<[1], [0], [0], [1], [0, 0, 1, 1], [], []>, transpose_lhs_hint = false} : vector<64x128xf32>, vector<128x64xf32>, vector<64x64xf32> -> vector<64x64xf32>
    %swap3A_84 = arith.constant 0 : index
    %swap3A_85 = arith.constant 0 : index
    %swap3A_86 = vector.load %arg13[%swap3A_84, %swap3A_85] : memref<64x64xf32, #tpu.memory_space<vmem>>, vector<64x64xf32>
    tpu.vector_store %arg13[%swap3A_84, %swap3A_85], %dot_general3A_83 {strides = array<i32>} : memref<64x64xf32, #tpu.memory_space<vmem>>, vector<64x64xf32>,
    return
  }
  func.func @transform_0(%arg0: i32) -> (i32, i32, i32) {
    %c0_i32 = arith.constant 0 : i32
    %c0_i32_0 = arith.constant 0 : i32
    %c0_i32_1 = arith.constant 0 : i32
    return %arg0, %c0_i32, %c0_i32_0 : i32, i32, i32
  }
  func.func @transform_1(%arg0: i32) -> (i32, i32, i32) {
    %c0_i32 = arith.constant 0 : i32
    %c0_i32_0 = arith.constant 0 : i32
    %c0_i32_1 = arith.constant 0 : i32
    return %arg0, %c0_i32, %c0_i32_0 : i32, i32, i32
  }
  func.func @transform_2(%arg0: i32) -> (i32, i32) {
    %c0_i32 = arith.constant 0 : i32
    %c0_i32_0 = arith.constant 0 : i32
    return %arg0, %c0_i32 : i32, i32
  }
  func.func @transform_3(%arg0: i32) -> (i32, i32) {
    %c0_i32 = arith.constant 0 : i32
    %c0_i32_0 = arith.constant 0 : i32
    return %arg0, %c0_i32 : i32, i32
  }
  func.func @transform_4(%arg0: i32) -> (i32, i32) {
    %c0_i32 = arith.constant 0 : i32
    %c0_i32_0 = arith.constant 0 : i32
    return %arg0, %c0_i32 : i32, i32
  }
  func.func @transform_5(%arg0: i32) -> (i32, i32) {
    %c0_i32 = arith.constant 0 : i32
    %c0_i32_0 = arith.constant 0 : i32
    %c0_i32_1 = arith.constant 0 : i32
    return %c0_i32, %c0_i32_0 : i32, i32
  }
  func.func @transform_6(%arg0: i32) -> (i32, i32) {
    %c0_i32 = arith.constant 0 : i32
    %c0_i32_0 = arith.constant 0 : i32
    %c0_i32_1 = arith.constant 0 : i32
    return %c0_i32, %c0_i32_0 : i32, i32
  }
  func.func @transform_7(%arg0: i32) -> (i32, i32) {
    %c0_i32 = arith.constant 0 : i32
    %c0_i32_0 = arith.constant 0 : i32
    %c0_i32_1 = arith.constant 0 : i32
    return %c0_i32, %c0_i32_0 : i32, i32
  }
  func.func @transform_8(%arg0: i32) -> (i32, i32) {
    %c0_i32 = arith.constant 0 : i32
    %c0_i32_0 = arith.constant 0 : i32
    %c0_i32_1 = arith.constant 0 : i32
    return %c0_i32, %c0_i32_0 : i32, i32
  }
  func.func @transform_9(%arg0: i32) -> (i32, i32) {
    %c0_i32 = arith.constant 0 : i32
    %c0_i32_0 = arith.constant 0 : i32
    %c0_i32_1 = arith.constant 0 : i32
    return %c0_i32, %c0_i32_0 : i32, i32
  }
  func.func @transform_10(%arg0: i32) -> (i32, i32, i32) {
    %c0_i32 = arith.constant 0 : i32
    %c0_i32_0 = arith.constant 0 : i32
    %c0_i32_1 = arith.constant 0 : i32
    return %arg0, %c0_i32, %c0_i32_0 : i32, i32, i32
  }
  func.func @transform_11(%arg0: i32) -> (i32, i32) {
    %c0_i32 = arith.constant 0 : i32
    %c0_i32_0 = arith.constant 0 : i32
    return %arg0, %c0_i32 : i32, i32
  }
  func.func @transform_12(%arg0: i32) -> (i32, i32) {
    %c0_i32 = arith.constant 0 : i32
    %c0_i32_0 = arith.constant 0 : i32
    return %arg0, %c0_i32 : i32, i32
  }
}

module attributes {stable_mosaic.version = 14 : i64} {
  func.func @_layer_b_body(%arg0: i32, %arg1: memref<64x120x64xf32, #tpu.memory_space<vmem>>, %arg2: memref<64x120x128xf32, #tpu.memory_space<vmem>>, %arg3: memref<64x120xf32, #tpu.memory_space<vmem>>, %arg4: memref<64x64xf32, #tpu.memory_space<vmem>>, %arg5: memref<64x64xf32, #tpu.memory_space<vmem>>, %arg6: memref<64x120x64xf32, #tpu.memory_space<vmem>>) attributes {dimension_semantics = [#tpu.dimension_semantics<arbitrary>], iteration_bounds = array<i64: 128>, scalar_prefetch = 0 : i64, scratch_operands = 0 : i64, tpu.core_type = #tpu.core_type<tc>, window_params = [{transform_indices = @transform_0, window_bounds = array<i64: 64, 120, 64>}, {transform_indices = @transform_1, window_bounds = array<i64: 64, 120, 128>}, {transform_indices = @transform_2, window_bounds = array<i64: 64, 120>}, {transform_indices = @transform_3, window_bounds = array<i64: 64, 64>}, {pipeline_mode = #tpu.pipeline_mode<synchronous>, transform_indices = @transform_4, window_bounds = array<i64: 64, 64>}, {transform_indices = @transform_5, window_bounds = array<i64: 64, 120, 64>}]} {
    %get3A = arith.constant 0 : index
    %get3A_0 = arith.constant 0 : index
    %get3A_1 = arith.constant 0 : index
    %get3A_2 = vector.load %arg1[%get3A, %get3A_0, %get3A_1] : memref<64x120x64xf32, #tpu.memory_space<vmem>>, vector<64x120x64xf32>
    %reshape3A = vector.shape_cast %get3A_2 : vector<64x120x64xf32> to vector<7680x64xf32>
    %get3A_3 = arith.constant 0 : index
    %get3A_4 = arith.constant 0 : index
    %get3A_5 = vector.load %arg5[%get3A_3, %get3A_4] : memref<64x64xf32, #tpu.memory_space<vmem>>, vector<64x64xf32>
    %dot_general3A = arith.constant dense<0.000000e+00> : vector<7680x64xf32>
    %dot_general3A_6 = tpu.matmul %reshape3A, %get3A_5, %dot_general3A {dimension_numbers = #tpu.dot_dimension_numbers<[1], [0], [0], [1], [0, 0, 1, 1], [], []>, transpose_lhs_hint = false} : vector<7680x64xf32>, vector<64x64xf32>, vector<7680x64xf32> -> vector<7680x64xf32>
    %reshape3A_7 = vector.shape_cast %dot_general3A_6 : vector<7680x64xf32> to vector<64x120x64xf32>
    %get3A_8 = arith.constant 0 : index
    %get3A_9 = arith.constant 0 : index
    %get3A_10 = vector.load %arg4[%get3A_8, %get3A_9] : memref<64x64xf32, #tpu.memory_space<vmem>>, vector<64x64xf32>
    %broadcast_in_dim3A = vector.shape_cast %get3A_10 : vector<64x64xf32> to vector<64x1x64xf32>
    %add3A = vector.broadcast %broadcast_in_dim3A : vector<64x1x64xf32> to vector<64x120x64xf32>
    %add3A_11 = arith.addf %reshape3A_7, %add3A : vector<64x120x64xf32>
    %get3A_12 = arith.constant 0 : index
    %get3A_13 = arith.constant 0 : index
    %get3A_14 = arith.constant 0 : index
    %get3A_15 = vector.load %arg2[%get3A_12, %get3A_13, %get3A_14] : memref<64x120x128xf32, #tpu.memory_space<vmem>>, vector<64x120x128xf32>
    %slice3A = vector.extract_strided_slice %get3A_15 {offsets = [0, 0, 64], sizes = [64, 120, 64], strides = [1, 1, 1]} : vector<64x120x128xf32> to vector<64x120x64xf32>
    %add3A_16 = arith.addf %add3A_11, %slice3A : vector<64x120x64xf32>
    %logistic3A = arith.negf %add3A_16 : vector<64x120x64xf32>
    %logistic3A_17 = math.exp %logistic3A : vector<64x120x64xf32>
    %logistic3A_18 = arith.constant 1.000000e+00 : f32
    %logistic3A_19 = vector.broadcast %logistic3A_18 : f32 to vector<64x120x64xf32>
    %logistic3A_20 = arith.addf %logistic3A_19, %logistic3A_17 : vector<64x120x64xf32>
    %logistic3A_21 = arith.divf %logistic3A_19, %logistic3A_20 : vector<64x120x64xf32>
    %mul3A = arith.mulf %add3A_16, %logistic3A_21 : vector<64x120x64xf32>
    %get3A_22 = arith.constant 0 : index
    %get3A_23 = arith.constant 0 : index
    %get3A_24 = vector.load %arg3[%get3A_22, %get3A_23] : memref<64x120xf32, #tpu.memory_space<vmem>>, vector<64x120xf32>
    %broadcast_in_dim3A_25 = vector.shape_cast %get3A_24 : vector<64x120xf32> to vector<64x120x1xf32>
    %mul3A_26 = vector.broadcast %broadcast_in_dim3A_25 : vector<64x120x1xf32> to vector<64x120x64xf32>
    %mul3A_27 = arith.mulf %mul3A, %mul3A_26 : vector<64x120x64xf32>
    %add3A_28 = arith.addf %get3A_2, %mul3A_27 : vector<64x120x64xf32>
    %swap3A = arith.constant 0 : index
    %swap3A_29 = arith.constant 0 : index
    %swap3A_30 = arith.constant 0 : index
    %swap3A_31 = vector.load %arg6[%swap3A, %swap3A_29, %swap3A_30] : memref<64x120x64xf32, #tpu.memory_space<vmem>>, vector<64x120x64xf32>
    tpu.vector_store %arg6[%swap3A, %swap3A_29, %swap3A_30], %add3A_28 {strides = array<i32>} : memref<64x120x64xf32, #tpu.memory_space<vmem>>, vector<64x120x64xf32>,
    return
  }
  func.func @transform_0(%arg0: i32) -> (i32, i32, i32) {
    %c0_i32 = arith.constant 0 : i32
    %c0_i32_0 = arith.constant 0 : i32
    %c0_i32_1 = arith.constant 0 : i32
    return %arg0, %c0_i32, %c0_i32_0 : i32, i32, i32
  }
  func.func @transform_1(%arg0: i32) -> (i32, i32, i32) {
    %c0_i32 = arith.constant 0 : i32
    %c0_i32_0 = arith.constant 0 : i32
    %c0_i32_1 = arith.constant 0 : i32
    return %arg0, %c0_i32, %c0_i32_0 : i32, i32, i32
  }
  func.func @transform_2(%arg0: i32) -> (i32, i32) {
    %c0_i32 = arith.constant 0 : i32
    %c0_i32_0 = arith.constant 0 : i32
    return %arg0, %c0_i32 : i32, i32
  }
  func.func @transform_3(%arg0: i32) -> (i32, i32) {
    %c0_i32 = arith.constant 0 : i32
    %c0_i32_0 = arith.constant 0 : i32
    return %arg0, %c0_i32 : i32, i32
  }
  func.func @transform_4(%arg0: i32) -> (i32, i32) {
    %c0_i32 = arith.constant 0 : i32
    %c0_i32_0 = arith.constant 0 : i32
    %c0_i32_1 = arith.constant 0 : i32
    return %c0_i32, %c0_i32_0 : i32, i32
  }
  func.func @transform_5(%arg0: i32) -> (i32, i32, i32) {
    %c0_i32 = arith.constant 0 : i32
    %c0_i32_0 = arith.constant 0 : i32
    %c0_i32_1 = arith.constant 0 : i32
    return %arg0, %c0_i32, %c0_i32_0 : i32, i32, i32
  }
}

module attributes {stable_mosaic.version = 14 : i64} {
  func.func @_final_body(%arg0: i32, %arg1: memref<64x120xf32, #tpu.memory_space<vmem>>, %arg2: memref<64x120xf32, #tpu.memory_space<vmem>>, %arg3: memref<64x120xf32, #tpu.memory_space<vmem>>, %arg4: memref<64x120xf32, #tpu.memory_space<vmem>>, %arg5: memref<64x120x64xf32, #tpu.memory_space<vmem>>, %arg6: memref<64x64xf32, #tpu.memory_space<vmem>>, %arg7: memref<64x64xf32, #tpu.memory_space<vmem>>, %arg8: memref<64x64xf32, #tpu.memory_space<vmem>>, %arg9: memref<64x64xf32, #tpu.memory_space<vmem>>) attributes {dimension_semantics = [#tpu.dimension_semantics<arbitrary>], iteration_bounds = array<i64: 128>, scalar_prefetch = 0 : i64, scratch_operands = 0 : i64, tpu.core_type = #tpu.core_type<tc>, window_params = [{transform_indices = @transform_0, window_bounds = array<i64: 64, 120>}, {transform_indices = @transform_1, window_bounds = array<i64: 64, 120>}, {transform_indices = @transform_2, window_bounds = array<i64: 64, 120>}, {transform_indices = @transform_3, window_bounds = array<i64: 64, 120>}, {transform_indices = @transform_4, window_bounds = array<i64: 64, 120, 64>}, {transform_indices = @transform_5, window_bounds = array<i64: 64, 64>}, {transform_indices = @transform_6, window_bounds = array<i64: 64, 64>}, {transform_indices = @transform_7, window_bounds = array<i64: 64, 64>}, {transform_indices = @transform_8, window_bounds = array<i64: 64, 64>}]} {
    %get3A = arith.constant 0 : index
    %get3A_0 = arith.constant 0 : index
    %get3A_1 = arith.constant 0 : index
    %get3A_2 = vector.load %arg5[%get3A, %get3A_0, %get3A_1] : memref<64x120x64xf32, #tpu.memory_space<vmem>>, vector<64x120x64xf32>
    %get3A_3 = arith.constant 0 : index
    %get3A_4 = arith.constant 0 : index
    %get3A_5 = vector.load %arg1[%get3A_3, %get3A_4] : memref<64x120xf32, #tpu.memory_space<vmem>>, vector<64x120xf32>
    %broadcast_in_dim3A = vector.shape_cast %get3A_5 : vector<64x120xf32> to vector<64x120x1xf32>
    %mul3A = vector.broadcast %broadcast_in_dim3A : vector<64x120x1xf32> to vector<64x120x64xf32>
    %mul3A_6 = arith.mulf %mul3A, %get3A_2 : vector<64x120x64xf32>
    %reduce_sum3A = arith.constant dense<0.000000e+00> : vector<64x64xf32>
    %reduce_sum3A_7 = vector.multi_reduction <add>, %mul3A_6, %reduce_sum3A [1] : vector<64x120x64xf32> to vector<64x64xf32>
    %mul3A_8 = arith.constant 0.00833333377 : f32
    %mul3A_9 = vector.broadcast %mul3A_8 : f32 to vector<64x64xf32>
    %mul3A_10 = arith.mulf %reduce_sum3A_7, %mul3A_9 : vector<64x64xf32>
    %get3A_11 = arith.constant 0 : index
    %get3A_12 = arith.constant 0 : index
    %get3A_13 = vector.load %arg2[%get3A_11, %get3A_12] : memref<64x120xf32, #tpu.memory_space<vmem>>, vector<64x120xf32>
    %broadcast_in_dim3A_14 = vector.shape_cast %get3A_13 : vector<64x120xf32> to vector<64x120x1xf32>
    %mul3A_15 = vector.broadcast %broadcast_in_dim3A_14 : vector<64x120x1xf32> to vector<64x120x64xf32>
    %mul3A_16 = arith.mulf %mul3A_15, %get3A_2 : vector<64x120x64xf32>
    %reduce_sum3A_17 = arith.constant dense<0.000000e+00> : vector<64x64xf32>
    %reduce_sum3A_18 = vector.multi_reduction <add>, %mul3A_16, %reduce_sum3A_17 [1] : vector<64x120x64xf32> to vector<64x64xf32>
    %mul3A_19 = arith.constant 0.00833333377 : f32
    %mul3A_20 = vector.broadcast %mul3A_19 : f32 to vector<64x64xf32>
    %mul3A_21 = arith.mulf %reduce_sum3A_18, %mul3A_20 : vector<64x64xf32>
    %get3A_22 = arith.constant 0 : index
    %get3A_23 = arith.constant 0 : index
    %get3A_24 = vector.load %arg3[%get3A_22, %get3A_23] : memref<64x120xf32, #tpu.memory_space<vmem>>, vector<64x120xf32>
    %broadcast_in_dim3A_25 = vector.shape_cast %get3A_24 : vector<64x120xf32> to vector<64x120x1xf32>
    %mul3A_26 = vector.broadcast %broadcast_in_dim3A_25 : vector<64x120x1xf32> to vector<64x120x64xf32>
    %mul3A_27 = arith.mulf %mul3A_26, %get3A_2 : vector<64x120x64xf32>
    %reduce_sum3A_28 = arith.constant dense<0.000000e+00> : vector<64x64xf32>
    %reduce_sum3A_29 = vector.multi_reduction <add>, %mul3A_27, %reduce_sum3A_28 [1] : vector<64x120x64xf32> to vector<64x64xf32>
    %mul3A_30 = arith.constant 0.00833333377 : f32
    %mul3A_31 = vector.broadcast %mul3A_30 : f32 to vector<64x64xf32>
    %mul3A_32 = arith.mulf %reduce_sum3A_29, %mul3A_31 : vector<64x64xf32>
    %get3A_33 = arith.constant 0 : index
    %get3A_34 = arith.constant 0 : index
    %get3A_35 = vector.load %arg4[%get3A_33, %get3A_34] : memref<64x120xf32, #tpu.memory_space<vmem>>, vector<64x120xf32>
    %broadcast_in_dim3A_36 = vector.shape_cast %get3A_35 : vector<64x120xf32> to vector<64x120x1xf32>
    %mul3A_37 = vector.broadcast %broadcast_in_dim3A_36 : vector<64x120x1xf32> to vector<64x120x64xf32>
    %mul3A_38 = arith.mulf %mul3A_37, %get3A_2 : vector<64x120x64xf32>
    %reduce_sum3A_39 = arith.constant dense<0.000000e+00> : vector<64x64xf32>
    %reduce_sum3A_40 = vector.multi_reduction <add>, %mul3A_38, %reduce_sum3A_39 [1] : vector<64x120x64xf32> to vector<64x64xf32>
    %mul3A_41 = arith.constant 0.00833333377 : f32
    %mul3A_42 = vector.broadcast %mul3A_41 : f32 to vector<64x64xf32>
    %mul3A_43 = arith.mulf %reduce_sum3A_40, %mul3A_42 : vector<64x64xf32>
    %slice3A = vector.extract_strided_slice %mul3A_10 {offsets = [0, 0], sizes = [64, 1], strides = [1, 1]} : vector<64x64xf32> to vector<64x1xf32>
    %squeeze3A = vector.shape_cast %slice3A : vector<64x1xf32> to vector<64xf32>
    %broadcast_in_dim3A_44 = vector.shape_cast %squeeze3A : vector<64xf32> to vector<64x1xf32>
    %mul3A_45 = vector.broadcast %broadcast_in_dim3A_44 : vector<64x1xf32> to vector<64x64xf32>
    %mul3A_46 = arith.mulf %mul3A_10, %mul3A_45 : vector<64x64xf32>
    %slice3A_47 = vector.extract_strided_slice %mul3A_21 {offsets = [0, 0], sizes = [64, 1], strides = [1, 1]} : vector<64x64xf32> to vector<64x1xf32>
    %squeeze3A_48 = vector.shape_cast %slice3A_47 : vector<64x1xf32> to vector<64xf32>
    %broadcast_in_dim3A_49 = vector.shape_cast %squeeze3A_48 : vector<64xf32> to vector<64x1xf32>
    %mul3A_50 = vector.broadcast %broadcast_in_dim3A_49 : vector<64x1xf32> to vector<64x64xf32>
    %mul3A_51 = arith.mulf %mul3A_21, %mul3A_50 : vector<64x64xf32>
    %add3A = arith.addf %mul3A_46, %mul3A_51 : vector<64x64xf32>
    %slice3A_52 = vector.extract_strided_slice %mul3A_32 {offsets = [0, 0], sizes = [64, 1], strides = [1, 1]} : vector<64x64xf32> to vector<64x1xf32>
    %squeeze3A_53 = vector.shape_cast %slice3A_52 : vector<64x1xf32> to vector<64xf32>
    %broadcast_in_dim3A_54 = vector.shape_cast %squeeze3A_53 : vector<64xf32> to vector<64x1xf32>
    %mul3A_55 = vector.broadcast %broadcast_in_dim3A_54 : vector<64x1xf32> to vector<64x64xf32>
    %mul3A_56 = arith.mulf %mul3A_32, %mul3A_55 : vector<64x64xf32>
    %add3A_57 = arith.addf %add3A, %mul3A_56 : vector<64x64xf32>
    %slice3A_58 = vector.extract_strided_slice %mul3A_43 {offsets = [0, 0], sizes = [64, 1], strides = [1, 1]} : vector<64x64xf32> to vector<64x1xf32>
    %squeeze3A_59 = vector.shape_cast %slice3A_58 : vector<64x1xf32> to vector<64xf32>
    %broadcast_in_dim3A_60 = vector.shape_cast %squeeze3A_59 : vector<64xf32> to vector<64x1xf32>
    %mul3A_61 = vector.broadcast %broadcast_in_dim3A_60 : vector<64x1xf32> to vector<64x64xf32>
    %mul3A_62 = arith.mulf %mul3A_43, %mul3A_61 : vector<64x64xf32>
    %add3A_63 = arith.addf %add3A_57, %mul3A_62 : vector<64x64xf32>
    %swap3A = arith.constant 0 : index
    %swap3A_64 = arith.constant 0 : index
    %swap3A_65 = vector.load %arg6[%swap3A, %swap3A_64] : memref<64x64xf32, #tpu.memory_space<vmem>>, vector<64x64xf32>
    tpu.vector_store %arg6[%swap3A, %swap3A_64], %add3A_63 {strides = array<i32>} : memref<64x64xf32, #tpu.memory_space<vmem>>, vector<64x64xf32>,
    %slice3A_66 = vector.extract_strided_slice %mul3A_10 {offsets = [0, 1], sizes = [64, 1], strides = [1, 1]} : vector<64x64xf32> to vector<64x1xf32>
    %squeeze3A_67 = vector.shape_cast %slice3A_66 : vector<64x1xf32> to vector<64xf32>
    %broadcast_in_dim3A_68 = vector.shape_cast %squeeze3A_67 : vector<64xf32> to vector<64x1xf32>
    %mul3A_69 = vector.broadcast %broadcast_in_dim3A_68 : vector<64x1xf32> to vector<64x64xf32>
    %mul3A_70 = arith.mulf %mul3A_10, %mul3A_69 : vector<64x64xf32>
    %slice3A_71 = vector.extract_strided_slice %mul3A_21 {offsets = [0, 1], sizes = [64, 1], strides = [1, 1]} : vector<64x64xf32> to vector<64x1xf32>
    %squeeze3A_72 = vector.shape_cast %slice3A_71 : vector<64x1xf32> to vector<64xf32>
    %broadcast_in_dim3A_73 = vector.shape_cast %squeeze3A_72 : vector<64xf32> to vector<64x1xf32>
    %mul3A_74 = vector.broadcast %broadcast_in_dim3A_73 : vector<64x1xf32> to vector<64x64xf32>
    %mul3A_75 = arith.mulf %mul3A_21, %mul3A_74 : vector<64x64xf32>
    %add3A_76 = arith.addf %mul3A_70, %mul3A_75 : vector<64x64xf32>
    %slice3A_77 = vector.extract_strided_slice %mul3A_32 {offsets = [0, 1], sizes = [64, 1], strides = [1, 1]} : vector<64x64xf32> to vector<64x1xf32>
    %squeeze3A_78 = vector.shape_cast %slice3A_77 : vector<64x1xf32> to vector<64xf32>
    %broadcast_in_dim3A_79 = vector.shape_cast %squeeze3A_78 : vector<64xf32> to vector<64x1xf32>
    %mul3A_80 = vector.broadcast %broadcast_in_dim3A_79 : vector<64x1xf32> to vector<64x64xf32>
    %mul3A_81 = arith.mulf %mul3A_32, %mul3A_80 : vector<64x64xf32>
    %add3A_82 = arith.addf %add3A_76, %mul3A_81 : vector<64x64xf32>
    %slice3A_83 = vector.extract_strided_slice %mul3A_43 {offsets = [0, 1], sizes = [64, 1], strides = [1, 1]} : vector<64x64xf32> to vector<64x1xf32>
    %squeeze3A_84 = vector.shape_cast %slice3A_83 : vector<64x1xf32> to vector<64xf32>
    %broadcast_in_dim3A_85 = vector.shape_cast %squeeze3A_84 : vector<64xf32> to vector<64x1xf32>
    %mul3A_86 = vector.broadcast %broadcast_in_dim3A_85 : vector<64x1xf32> to vector<64x64xf32>
    %mul3A_87 = arith.mulf %mul3A_43, %mul3A_86 : vector<64x64xf32>
    %add3A_88 = arith.addf %add3A_82, %mul3A_87 : vector<64x64xf32>
    %swap3A_89 = arith.constant 0 : index
    %swap3A_90 = arith.constant 0 : index
    %swap3A_91 = vector.load %arg7[%swap3A_89, %swap3A_90] : memref<64x64xf32, #tpu.memory_space<vmem>>, vector<64x64xf32>
    tpu.vector_store %arg7[%swap3A_89, %swap3A_90], %add3A_88 {strides = array<i32>} : memref<64x64xf32, #tpu.memory_space<vmem>>, vector<64x64xf32>,
    %slice3A_92 = vector.extract_strided_slice %mul3A_10 {offsets = [0, 2], sizes = [64, 1], strides = [1, 1]} : vector<64x64xf32> to vector<64x1xf32>
    %squeeze3A_93 = vector.shape_cast %slice3A_92 : vector<64x1xf32> to vector<64xf32>
    %broadcast_in_dim3A_94 = vector.shape_cast %squeeze3A_93 : vector<64xf32> to vector<64x1xf32>
    %mul3A_95 = vector.broadcast %broadcast_in_dim3A_94 : vector<64x1xf32> to vector<64x64xf32>
    %mul3A_96 = arith.mulf %mul3A_10, %mul3A_95 : vector<64x64xf32>
    %slice3A_97 = vector.extract_strided_slice %mul3A_21 {offsets = [0, 2], sizes = [64, 1], strides = [1, 1]} : vector<64x64xf32> to vector<64x1xf32>
    %squeeze3A_98 = vector.shape_cast %slice3A_97 : vector<64x1xf32> to vector<64xf32>
    %broadcast_in_dim3A_99 = vector.shape_cast %squeeze3A_98 : vector<64xf32> to vector<64x1xf32>
    %mul3A_100 = vector.broadcast %broadcast_in_dim3A_99 : vector<64x1xf32> to vector<64x64xf32>
    %mul3A_101 = arith.mulf %mul3A_21, %mul3A_100 : vector<64x64xf32>
    %add3A_102 = arith.addf %mul3A_96, %mul3A_101 : vector<64x64xf32>
    %slice3A_103 = vector.extract_strided_slice %mul3A_32 {offsets = [0, 2], sizes = [64, 1], strides = [1, 1]} : vector<64x64xf32> to vector<64x1xf32>
    %squeeze3A_104 = vector.shape_cast %slice3A_103 : vector<64x1xf32> to vector<64xf32>
    %broadcast_in_dim3A_105 = vector.shape_cast %squeeze3A_104 : vector<64xf32> to vector<64x1xf32>
    %mul3A_106 = vector.broadcast %broadcast_in_dim3A_105 : vector<64x1xf32> to vector<64x64xf32>
    %mul3A_107 = arith.mulf %mul3A_32, %mul3A_106 : vector<64x64xf32>
    %add3A_108 = arith.addf %add3A_102, %mul3A_107 : vector<64x64xf32>
    %slice3A_109 = vector.extract_strided_slice %mul3A_43 {offsets = [0, 2], sizes = [64, 1], strides = [1, 1]} : vector<64x64xf32> to vector<64x1xf32>
    %squeeze3A_110 = vector.shape_cast %slice3A_109 : vector<64x1xf32> to vector<64xf32>
    %broadcast_in_dim3A_111 = vector.shape_cast %squeeze3A_110 : vector<64xf32> to vector<64x1xf32>
    %mul3A_112 = vector.broadcast %broadcast_in_dim3A_111 : vector<64x1xf32> to vector<64x64xf32>
    %mul3A_113 = arith.mulf %mul3A_43, %mul3A_112 : vector<64x64xf32>
    %add3A_114 = arith.addf %add3A_108, %mul3A_113 : vector<64x64xf32>
    %swap3A_115 = arith.constant 0 : index
    %swap3A_116 = arith.constant 0 : index
    %swap3A_117 = vector.load %arg8[%swap3A_115, %swap3A_116] : memref<64x64xf32, #tpu.memory_space<vmem>>, vector<64x64xf32>
    tpu.vector_store %arg8[%swap3A_115, %swap3A_116], %add3A_114 {strides = array<i32>} : memref<64x64xf32, #tpu.memory_space<vmem>>, vector<64x64xf32>,
    %slice3A_118 = vector.extract_strided_slice %mul3A_10 {offsets = [0, 3], sizes = [64, 1], strides = [1, 1]} : vector<64x64xf32> to vector<64x1xf32>
    %squeeze3A_119 = vector.shape_cast %slice3A_118 : vector<64x1xf32> to vector<64xf32>
    %broadcast_in_dim3A_120 = vector.shape_cast %squeeze3A_119 : vector<64xf32> to vector<64x1xf32>
    %mul3A_121 = vector.broadcast %broadcast_in_dim3A_120 : vector<64x1xf32> to vector<64x64xf32>
    %mul3A_122 = arith.mulf %mul3A_10, %mul3A_121 : vector<64x64xf32>
    %slice3A_123 = vector.extract_strided_slice %mul3A_21 {offsets = [0, 3], sizes = [64, 1], strides = [1, 1]} : vector<64x64xf32> to vector<64x1xf32>
    %squeeze3A_124 = vector.shape_cast %slice3A_123 : vector<64x1xf32> to vector<64xf32>
    %broadcast_in_dim3A_125 = vector.shape_cast %squeeze3A_124 : vector<64xf32> to vector<64x1xf32>
    %mul3A_126 = vector.broadcast %broadcast_in_dim3A_125 : vector<64x1xf32> to vector<64x64xf32>
    %mul3A_127 = arith.mulf %mul3A_21, %mul3A_126 : vector<64x64xf32>
    %add3A_128 = arith.addf %mul3A_122, %mul3A_127 : vector<64x64xf32>
    %slice3A_129 = vector.extract_strided_slice %mul3A_32 {offsets = [0, 3], sizes = [64, 1], strides = [1, 1]} : vector<64x64xf32> to vector<64x1xf32>
    %squeeze3A_130 = vector.shape_cast %slice3A_129 : vector<64x1xf32> to vector<64xf32>
    %broadcast_in_dim3A_131 = vector.shape_cast %squeeze3A_130 : vector<64xf32> to vector<64x1xf32>
    %mul3A_132 = vector.broadcast %broadcast_in_dim3A_131 : vector<64x1xf32> to vector<64x64xf32>
    %mul3A_133 = arith.mulf %mul3A_32, %mul3A_132 : vector<64x64xf32>
    %add3A_134 = arith.addf %add3A_128, %mul3A_133 : vector<64x64xf32>
    %slice3A_135 = vector.extract_strided_slice %mul3A_43 {offsets = [0, 3], sizes = [64, 1], strides = [1, 1]} : vector<64x64xf32> to vector<64x1xf32>
    %squeeze3A_136 = vector.shape_cast %slice3A_135 : vector<64x1xf32> to vector<64xf32>
    %broadcast_in_dim3A_137 = vector.shape_cast %squeeze3A_136 : vector<64xf32> to vector<64x1xf32>
    %mul3A_138 = vector.broadcast %broadcast_in_dim3A_137 : vector<64x1xf32> to vector<64x64xf32>
    %mul3A_139 = arith.mulf %mul3A_43, %mul3A_138 : vector<64x64xf32>
    %add3A_140 = arith.addf %add3A_134, %mul3A_139 : vector<64x64xf32>
    %swap3A_141 = arith.constant 0 : index
    %swap3A_142 = arith.constant 0 : index
    %swap3A_143 = vector.load %arg9[%swap3A_141, %swap3A_142] : memref<64x64xf32, #tpu.memory_space<vmem>>, vector<64x64xf32>
    tpu.vector_store %arg9[%swap3A_141, %swap3A_142], %add3A_140 {strides = array<i32>} : memref<64x64xf32, #tpu.memory_space<vmem>>, vector<64x64xf32>,
    return
  }
  func.func @transform_0(%arg0: i32) -> (i32, i32) {
    %c0_i32 = arith.constant 0 : i32
    %c0_i32_0 = arith.constant 0 : i32
    return %arg0, %c0_i32 : i32, i32
  }
  func.func @transform_1(%arg0: i32) -> (i32, i32) {
    %c0_i32 = arith.constant 0 : i32
    %c0_i32_0 = arith.constant 0 : i32
    return %arg0, %c0_i32 : i32, i32
  }
  func.func @transform_2(%arg0: i32) -> (i32, i32) {
    %c0_i32 = arith.constant 0 : i32
    %c0_i32_0 = arith.constant 0 : i32
    return %arg0, %c0_i32 : i32, i32
  }
  func.func @transform_3(%arg0: i32) -> (i32, i32) {
    %c0_i32 = arith.constant 0 : i32
    %c0_i32_0 = arith.constant 0 : i32
    return %arg0, %c0_i32 : i32, i32
  }
  func.func @transform_4(%arg0: i32) -> (i32, i32, i32) {
    %c0_i32 = arith.constant 0 : i32
    %c0_i32_0 = arith.constant 0 : i32
    %c0_i32_1 = arith.constant 0 : i32
    return %arg0, %c0_i32, %c0_i32_0 : i32, i32, i32
  }
  func.func @transform_5(%arg0: i32) -> (i32, i32) {
    %c0_i32 = arith.constant 0 : i32
    %c0_i32_0 = arith.constant 0 : i32
    return %arg0, %c0_i32 : i32, i32
  }
  func.func @transform_6(%arg0: i32) -> (i32, i32) {
    %c0_i32 = arith.constant 0 : i32
    %c0_i32_0 = arith.constant 0 : i32
    return %arg0, %c0_i32 : i32, i32
  }
  func.func @transform_7(%arg0: i32) -> (i32, i32) {
    %c0_i32 = arith.constant 0 : i32
    %c0_i32_0 = arith.constant 0 : i32
    return %arg0, %c0_i32 : i32, i32
  }
  func.func @transform_8(%arg0: i32) -> (i32, i32) {
    %c0_i32 = arith.constant 0 : i32
    %c0_i32_0 = arith.constant 0 : i32
    return %arg0, %c0_i32 : i32, i32
  }
}

</mosaic_0001>

<sc_bundles>
// kernel: kernel.18.cloned.1.call-start
scs
__scs_entry_jumppad:
0x0: {  	(pc) =	sbr.rel $0x88, $3  }
0x1: {  	(tag) =	ssettag $0x0;
	lr =	simm.s32 $0x1  }
0x2: {  	[smem:$0x3F96] =	sst lr;
	_ =	strace $0xD0000000  }
0x3: {  	_ = 	snop  }
0x4: {  	_ = 	snop  }
0x5: {  	_ = 	snop  }
0x6: {  	_ = 	snop  }
0x7: {  	_ = 	snop  }
__scs_overlays_trampoline_lowered:
0x8: {  	[smem:$0x3FA5] =	sst s0  }
0x9: {  	[smem:$0x3FA6] =	sst s1  }
0xa: {  	[smem:$0x3FA7] =	sst s2  }
0xb: {  	[smem:$0x3FA8] =	sst s3  }
0xc: {  	[smem:$0x3FA9] =	sst s4  }
0xd: {  	[smem:$0x3FAA] =	sst s5  }
0xe: {  	[smem:$0x3FAB] =	sst s6  }
0xf: {  	[smem:$0x3FAC] =	sst s7  }
0x10: {  	[smem:$0x3FAD] =	sst s8  }
0x11: {  	[smem:$0x3FAE] =	sst s9;
	s0 =	simm.s32 @!p0 $0x0  }
0x12: {  	s1 =	sld [smem:$0x3F94];
	s0 =	simm.s32 @p0 $0x1  }
0x13: {  	[smem:$0x3FAF] =	sst s0;
	s0 =	simm.s32 @!p1 $0x0  }
0x14: {  	s2 =	sld [smem:$0x3F93];
	s0 =	simm.s32 @p1 $0x1  }
0x15: {  	[smem:$0x3FB0] =	sst s0;
	s0 =	simm.s32 @!p2 $0x0  }
0x16: {  	s3 =	sld [smem:$0x3FDB];
	s0 =	simm.s32 @p2 $0x1  }
0x17: {  	s4 =	simm.s32 $0x1BF5;
	[smem:$0x3FB2] =	sst s0  }
0x18: {  	s0 =	sld [smem:$0x3F95];
	_ =	swait.ge [sflag:s4], $0x0  }
0x19: {  	s7 =	sld [smem:$0x3F96]  }
0x1a: {  	s8 =	sadd.s32 $0xFFFFE003, lr  }
0x1b: {  	s9 =	sadd.s32 $0xFFFFFEF7, lr;
	s5 =	simm.s32 $0xFFFFFFFF;
	p2 =	slt.u32 s8, $0xFFFFF086  }
0x1c: {  	p1 =	slt.u32 s9, $0xF7A;
	s5 =	simm.s32 @!p2 $0x0  }
0x1d: {  	s5 =	simm.s32 @p1 $0x1;
	p0 =	seq.s32 s7, s2  }
0x1e: {  	s7 =	smul.u32 @!p0 $0xF7A, s2;
	p2 =	seq.s32 @!p0 s5, $0x0  }
0x1f: {  	s9 =	smul.u32 $0xF7A, s1;
	s8 =	simm.s32 @!p0 $0x1BF5;
	p2 =	por !p2, p0  }
0x20: {  	[sflag:s8] =	ssyncset.s32 @!p0 $0xFFFFF086;
	s6 =	sadd.s32 @!p0 s3, s7;
	s7 =	simm.s32 @!p0 $0x108  }
0x21: {  	s3 =	sadd.s32 s3, s9;
	s6 =	sadd.s32 @!p0 $0x88, s6;
	s7 =	simm.s32 @p2 $0x1082  }
0x22: {  	[simem:s7], [sflag:s8] =	dma.local @!p0 [hbm:s6], $0xF7A  }
0x23: {  	s9 =	sor.u32 $0xD0000000, s2;
	s6 =	simm.s32 $0x108;
	_ =	swait.ge @!p0 [sflag:s8], $0x0  }
0x24: {  	s3 =	sadd.s32 $0x88, s3;
	s6 =	simm.s32 @!p1 $0x1082;
	[sflag:s4] =	ssyncset.s32 $0xFFFFF086  }
0x25: {  	[simem:s6], [sflag:s4] =	dma.local [hbm:s3], $0xF7A  }
0x26: {  	[smem:$0x3F96] =	sst s1;
	(tag) =	ssettag s2;
	_ =	strace s9  }
0x27: {  	s1 =	sld [smem:$0x3FA6]  }
0x28: {  	s2 =	sld [smem:$0x3FA7]  }
0x29: {  	s4 =	sld [smem:$0x3FA9]  }
0x2a: {  	p0 =	seq.s32 s5, $0x0;
	s5 =	sld [smem:$0x3FAA]  }
0x2b: {  	s6 =	sld [smem:$0x3FAB]  }
0x2c: {  	s7 =	sld [smem:$0x3FAC]  }
0x2d: {  	s3 =	simm.s32 $0x108;
	s8 =	sld [smem:$0x3FAD]  }
0x2e: {  	s3 =	simm.s32 @!p0 $0x1082;
	s9 =	sld [smem:$0x3FAE]  }
0x2f: {  	lr =	sadd.s32 s0, s3;
	s0 =	sld [smem:$0x3FA5]  }
0x30: {  	s3 =	sld [smem:$0x3FA8]  }
0x31: {  	[smem:$0x3FB1] =	sst s10  }
0x32: {  	s10 =	sld [smem:$0x3FAF];
	_ =	sdelay $0x3  }
0x33: {  	p0 =	seq.s32 s10, $0x1;
	s10 =	sld [smem:$0x3FB1];
	_ =	sdelay $0x3  }
0x34: {  	[smem:$0x3FB1] =	sst s10  }
0x35: {  	s10 =	sld [smem:$0x3FB0];
	_ =	sdelay $0x3  }
0x36: {  	p1 =	seq.s32 s10, $0x1;
	s10 =	sld [smem:$0x3FB1];
	_ =	sdelay $0x3  }
0x37: {  	[smem:$0x3FB1] =	sst s10  }
0x38: {  	s10 =	sld [smem:$0x3FB2]  }
0x39: {  	_ = 	snop;
	(pc) =	sbr.ind lr, $3  }
0x3a: {  	_ = 	snop  }
0x3b: {  	_ = 	snop  }
0x3c: {  	p2 =	seq.s32 s10, $0x1;
	s10 =	sld [smem:$0x3FB1]  }
0x3d: {  	_ =	shalt  }
0x3e: {  	_ =	shalt  }
0x3f: {  	_ =	shalt  }
0x40: {  	_ =	shalt  }
0x41: {  	_ =	shalt  }
0x42: {  	_ =	shalt  }
0x43: {  	_ =	shalt  }
0x44: {  	_ =	shalt  }
0x45: {  	_ =	shalt  }
0x46: {  	_ =	shalt  }
0x47: {  	_ =	shalt  }
0x48: {  	_ =	shalt  }
0x49: {  	_ =	shalt  }
0x4a: {  	_ =	shalt  }
0x4b: {  	_ =	shalt  }
0x4c: {  	_ =	shalt  }
0x4d: {  	_ =	shalt  }
0x4e: {  	_ =	shalt  }
0x4f: {  	_ =	shalt  }
0x50: {  	_ =	shalt  }
0x51: {  	_ =	shalt  }
0x52: {  	_ =	shalt  }
0x53: {  	_ =	shalt  }
0x54: {  	_ =	shalt  }
0x55: {  	_ =	shalt  }
0x56: {  	_ =	shalt  }
0x57: {  	_ =	shalt  }
0x58: {  	_ =	shalt  }
0x59: {  	_ =	shalt  }
0x5a: {  	_ =	shalt  }
0x5b: {  	_ =	shalt  }
0x5c: {  	_ =	shalt  }
0x5d: {  	_ =	shalt  }
0x5e: {  	_ =	shalt  }
0x5f: {  	_ =	shalt  }
0x60: {  	_ =	shalt  }
0x61: {  	_ =	shalt  }
0x62: {  	_ =	shalt  }
0x63: {  	_ =	shalt  }
0x64: {  	_ =	shalt  }
0x65: {  	_ =	shalt  }
0x66: {  	_ =	shalt  }
0x67: {  	_ =	shalt  }
0x68: {  	_ =	shalt  }
0x69: {  	_ =	shalt  }
0x6a: {  	_ =	shalt  }
0x6b: {  	_ =	shalt  }
0x6c: {  	_ =	shalt  }
0x6d: {  	_ =	shalt  }
0x6e: {  	_ =	shalt  }
0x6f: {  	_ =	shalt  }
0x70: {  	_ =	shalt  }
0x71: {  	_ =	shalt  }
0x72: {  	_ =	shalt  }
0x73: {  	_ =	shalt  }
0x74: {  	_ =	shalt  }
0x75: {  	_ =	shalt  }
0x76: {  	_ =	shalt  }
0x77: {  	_ =	shalt  }
0x78: {  	_ =	shalt  }
0x79: {  	_ =	shalt  }
0x7a: {  	_ =	shalt  }
0x7b: {  	_ =	shalt  }
0x7c: {  	_ =	shalt  }
0x7d: {  	_ =	shalt  }
0x7e: {  	_ =	shalt  }
0x7f: {  	_ =	shalt  }
0x80: {  	_ =	shalt  }
0x81: {  	_ =	shalt  }
0x82: {  	_ =	shalt  }
0x83: {  	_ =	shalt  }
0x84: {  	_ =	shalt  }
0x85: {  	_ =	shalt  }
0x86: {  	_ =	shalt  }
0x87: {  	_ =	shalt  }
.Lfunc_end0:
.L_simem_size_0:
called_computation_lowered:
.L_overlay_start_0:
0x88: {  	s2 =	sld [smem:$0x3FD9]  }
0x89: {  	s3 =	sld [smem:$0x3FFE];
	_ =	sdelay $0x1  }
0x8a: {  	s1 =	srdreg.scid  }
0x8b: {  	s0 =	sand.u32 $0x1, s1  }
0x8c: {  	s17 =	sshll.u32 s0, $0xA;
	s2 =	sadd.s32 s3, s2  }
0x8d: {  	s2 =	sadd.s32 s2, s17  }
0x8e: {  	[smem:$0x3FBD] =	sst s2  }
0x8f: {  	_ = 	snop  }
0x90: {  	s2 =	sld [smem:$0x3FC8]  }
0x91: {  	s18 =	sld [smem:$0x3FD0];
	(tm) =	ssettm $0x1  }
0x92: {  	s4 =	sld [smem:$0x3FFB];
	_ =	sdelay $0x3  }
0x93: {  	_ =	strace s4  }
0x94: {  	s4 =	sld [smem:$0x3FFC];
	_ =	sdelay $0x3  }
0x95: {  	_ =	strace s4  }
0x96: {  	s4 =	sld [smem:$0x3FFD];
	_ =	sdelay $0x3  }
0x97: {  	_ =	strace s4  }
0x98: {  	_ =	strace $0x8FFFFFFF  }
0x99: {  	s19 =	sld [smem:$0x3FDB];
	_ =	sdelay $0x1  }
0x9a: {  	s5 =	simm.s32 $_scs_section_size  }
0x9b: {  	s6 =	simm.s32 $_size__tile_overlayer_lowered;
	s7 =	simm.s32 $_tile_overlayer_lowered  }
0x9c: {  	s22 =	simm.s32 $0x1BFF;
	s21 =	sshll.u32 s7, $0x1;
	s4 =	sadd.s32 s5, s19  }
0x9d: {  	s8 =	simm.s32 $0x0;
	s20 =	sshll.u32 s6, $0x1;
	s6 =	sadd.s32 s21, s4  }
0x9e: {  	[timem:s8], [sflag:s22] =	dma.local [hbm:s6], s20  }
0x9f: {  	_ =	swait.ge [sflag:s22], s20  }
0xa0: {  	s5 =	ssub.s32 $0x0, s20;
	[sflag:s22] =	ssyncset.done $0x0  }
0xa1: {  	[sflag:s22] =	ssyncadd.s32 s5;
	_ =	sdelay $0x1  }
0xa2: {  	s23 =	simm.s32 $0x1B8B  }
0xa3: {  	_ =	swait.ge [sflag:s23], $0x1  }
0xa4: {  	[sflag:s23] =	ssyncset.done $0x0  }
0xa5: {  	s25 =	simm.s32 $0x1B8E;
	s24 =	sld [smem:$0x3FFE];
	[sflag:s23] =	ssyncadd.s32 $0xFFFFFFFF  }
0xa6: {  	s26 =	simm.s32 $execute0_lowered;
	[smem:$0x3FD2] =	sst s25  }
0xa7: {  	s6 =	sshll.u32 s26, $0x1;
	_ =	strace $0x80000046;
	[dreg:$0x1] =	wrdreg $0xFFFFFFFF  }
0xa8: {  	s28 =	simm.s32 $_size_execute0_lowered;
	s4 =	sadd.s32 s4, s6;
	[dreg:$0x0] =	wrdreg $0x0  }
0xa9: {  	s6 =	sshll.u32 s28, $0x1;
	[dreg:$0x2] =	wrdreg s4  }
0xaa: {  	[dreg:$0x3] =	wrdreg s6  }
0xab: {  	[dreg:$0x4] =	wrdreg $0xC0  }
0xac: {  	_ =	task [dreg:s8], $0x5FFFF  }
0xad: {  	[dreg:$0x1] =	wrdreg $0xFFFFFFFF  }
0xae: {  	[dreg:$0x0] =	wrdreg $0x60  }
0xaf: {  	[dreg:$0x2] =	wrdreg s18  }
0xb0: {  	[dreg:$0x3] =	wrdreg s2  }
0xb1: {  	[dreg:$0x4] =	wrdreg s24  }
0xb2: {  	[dreg:$0x5] =	wrdreg $0x9  }
0xb3: {  	_ =	task.clear_ibuf [dreg:s8], $0x6FFFF;
	_ =	strace $0x90000046  }
0xb4: {  	s29 =	simm.s32 $0x9;
	_ =	strace $0x80000048  }
0xb5: {  	_ =	swait.ge [sflag:s29], $0x1  }
0xb6: {  	[sflag:s29] =	ssyncadd.s32 $0xFFFFFFFF  }
0xb7: {  	_ =	strace $0x90000048  }
0xb8: {  	_ =	sfence  }
0xb9: {  	s30 =	sld [smem:$0x0];
	_ =	sdelay $0x2  }
0xba: {  	s31 =	sshll.u32 s1, $0xD;
	s1 =	sshrl.u32 s1, $0x2  }
0xbb: {  	s3 =	sand.u32 $0x4000, s31;
	s1 =	sadd.s32 s1, s30  }
0xbc: {  	s0 =	sor.u32 s3, s0;
	s1 =	sshll.u32 s1, $0x11  }
0xbd: {  	s0 =	sor.u32 s1, s0  }
0xbe: {  	s0 =	sadd.s32 $0x8F2B, s0  }
0xbf: {  	[sflag:s0] =	ssyncadd.remote.s32 $0x1  }
0xc0: {  	_ =	sfence.sel $0xFFFF  }
0xc1: {  	[dreg:$0x0] =	wrdreg $0xFFFFFFFF;
	(pc) =	sbr.abs _section_cstart, $3  }
0xc2: {  	[dreg:$0x1] =	wrdreg $0xFFFFFFFF  }
0xc3: {  	_ =	task.clear_ibuf [dreg:s8], $0x2FFFF;
	_ =	strace $0x9FFFFFFF  }
0xc4: {  	(tm) =	ssettm $0x7FFFFFFF  }
0xc5: {  	_ =	shalt  }
tec
execute0_lowered:
.L_overlay_start_1:
0x0: {  	(tag) =	ssettag $0x1  }
0x1: {  	s1 =	rddreg [dreg:$0x0]  }
0x2: {  	s2 =	srdreg.scid;
	s3 =	rddreg [dreg:$0x1]  }
0x3: {  	s0 =	stileid.u32;
	s9 =	rddreg [dreg:$0x2]  }
0x4: {  	s4 =	simm.s32 $0x0;
	s13 =	simm.s32 $0x8000;
	s14 =	simm.s32 $0xA000  }
0x5: {  	s15 =	simm.s32 $0x11800;
	s16 =	simm.s32 $0x11C00;
	s17 =	simm.s32 $0x12000  }
0x6: {  	s18 =	simm.s32 $0x12400;
	s7 =	sand.u32 $0x1, s2;
	s31 =	sshll.u32 s0, $0x1  }
0x7: {  	s19 =	simm.s32 $0x0;
	s2 =	rddreg [dreg:$0x3];
	s5 =	sor.u32 s7, s31  }
0x8: {  	[smem:$0x7FF] =	sst s4;
	s11 =	ssub.s32 $0x2, s7;
	s5 =	smul.u32 $0x7800, s5  }
0x9: {  	s8 =	sadd.s32 $0x80600, s9;
	_ =	strace $0x80000047;
	s12 =	sshrl.u32 s11, $0x1  }
0xa: {  	s7 =	sadd.s32 $0x62600, s9;
	s11 =	ssub.s32 s11, s12;
	s6 =	sshrl.u32 s5, $0x3  }
0xb: {  	s12 =	simm.s32 $0x1;
	s11 =	smax.u32 s11, $0x1;
	s10 =	sadd.s32 s6, s9  }
0xc: {  	s6 =	sadd.s32 $0x44600, s9;
	s9 =	sadd.s32 $0x9E600, s9;
	s10 =	sadd.s32 $0x26600, s10  }
.LBB2_1:
0xd: {  	[tilespmem:s4], [sflag:$0x1] =	stream.linear.gather [hbm4b:s1+s4], $0x8000, $0x38;
	[tilespmem:$0x12800] =	vst v63  }
0xe: {  	_ =	swait.ge [sflag:s12], $0x8000  }
0xf: {  	[sflag:s12] =	ssyncset.done $0x0  }
0x10: {  	[sflag:s12] =	ssyncadd.s32 $0xFFFF8000  }
0x11: {  	[tilespmem:s13], [sflag:$0x1] =	stream.linear.gather [hbm4b:s3+s4], $0x2000, $0x38;
	[tilespmem:$0x12800] =	vst v63  }
0x12: {  	_ =	swait.ge [sflag:s12], $0x2000  }
0x13: {  	[sflag:s12] =	ssyncset.done $0x0  }
0x14: {  	[sflag:s12] =	ssyncadd.s32 $0xFFFFE000  }
0x15: {  	[tilespmem:s14], [sflag:$0x1] =	stream.linear.gather [hbm4b:s10+s4], $0x7800, $0x38;
	[tilespmem:$0x12800] =	vst v63  }
0x16: {  	_ =	swait.ge [sflag:s12], $0x7800  }
0x17: {  	[sflag:s12] =	ssyncset.done $0x0  }
0x18: {  	s20 =	simm.s32 $0xA040;
	s21 =	simm.s32 $0x0;
	[sflag:s12] =	ssyncadd.s32 $0xFFFF8800  }
.LBB2_2:
0x19: {  	v2 =	vld [tilespmem:s20+$0x30]  }
0x1a: {  	v3 =	vld [tilespmem:s20+$0xFFFFFFD0]  }
0x1b: {  	v5 =	vld [tilespmem:s20+$0xFFFFFFE0]  }
0x1c: {  	v6 =	vld [tilespmem:s20+$0xFFFFFFF0]  }
0x1d: {  	v7 =	vld [tilespmem:s20+$0x0]  }
0x1e: {  	v0 =	vld [tilespmem:s20+$0x10];
	v4 =	vshll.u32 v2, $0x2  }
0x1f: {  	v1 =	vld [tilespmem:s20+$0x20];
	v8 =	vshll.u32 v3, $0x2  }
0x20: {  	v10 =	vld [tilespmem:s20+$0xFFFFFFC0];
	v9 =	vshll.u32 v5, $0x2  }
0x21: {  	v11 =	vshll.u32 v6, $0x2  }
0x22: {  	v12 =	vshll.u32 v7, $0x2  }
0x23: {  	v13 =	vshll.u32 v0, $0x2;
	v14 =	vld.idx.msk [tilespmem:v4+s4+$0x0], $0xffff  }
0x24: {  	v16 =	vshll.u32 v1, $0x2;
	v15 =	vld.idx.msk [tilespmem:v8+s4+$0x0], $0xffff  }
0x25: {  	v19 =	vshll.u32 v10, $0x2;
	v17 =	vld.idx.msk [tilespmem:v9+s4+$0x0], $0xffff  }
0x26: {  	v18 =	vor.u32 $0x1, v4;
	v20 =	vld.idx.msk [tilespmem:v11+s4+$0x0], $0xffff  }
0x27: {  	v21 =	vor.u32 $0x1, v8;
	v22 =	vld.idx.msk [tilespmem:v12+s4+$0x0], $0xffff  }
0x28: {  	s22 =	simm.s32 $0x11840;
	v23 =	vor.u32 $0x1, v9;
	v24 =	vld.idx.msk [tilespmem:v13+s4+$0x0], $0xffff  }
0x29: {  	v25 =	vor.u32 $0x1, v11;
	v26 =	vld.idx.msk [tilespmem:v16+s4+$0x0], $0xffff;
	[tilespmem:s22+$0x30] =	vst v14  }
0x2a: {  	v51 =	vor.u32 $0x1, v12;
	v27 =	vld.idx.msk [tilespmem:v19+s4+$0x0], $0xffff;
	[tilespmem:s22+$0xFFFFFFD0] =	vst v15  }
0x2b: {  	v53 =	vor.u32 $0x1, v13;
	[tilespmem:s22+$0xFFFFFFE0] =	vst v17;
	v52 =	vld.idx.msk [tilespmem:v18+s4+$0x0], $0xffff  }
0x2c: {  	v55 =	vor.u32 $0x1, v19;
	[tilespmem:s22+$0xFFFFFFF0] =	vst v20;
	v54 =	vld.idx.msk [tilespmem:v21+s4+$0x0], $0xffff  }
0x2d: {  	v57 =	vor.u32 $0x1, v16;
	[tilespmem:s22+$0x0] =	vst v22;
	v56 =	vld.idx.msk [tilespmem:v23+s4+$0x0], $0xffff  }
0x2e: {  	v4 =	vor.u32 $0x2, v4;
	[tilespmem:s22+$0x10] =	vst v24;
	v58 =	vld.idx.msk [tilespmem:v25+s4+$0x0], $0xffff  }
0x2f: {  	v8 =	vor.u32 $0x2, v8;
	[tilespmem:s22+$0x20] =	vst v26;
	v14 =	vld.idx.msk [tilespmem:v51+s4+$0x0], $0xffff  }
0x30: {  	s23 =	simm.s32 $0x11C40;
	v9 =	vor.u32 $0x2, v9;
	[tilespmem:s22+$0xFFFFFFC0] =	vst v27;
	v18 =	vld.idx.msk [tilespmem:v53+s4+$0x0], $0xffff  }
0x31: {  	v11 =	vor.u32 $0x2, v11;
	v59 =	vld.idx.msk [tilespmem:v55+s4+$0x0], $0xffff;
	[tilespmem:s23+$0x30] =	vst v52  }
0x32: {  	v12 =	vor.u32 $0x2, v12;
	v60 =	vld.idx.msk [tilespmem:v57+s4+$0x0], $0xffff;
	[tilespmem:s23+$0xFFFFFFD0] =	vst v54  }
0x33: {  	v19 =	vor.u32 $0x2, v19;
	[tilespmem:s23+$0xFFFFFFE0] =	vst v56;
	v4 =	vld.idx.msk [tilespmem:v4+s4+$0x0], $0xffff  }
0x34: {  	v13 =	vor.u32 $0x2, v13;
	[tilespmem:s23+$0xFFFFFFF0] =	vst v58;
	v8 =	vld.idx.msk [tilespmem:v8+s4+$0x0], $0xffff  }
0x35: {  	v61 =	vor.u32 $0x2, v16;
	[tilespmem:s23+$0x0] =	vst v14;
	v9 =	vld.idx.msk [tilespmem:v9+s4+$0x0], $0xffff  }
0x36: {  	[tilespmem:s23+$0x10] =	vst v18;
	v11 =	vld.idx.msk [tilespmem:v11+s4+$0x0], $0xffff  }
0x37: {  	[tilespmem:s23+$0xFFFFFFC0] =	vst v59;
	v12 =	vld.idx.msk [tilespmem:v12+s4+$0x0], $0xffff  }
0x38: {  	s24 =	simm.s32 $0x12040;
	[tilespmem:s23+$0x20] =	vst v60;
	v63 =	vld.idx.msk [tilespmem:v19+s4+$0x0], $0xffff  }
0x39: {  	[tilespmem:s24+$0xFFFFFFD0] =	vst v8;
	v8 =	vld.idx.msk [tilespmem:v13+s4+$0x0], $0xffff  }
0x3a: {  	[tilespmem:s24+$0x30] =	vst v4;
	v4 =	vld.idx.msk [tilespmem:v61+s4+$0x0], $0xffff  }
0x3b: {  	[tilespmem:s24+$0xFFFFFFE0] =	vst v9;
	v62 =	vld.idx.msk [tilespmem:v2+s13+$0x0], $0xffff  }
0x3c: {  	[tilespmem:s24+$0xFFFFFFF0] =	vst v11;
	v2 =	vld.idx.msk [tilespmem:v3+s13+$0x0], $0xffff  }
0x3d: {  	[tilespmem:s24+$0x0] =	vst v12;
	v3 =	vld.idx.msk [tilespmem:v5+s13+$0x0], $0xffff  }
0x3e: {  	[tilespmem:s24+$0xFFFFFFC0] =	vst v63;
	v5 =	vld.idx.msk [tilespmem:v6+s13+$0x0], $0xffff  }
0x3f: {  	s25 =	simm.s32 $0x12440;
	v6 =	vld.idx.msk [tilespmem:v7+s13+$0x0], $0xffff;
	[tilespmem:s24+$0x10] =	vst v8  }
0x40: {  	s26 =	sshll.u32 s21, $0xA;
	s28 =	simm.s32 $0x0;
	s29 =	sadd.s32 $0x80, s20;
	v7 =	vld.idx.msk [tilespmem:v10+s13+$0x0], $0xffff;
	[tilespmem:s25+$0x30] =	vst v62  }
.LBB2_3:
0x41: {  	v8 =	vld [tilespmem:s29+$0x30];
	s28 =	sadd.s32 $0x8, s28;
	[tilespmem:s24+$0x20] =	vst v4  }
0x42: {  	v9 =	vld [tilespmem:s29+$0xFFFFFFD0];
	p0 =	slt.u32 s28, $0x38;
	[tilespmem:s25+$0xFFFFFFD0] =	vst v2  }
0x43: {  	v10 =	vld [tilespmem:s29+$0xFFFFFFE0];
	[tilespmem:s25+$0xFFFFFFE0] =	vst v3  }
0x44: {  	v11 =	vld [tilespmem:s29+$0xFFFFFFF0];
	[tilespmem:s25+$0xFFFFFFF0] =	vst v5  }
0x45: {  	v12 =	vld [tilespmem:s29+$0x0];
	[tilespmem:s25+$0x0] =	vst v6  }
0x46: {  	v2 =	vld [tilespmem:s29+$0x10];
	v3 =	vshll.u32 v8, $0x2;
	[tilespmem:s25+$0xFFFFFFC0] =	vst v7  }
0x47: {  	v4 =	vshll.u32 v9, $0x2;
	v5 =	vld [tilespmem:s29+$0x20]  }
0x48: {  	v7 =	vld [tilespmem:s29+$0xFFFFFFC0];
	v6 =	vor.u32 $0x1, v4;
	v13 =	vor.u32 $0x2, v4;
	v14 =	vshll.u32 v10, $0x2  }
0x49: {  	v15 =	vor.u32 $0x1, v14;
	v16 =	vor.u32 $0x2, v14;
	v17 =	vshll.u32 v11, $0x2;
	v18 =	vld.idx.msk [tilespmem:v0+s13+$0x0], $0xffff  }
0x4a: {  	v19 =	vor.u32 $0x1, v17;
	v20 =	vor.u32 $0x2, v17;
	v21 =	vshll.u32 v12, $0x2;
	v22 =	vld.idx.msk [tilespmem:v1+s13+$0x0], $0xffff  }
0x4b: {  	v23 =	vor.u32 $0x1, v21;
	v24 =	vor.u32 $0x2, v21;
	v25 =	vshll.u32 v2, $0x2;
	v26 =	vld.idx.msk [tilespmem:v3+s4+$0x0], $0xffff;
	v0 =	vmovc v2  }
0x4c: {  	v2 =	vld.idx.msk [tilespmem:v4+s4+$0x0], $0xffff;
	v4 =	vor.u32 $0x1, v25;
	v27 =	vor.u32 $0x2, v25;
	v28 =	vshll.u32 v5, $0x2;
	v1 =	vmovc v5  }
0x4d: {  	v30 =	vor.u32 $0x1, v3;
	v5 =	vshll.u32 v7, $0x2;
	v14 =	vld.idx.msk [tilespmem:v14+s4+$0x0], $0xffff;
	v29 =	vor.u32 $0x1, v28  }
0x4e: {  	v33 =	vor.u32 $0x2, v28;
	v31 =	vor.u32 $0x1, v5;
	v32 =	vor.u32 $0x2, v5;
	v17 =	vld.idx.msk [tilespmem:v17+s4+$0x0], $0xffff  }
0x4f: {  	v21 =	vld.idx.msk [tilespmem:v21+s4+$0x0], $0xffff;
	[tilespmem:s25+$0x10] =	vst v18  }
0x50: {  	s22 =	sadd.s32 $0x80, s22;
	v18 =	vld.idx.msk [tilespmem:v25+s4+$0x0], $0xffff;
	[tilespmem:s25+$0x20] =	vst v22  }
0x51: {  	v22 =	vld.idx.msk [tilespmem:v28+s4+$0x0], $0xffff;
	[tilespmem:s22+$0x30] =	vst v26  }
0x52: {  	[tilespmem:s22+$0xFFFFFFD0] =	vst v2;
	v2 =	vld.idx.msk [tilespmem:v30+s4+$0x0], $0xffff  }
0x53: {  	v5 =	vld.idx.msk [tilespmem:v5+s4+$0x0], $0xffff;
	[tilespmem:s22+$0xFFFFFFE0] =	vst v14  }
0x54: {  	v3 =	vor.u32 $0x2, v3;
	v6 =	vld.idx.msk [tilespmem:v6+s4+$0x0], $0xffff;
	[tilespmem:s22+$0xFFFFFFF0] =	vst v17  }
0x55: {  	v14 =	vld.idx.msk [tilespmem:v15+s4+$0x0], $0xffff;
	[tilespmem:s22+$0x0] =	vst v21  }
0x56: {  	v15 =	vld.idx.msk [tilespmem:v19+s4+$0x0], $0xffff;
	[tilespmem:s22+$0x10] =	vst v18  }
0x57: {  	s23 =	sadd.s32 $0x80, s23;
	v17 =	vld.idx.msk [tilespmem:v23+s4+$0x0], $0xffff;
	[tilespmem:s22+$0x20] =	vst v22  }
0x58: {  	v4 =	vld.idx.msk [tilespmem:v4+s4+$0x0], $0xffff;
	[tilespmem:s23+$0x30] =	vst v2  }
0x59: {  	[tilespmem:s22+$0xFFFFFFC0] =	vst v5;
	v2 =	vld.idx.msk [tilespmem:v3+s4+$0x0], $0xffff  }
0x5a: {  	v3 =	vld.idx.msk [tilespmem:v31+s4+$0x0], $0xffff;
	[tilespmem:s23+$0xFFFFFFD0] =	vst v6  }
0x5b: {  	[tilespmem:s23+$0xFFFFFFE0] =	vst v14;
	v5 =	vld.idx.msk [tilespmem:v29+s4+$0x0], $0xffff  }
0x5c: {  	v6 =	vld.idx.msk [tilespmem:v13+s4+$0x0], $0xffff;
	[tilespmem:s23+$0xFFFFFFF0] =	vst v15  }
0x5d: {  	v13 =	vld.idx.msk [tilespmem:v16+s4+$0x0], $0xffff;
	[tilespmem:s23+$0x0] =	vst v17  }
0x5e: {  	s24 =	sadd.s32 $0x80, s24;
	v14 =	vld.idx.msk [tilespmem:v20+s4+$0x0], $0xffff;
	[tilespmem:s23+$0x10] =	vst v4  }
0x5f: {  	v15 =	vld.idx.msk [tilespmem:v24+s4+$0x0], $0xffff;
	[tilespmem:s24+$0x30] =	vst v2  }
0x60: {  	[tilespmem:s23+$0xFFFFFFC0] =	vst v3;
	v8 =	vld.idx.msk [tilespmem:v8+s13+$0x0], $0xffff  }
0x61: {  	v16 =	vld.idx.msk [tilespmem:v32+s4+$0x0], $0xffff;
	[tilespmem:s23+$0x20] =	vst v5  }
0x62: {  	[tilespmem:s24+$0xFFFFFFD0] =	vst v6;
	v17 =	vld.idx.msk [tilespmem:v27+s4+$0x0], $0xffff  }
0x63: {  	[tilespmem:s24+$0xFFFFFFE0] =	vst v13;
	v4 =	vld.idx.msk [tilespmem:v33+s4+$0x0], $0xffff  }
.Ltmp0:
0x64: {  	v2 =	vld.idx.msk [tilespmem:v9+s13+$0x0], $0xffff;
	[tilespmem:s24+$0xFFFFFFF0] =	vst v14;
	(pc) =	sbr.rel @p0 .LBB2_3-.Ltmp0, $4  }
0x65: {  	s25 =	sadd.s32 $0x80, s25;
	v3 =	vld.idx.msk [tilespmem:v10+s13+$0x0], $0xffff;
	[tilespmem:s24+$0x0] =	vst v15  }
0x66: {  	v5 =	vld.idx.msk [tilespmem:v11+s13+$0x0], $0xffff;
	[tilespmem:s25+$0x30] =	vst v8  }
0x67: {  	[tilespmem:s24+$0xFFFFFFC0] =	vst v16;
	v6 =	vld.idx.msk [tilespmem:v12+s13+$0x0], $0xffff  }
0x68: {  	s29 =	sadd.s32 $0x80, s29;
	v7 =	vld.idx.msk [tilespmem:v7+s13+$0x0], $0xffff;
	[tilespmem:s24+$0x10] =	vst v17  }
0x69: {  	_ =	sdelay $0x2  }
0x6a: {  	[tilespmem:s24+$0x20] =	vst v4  }
0x6b: {  	[tilespmem:s25+$0xFFFFFFD0] =	vst v2;
	v0 =	vld.idx.msk [tilespmem:v0+s13+$0x0], $0xffff  }
0x6c: {  	[tilespmem:s25+$0xFFFFFFE0] =	vst v3;
	v1 =	vld.idx.msk [tilespmem:v1+s13+$0x0], $0xffff  }
0x6d: {  	[tilespmem:s25+$0xFFFFFFF0] =	vst v5  }
0x6e: {  	[tilespmem:s25+$0x0] =	vst v6  }
0x6f: {  	s22 =	sadd.s32 s5, s26;
	[tilespmem:s25+$0xFFFFFFC0] =	vst v7  }
0x70: {  	s22 =	sshrl.u32 s22, $0x3;
	[tilespmem:s25+$0x10] =	vst v0  }
0x71: {  	s23 =	sadd.s32 s6, s22;
	[tilespmem:s25+$0x20] =	vst v1  }
0x72: {  	[hbm4b:s23+s4] =	stream.linear.scatter [tilespmem:s15], [sflag:$0x1], $0x400, $0x38;
	[tilespmem:$0x12800] =	vst v63  }
0x73: {  	_ =	swait.ge [sflag:s12], $0x400  }
0x74: {  	[sflag:s12] =	ssyncset.done $0x0  }
0x75: {  	s30 =	sadd.s32 s7, s22;
	[sflag:s12] =	ssyncadd.s32 $0xFFFFFC00  }
0x76: {  	[hbm4b:s30+s4] =	stream.linear.scatter [tilespmem:s16], [sflag:$0x1], $0x400, $0x38;
	[tilespmem:$0x12800] =	vst v63  }
0x77: {  	_ =	swait.ge [sflag:s12], $0x400  }
0x78: {  	[sflag:s12] =	ssyncset.done $0x0  }
0x79: {  	s31 =	sadd.s32 s8, s22;
	[sflag:s12] =	ssyncadd.s32 $0xFFFFFC00  }
0x7a: {  	[hbm4b:s31+s4] =	stream.linear.scatter [tilespmem:s17], [sflag:$0x1], $0x400, $0x38;
	[tilespmem:$0x12800] =	vst v63  }
0x7b: {  	s21 =	sadd.s32 $0x1, s21;
	_ =	swait.ge [sflag:s12], $0x400  }
0x7c: {  	p0 =	sne.s32 s21, $0x1E;
	[sflag:s12] =	ssyncset.done $0x0  }
.Ltmp1:
0x7d: {  	s22 =	sadd.s32 s9, s22;
	[sflag:s12] =	ssyncadd.s32 $0xFFFFFC00;
	(pc) =	sbr.rel @p0 .LBB2_2-.Ltmp1, $4  }
0x7e: {  	[hbm4b:s22+s4] =	stream.linear.scatter [tilespmem:s18], [sflag:$0x1], $0x400, $0x38;
	[tilespmem:$0x12800] =	vst v63  }
0x7f: {  	_ =	swait.ge [sflag:s12], $0x400  }
0x80: {  	[sflag:s12] =	ssyncset.done $0x0  }
0x81: {  	s20 =	sadd.s32 $0x400, s20;
	[sflag:s12] =	ssyncadd.s32 $0xFFFFFC00  }
0x82: {  	s19 =	sadd.s32 $0x1, s19  }
0x83: {  	p0 =	sne.s32 s19, s11  }
.Ltmp2:
0x84: {  	_ = 	snop;
	(pc) =	sbr.rel @p0 .LBB2_1-.Ltmp2, $1  }
0x85: {  	_ =	sdelay $0x3  }
0x86: {  	_ =	sfence.sel $0x180000  }
0x87: {  	[bflag:$0x0] =	sbarrier.arrive $0xFFFF  }
0x88: {  	p0 =	sne.s32 s0, $0x0;
	_ =	strace $0x90000047  }
0x89: {  	s0 =	sadd.s32 @!p0 $0x100000, s2;
	[bflag:$0x2] =	sbarrier.arrive $0xFFFF  }
0x8a: {  	[sflag:s0] =	ssyncadd.tile.s32 @!p0 $0x1;
	_ =	shalt  }
.Lfunc_end2:
_tile_overlayer_lowered:
.L_overlay_start_2:
0x8b: {  	(tag) =	ssettag $0x2  }
0x8c: {  	s0 =	rddreg [dreg:$0x0];
	s2 =	stileid.u32  }
0x8d: {  	s1 =	rddreg [dreg:$0x1];
	p0 =	sne.s32 s2, $0x0  }
0x8e: {  	s3 =	rddreg [dreg:$0x2];
	[bflag:$0x3] =	sbarrier.arrive $0xFFFF;
	s2 =	simm.s32 @!p0 $0x1C01  }
0x8f: {  	[timem:s3], [sflag:s2] =	dma.local @!p0 [hbm:s0], s1  }
0x90: {  	s0 =	simm.s32 @!p0 $0x1  }
0x91: {  	_ =	swait.ge @!p0 [sflag:s0], s1  }
0x92: {  	s1 =	ssub.s32 @!p0 $0x0, s1;
	[sflag:s0] =	ssyncset.done @!p0 $0x0  }
0x93: {  	[sflag:s0] =	ssyncadd.s32 @!p0 s1  }
0x94: {  	[bflag:$0x3] =	sbarrier.arrive $0xFFFF  }
0x95: {  	_ =	shalt  }

// kernel: kernel.21.cloned.1.call-start
scs
__scs_entry_jumppad:
0x0: {  	(pc) =	sbr.rel $0x88, $3  }
0x1: {  	(tag) =	ssettag $0x0;
	lr =	simm.s32 $0x1  }
0x2: {  	[smem:$0x3F96] =	sst lr;
	_ =	strace $0xD0000000  }
0x3: {  	_ = 	snop  }
0x4: {  	_ = 	snop  }
0x5: {  	_ = 	snop  }
0x6: {  	_ = 	snop  }
0x7: {  	_ = 	snop  }
__scs_overlays_trampoline_lowered:
0x8: {  	[smem:$0x3FA5] =	sst s0  }
0x9: {  	[smem:$0x3FA6] =	sst s1  }
0xa: {  	[smem:$0x3FA7] =	sst s2  }
0xb: {  	[smem:$0x3FA8] =	sst s3  }
0xc: {  	[smem:$0x3FA9] =	sst s4  }
0xd: {  	[smem:$0x3FAA] =	sst s5  }
0xe: {  	[smem:$0x3FAB] =	sst s6  }
0xf: {  	[smem:$0x3FAC] =	sst s7  }
0x10: {  	[smem:$0x3FAD] =	sst s8  }
0x11: {  	[smem:$0x3FAE] =	sst s9;
	s0 =	simm.s32 @!p0 $0x0  }
0x12: {  	s1 =	sld [smem:$0x3F94];
	s0 =	simm.s32 @p0 $0x1  }
0x13: {  	[smem:$0x3FAF] =	sst s0;
	s0 =	simm.s32 @!p1 $0x0  }
0x14: {  	s2 =	sld [smem:$0x3F93];
	s0 =	simm.s32 @p1 $0x1  }
0x15: {  	[smem:$0x3FB0] =	sst s0;
	s0 =	simm.s32 @!p2 $0x0  }
0x16: {  	s3 =	sld [smem:$0x3FDB];
	s0 =	simm.s32 @p2 $0x1  }
0x17: {  	s4 =	simm.s32 $0x1BF5;
	[smem:$0x3FB2] =	sst s0  }
0x18: {  	s0 =	sld [smem:$0x3F95];
	_ =	swait.ge [sflag:s4], $0x0  }
0x19: {  	s7 =	sld [smem:$0x3F96]  }
0x1a: {  	s8 =	sadd.s32 $0xFFFFE003, lr  }
0x1b: {  	s9 =	sadd.s32 $0xFFFFFEF7, lr;
	s5 =	simm.s32 $0xFFFFFFFF;
	p2 =	slt.u32 s8, $0xFFFFF086  }
0x1c: {  	p1 =	slt.u32 s9, $0xF7A;
	s5 =	simm.s32 @!p2 $0x0  }
0x1d: {  	s5 =	simm.s32 @p1 $0x1;
	p0 =	seq.s32 s7, s2  }
0x1e: {  	s7 =	smul.u32 @!p0 $0xF7A, s2;
	p2 =	seq.s32 @!p0 s5, $0x0  }
0x1f: {  	s9 =	smul.u32 $0xF7A, s1;
	s8 =	simm.s32 @!p0 $0x1BF5;
	p2 =	por !p2, p0  }
0x20: {  	[sflag:s8] =	ssyncset.s32 @!p0 $0xFFFFF086;
	s6 =	sadd.s32 @!p0 s3, s7;
	s7 =	simm.s32 @!p0 $0x108  }
0x21: {  	s3 =	sadd.s32 s3, s9;
	s6 =	sadd.s32 @!p0 $0x88, s6;
	s7 =	simm.s32 @p2 $0x1082  }
0x22: {  	[simem:s7], [sflag:s8] =	dma.local @!p0 [hbm:s6], $0xF7A  }
0x23: {  	s9 =	sor.u32 $0xD0000000, s2;
	s6 =	simm.s32 $0x108;
	_ =	swait.ge @!p0 [sflag:s8], $0x0  }
0x24: {  	s3 =	sadd.s32 $0x88, s3;
	s6 =	simm.s32 @!p1 $0x1082;
	[sflag:s4] =	ssyncset.s32 $0xFFFFF086  }
0x25: {  	[simem:s6], [sflag:s4] =	dma.local [hbm:s3], $0xF7A  }
0x26: {  	[smem:$0x3F96] =	sst s1;
	(tag) =	ssettag s2;
	_ =	strace s9  }
0x27: {  	s1 =	sld [smem:$0x3FA6]  }
0x28: {  	s2 =	sld [smem:$0x3FA7]  }
0x29: {  	s4 =	sld [smem:$0x3FA9]  }
0x2a: {  	p0 =	seq.s32 s5, $0x0;
	s5 =	sld [smem:$0x3FAA]  }
0x2b: {  	s6 =	sld [smem:$0x3FAB]  }
0x2c: {  	s7 =	sld [smem:$0x3FAC]  }
0x2d: {  	s3 =	simm.s32 $0x108;
	s8 =	sld [smem:$0x3FAD]  }
0x2e: {  	s3 =	simm.s32 @!p0 $0x1082;
	s9 =	sld [smem:$0x3FAE]  }
0x2f: {  	lr =	sadd.s32 s0, s3;
	s0 =	sld [smem:$0x3FA5]  }
0x30: {  	s3 =	sld [smem:$0x3FA8]  }
0x31: {  	[smem:$0x3FB1] =	sst s10  }
0x32: {  	s10 =	sld [smem:$0x3FAF];
	_ =	sdelay $0x3  }
0x33: {  	p0 =	seq.s32 s10, $0x1;
	s10 =	sld [smem:$0x3FB1];
	_ =	sdelay $0x3  }
0x34: {  	[smem:$0x3FB1] =	sst s10  }
0x35: {  	s10 =	sld [smem:$0x3FB0];
	_ =	sdelay $0x3  }
0x36: {  	p1 =	seq.s32 s10, $0x1;
	s10 =	sld [smem:$0x3FB1];
	_ =	sdelay $0x3  }
0x37: {  	[smem:$0x3FB1] =	sst s10  }
0x38: {  	s10 =	sld [smem:$0x3FB2]  }
0x39: {  	_ = 	snop;
	(pc) =	sbr.ind lr, $3  }
0x3a: {  	_ = 	snop  }
0x3b: {  	_ = 	snop  }
0x3c: {  	p2 =	seq.s32 s10, $0x1;
	s10 =	sld [smem:$0x3FB1]  }
0x3d: {  	_ =	shalt  }
0x3e: {  	_ =	shalt  }
0x3f: {  	_ =	shalt  }
0x40: {  	_ =	shalt  }
0x41: {  	_ =	shalt  }
0x42: {  	_ =	shalt  }
0x43: {  	_ =	shalt  }
0x44: {  	_ =	shalt  }
0x45: {  	_ =	shalt  }
0x46: {  	_ =	shalt  }
0x47: {  	_ =	shalt  }
0x48: {  	_ =	shalt  }
0x49: {  	_ =	shalt  }
0x4a: {  	_ =	shalt  }
0x4b: {  	_ =	shalt  }
0x4c: {  	_ =	shalt  }
0x4d: {  	_ =	shalt  }
0x4e: {  	_ =	shalt  }
0x4f: {  	_ =	shalt  }
0x50: {  	_ =	shalt  }
0x51: {  	_ =	shalt  }
0x52: {  	_ =	shalt  }
0x53: {  	_ =	shalt  }
0x54: {  	_ =	shalt  }
0x55: {  	_ =	shalt  }
0x56: {  	_ =	shalt  }
0x57: {  	_ =	shalt  }
0x58: {  	_ =	shalt  }
0x59: {  	_ =	shalt  }
0x5a: {  	_ =	shalt  }
0x5b: {  	_ =	shalt  }
0x5c: {  	_ =	shalt  }
0x5d: {  	_ =	shalt  }
0x5e: {  	_ =	shalt  }
0x5f: {  	_ =	shalt  }
0x60: {  	_ =	shalt  }
0x61: {  	_ =	shalt  }
0x62: {  	_ =	shalt  }
0x63: {  	_ =	shalt  }
0x64: {  	_ =	shalt  }
0x65: {  	_ =	shalt  }
0x66: {  	_ =	shalt  }
0x67: {  	_ =	shalt  }
0x68: {  	_ =	shalt  }
0x69: {  	_ =	shalt  }
0x6a: {  	_ =	shalt  }
0x6b: {  	_ =	shalt  }
0x6c: {  	_ =	shalt  }
0x6d: {  	_ =	shalt  }
0x6e: {  	_ =	shalt  }
0x6f: {  	_ =	shalt  }
0x70: {  	_ =	shalt  }
0x71: {  	_ =	shalt  }
0x72: {  	_ =	shalt  }
0x73: {  	_ =	shalt  }
0x74: {  	_ =	shalt  }
0x75: {  	_ =	shalt  }
0x76: {  	_ =	shalt  }
0x77: {  	_ =	shalt  }
0x78: {  	_ =	shalt  }
0x79: {  	_ =	shalt  }
0x7a: {  	_ =	shalt  }
0x7b: {  	_ =	shalt  }
0x7c: {  	_ =	shalt  }
0x7d: {  	_ =	shalt  }
0x7e: {  	_ =	shalt  }
0x7f: {  	_ =	shalt  }
0x80: {  	_ =	shalt  }
0x81: {  	_ =	shalt  }
0x82: {  	_ =	shalt  }
0x83: {  	_ =	shalt  }
0x84: {  	_ =	shalt  }
0x85: {  	_ =	shalt  }
0x86: {  	_ =	shalt  }
0x87: {  	_ =	shalt  }
.Lfunc_end0:
.L_simem_size_0:
called_computation.1_lowered:
.L_overlay_start_0:
0x88: {  	s2 =	sld [smem:$0x3FD9]  }
0x89: {  	s3 =	sld [smem:$0x3FFE];
	_ =	sdelay $0x1  }
0x8a: {  	s1 =	srdreg.scid  }
0x8b: {  	s0 =	sand.u32 $0x1, s1  }
0x8c: {  	s16 =	sshll.u32 s0, $0xA;
	s2 =	sadd.s32 s3, s2  }
0x8d: {  	s2 =	sadd.s32 s2, s16  }
0x8e: {  	[smem:$0x3FBD] =	sst s2  }
0x8f: {  	_ = 	snop  }
0x90: {  	(tm) =	ssettm $0x1  }
0x91: {  	s17 =	sld [smem:$0x3FFB];
	_ =	sdelay $0x3  }
0x92: {  	_ =	strace s17  }
0x93: {  	s2 =	sld [smem:$0x3FFC];
	_ =	sdelay $0x3  }
0x94: {  	_ =	strace s2  }
0x95: {  	s2 =	sld [smem:$0x3FFD];
	_ =	sdelay $0x3  }
0x96: {  	_ =	strace s2  }
0x97: {  	_ =	strace $0x8FFFFFFF  }
0x98: {  	s18 =	sld [smem:$0x3FDB];
	_ =	sdelay $0x1  }
0x99: {  	s19 =	simm.s32 $_scs_section_size  }
0x9a: {  	s4 =	simm.s32 $_size__tile_overlayer_lowered;
	s5 =	simm.s32 $_tile_overlayer_lowered  }
0x9b: {  	s22 =	simm.s32 $0x1BFF;
	s21 =	sshll.u32 s5, $0x1;
	s2 =	sadd.s32 s19, s18  }
0x9c: {  	s6 =	simm.s32 $0x0;
	s20 =	sshll.u32 s4, $0x1;
	s4 =	sadd.s32 s21, s2  }
0x9d: {  	[timem:s6], [sflag:s22] =	dma.local [hbm:s4], s20  }
0x9e: {  	_ =	swait.ge [sflag:s22], s20  }
0x9f: {  	s3 =	ssub.s32 $0x0, s20;
	[sflag:s22] =	ssyncset.done $0x0  }
0xa0: {  	[sflag:s22] =	ssyncadd.s32 s3;
	_ =	sdelay $0x1  }
0xa1: {  	s23 =	simm.s32 $0x1B8B  }
0xa2: {  	_ =	swait.ge [sflag:s23], $0x1  }
0xa3: {  	[sflag:s23] =	ssyncset.done $0x0  }
0xa4: {  	s25 =	simm.s32 $0x1B8E;
	s24 =	sld [smem:$0x3FFE];
	[sflag:s23] =	ssyncadd.s32 $0xFFFFFFFF  }
0xa5: {  	s26 =	simm.s32 $execute0_lowered;
	[smem:$0x3FD2] =	sst s25  }
0xa6: {  	s4 =	sshll.u32 s26, $0x1;
	_ =	strace $0x80000049;
	[dreg:$0x1] =	wrdreg $0xFFFFFFFF  }
0xa7: {  	s28 =	simm.s32 $_size_execute0_lowered;
	s2 =	sadd.s32 s2, s4;
	[dreg:$0x0] =	wrdreg $0x0  }
0xa8: {  	s4 =	sshll.u32 s28, $0x1;
	[dreg:$0x2] =	wrdreg s2  }
0xa9: {  	[dreg:$0x3] =	wrdreg s4  }
0xaa: {  	[dreg:$0x4] =	wrdreg $0xC0  }
0xab: {  	_ =	task [dreg:s6], $0x5FFFF  }
0xac: {  	[dreg:$0x1] =	wrdreg $0xFFFFFFFF  }
0xad: {  	[dreg:$0x0] =	wrdreg $0x60  }
0xae: {  	[dreg:$0x2] =	wrdreg s24  }
0xaf: {  	[dreg:$0x3] =	wrdreg $0x9  }
0xb0: {  	_ =	task.clear_ibuf [dreg:s6], $0x4FFFF;
	_ =	strace $0x90000049  }
0xb1: {  	s29 =	simm.s32 $0x9;
	_ =	strace $0x8000004B  }
0xb2: {  	_ =	swait.ge [sflag:s29], $0x1  }
0xb3: {  	[sflag:s29] =	ssyncadd.s32 $0xFFFFFFFF  }
0xb4: {  	_ =	strace $0x9000004B  }
0xb5: {  	_ =	sfence  }
0xb6: {  	s30 =	sld [smem:$0x0];
	_ =	sdelay $0x2  }
0xb7: {  	s31 =	sshll.u32 s1, $0xD;
	s1 =	sshrl.u32 s1, $0x2  }
0xb8: {  	s3 =	sand.u32 $0x4000, s31;
	s1 =	sadd.s32 s1, s30  }
0xb9: {  	s0 =	sor.u32 s3, s0;
	s1 =	sshll.u32 s1, $0x11  }
0xba: {  	s0 =	sor.u32 s1, s0  }
0xbb: {  	s0 =	sadd.s32 $0x8F2B, s0  }
0xbc: {  	[sflag:s0] =	ssyncadd.remote.s32 $0x1  }
0xbd: {  	_ =	sfence.sel $0xFFFF  }
0xbe: {  	[dreg:$0x0] =	wrdreg $0xFFFFFFFF;
	(pc) =	sbr.abs _section_cstart, $3  }
0xbf: {  	[dreg:$0x1] =	wrdreg $0xFFFFFFFF  }
0xc0: {  	_ =	task.clear_ibuf [dreg:s6], $0x2FFFF;
	_ =	strace $0x9FFFFFFF  }
0xc1: {  	(tm) =	ssettm $0x7FFFFFFF  }
tec
execute0_lowered:
.L_overlay_start_1:
0x0: {  	(tag) =	ssettag $0x1  }
0x1: {  	s1 =	srdreg.scid;
	s0 =	stileid.u32  }
0x2: {  	s5 =	rddreg [dreg:$0x0];
	s2 =	simm.s32 $0x0;
	s13 =	simm.s32 $0xF800  }
0x3: {  	s14 =	simm.s32 $0x1;
	s15 =	simm.s32 $0x4;
	s16 =	simm.s32 $0x2  }
0x4: {  	s17 =	simm.s32 $0x7700;
	s18 =	simm.s32 $0x0;
	s4 =	sand.u32 $0x1, s1  }
0x5: {  	s24 =	sshll.u32 s0, $0x1;
	s1 =	rddreg [dreg:$0x1];
	s9 =	smul.u32 $0x780000, s0  }
0x6: {  	[smem:$0x7FF] =	sst s2;
	s3 =	sor.u32 s4, s24;
	s11 =	smul.u32 $0x3C0000, s4  }
0x7: {  	s12 =	sadd.s32 $0x1085A00, s5;
	s8 =	ssub.s32 $0x2, s4;
	s6 =	smul.u32 $0xF00, s3  }
0x8: {  	_ =	strace $0x8000004A;
	s7 =	smul.u32 $0x3C0000, s3;
	s10 =	sshrl.u32 s8, $0x1  }
0x9: {  	s3 =	sadd.s32 $0x44600, s5;
	s26 =	ssub.s32 s8, s10;
	s29 =	sadd.s32 s11, s9  }
0xa: {  	s10 =	simm.s32 $0x3;
	s11 =	simm.s32 $0x100;
	s25 =	sadd.s32 s6, s5  }
0xb: {  	s28 =	sshrl.u32 s7, $0x3;
	s5 =	smax.u32 s26, $0x1;
	s9 =	sor.u32 $0x8000, s29  }
0xc: {  	s31 =	sshrl.u32 s29, $0x3;
	s4 =	sadd.s32 $0x26600, s25;
	s30 =	sadd.s32 s12, s28  }
0xd: {  	s9 =	sshrl.u32 s9, $0x3;
	s6 =	sadd.s32 $0x76000, s30;
	s7 =	sadd.s32 $0x77000, s30  }
0xe: {  	s8 =	sadd.s32 s9, s12;
	s9 =	sadd.s32 s31, s12;
	s12 =	simm.s32 $0x7800  }
.LBB2_1:
0xf: {  	[tilespmem:s2], [sflag:$0x3] =	stream.linear.gather [hbm4b:s4+s2], $0x7800, $0x38;
	[tilespmem:$0x17800] =	vst v63  }
0x10: {  	_ =	swait.ge [sflag:s10], $0x7800  }
0x11: {  	[sflag:s10] =	ssyncset.done $0x0  }
0x12: {  	[sflag:s10] =	ssyncadd.s32 $0xFFFF8800  }
0x13: {  	[tilespmem:s12], [sflag:$0x1] =	stream.indirect.gather [hbm4b:s3+s11], $0x80, s2, s11, $0xb8;
	[tilespmem:$0x17800] =	vst v63  }
0x14: {  	s19 =	simm.s32 $0x100  }
0x15: {  	[tilespmem:s13], [sflag:$0x2] =	stream.indirect.gather [hbm4b:s3+s11], $0x80, s19, s11, $0xb8;
	[tilespmem:$0x17800] =	vst v63  }
0x16: {  	_ =	swait.ge [sflag:s14], $0x8000  }
0x17: {  	[sflag:s14] =	ssyncset.done $0x0  }
0x18: {  	s29 =	sadd.s32 $0x0, s9;
	[sflag:s14] =	ssyncadd.s32 $0xFFFF8000  }
0x19: {  	[hbm4b:s29+s2] =	stream.linear.scatter [tilespmem:s12], [sflag:$0x4], $0x8000, $0x38;
	[tilespmem:$0x17800] =	vst v63  }
0x1a: {  	_ =	swait.ge [sflag:s15], $0x8000  }
0x1b: {  	[sflag:s15] =	ssyncset.done $0x0  }
0x1c: {  	s30 =	simm.s32 $0x200;
	[sflag:s15] =	ssyncadd.s32 $0xFFFF8000  }
0x1d: {  	[tilespmem:s12], [sflag:$0x1] =	stream.indirect.gather [hbm4b:s3+s11], $0x80, s30, s11, $0xb8;
	[tilespmem:$0x17800] =	vst v63  }
0x1e: {  	_ =	swait.ge [sflag:s16], $0x8000  }
0x1f: {  	[sflag:s16] =	ssyncset.done $0x0  }
0x20: {  	s31 =	sadd.s32 $0x0, s8;
	[sflag:s16] =	ssyncadd.s32 $0xFFFF8000  }
0x21: {  	[hbm4b:s31+s2] =	stream.linear.scatter [tilespmem:s13], [sflag:$0x3], $0x8000, $0x38;
	[tilespmem:$0x17800] =	vst v63  }
0x22: {  	s21 =	simm.s32 $0x4000;
	_ =	swait.ge [sflag:s10], $0x8000  }
0x23: {  	s20 =	simm.s32 $0x400;
	s19 =	simm.s32 $0x2000;
	[sflag:s10] =	ssyncset.done $0x0  }
.LBB2_2:
0x24: {  	p0 =	sne.s32 s21, $0x74000;
	s22 =	sadd.s32 $0xFFFFFF00, s20;
	[sflag:s10] =	ssyncadd.s32 $0xFFFF8000  }
0x25: {  	[tilespmem:s13], [sflag:$0x2] =	stream.indirect.gather [hbm4b:s3+s11], $0x80, s22, s11, $0xb8;
	[tilespmem:$0x17800] =	vst v63  }
0x26: {  	s22 =	smov.u32 s21;
	s21 =	sadd.s32 $0x2000, s21;
	_ =	swait.ge [sflag:s14], $0x8000  }
0x27: {  	[sflag:s14] =	ssyncset.done $0x0  }
0x28: {  	s23 =	sadd.s32 s19, s9;
	[sflag:s14] =	ssyncadd.s32 $0xFFFF8000  }
0x29: {  	[hbm4b:s23+s2] =	stream.linear.scatter [tilespmem:s12], [sflag:$0x4], $0x8000, $0x38;
	[tilespmem:$0x17800] =	vst v63  }
0x2a: {  	_ =	swait.ge [sflag:s15], $0x8000  }
0x2b: {  	[sflag:s15] =	ssyncset.done $0x0  }
0x2c: {  	[sflag:s15] =	ssyncadd.s32 $0xFFFF8000  }
0x2d: {  	[tilespmem:s12], [sflag:$0x1] =	stream.indirect.gather [hbm4b:s3+s11], $0x80, s20, s11, $0xb8;
	[tilespmem:$0x17800] =	vst v63  }
0x2e: {  	_ =	swait.ge [sflag:s16], $0x8000  }
.Ltmp0:
0x2f: {  	[sflag:s16] =	ssyncset.done $0x0;
	(pc) =	sbr.rel @p0 .LBB2_2-.Ltmp0, $4  }
0x30: {  	s23 =	sadd.s32 s19, s8;
	s19 =	smov.u32 s22;
	[sflag:s16] =	ssyncadd.s32 $0xFFFF8000  }
0x31: {  	[hbm4b:s23+s2] =	stream.linear.scatter [tilespmem:s13], [sflag:$0x3], $0x8000, $0x38;
	[tilespmem:$0x17800] =	vst v63  }
0x32: {  	_ =	swait.ge [sflag:s10], $0x8000  }
0x33: {  	s20 =	sadd.s32 $0x200, s20;
	[sflag:s10] =	ssyncset.done $0x0  }
0x34: {  	s21 =	sadd.s32 $0xFFFFFF00, s20;
	[sflag:s10] =	ssyncadd.s32 $0xFFFF8000  }
0x35: {  	[tilespmem:s13], [sflag:$0x2] =	stream.indirect.gather [hbm4b:s3+s11], $0x80, s21, s11, $0xb8;
	[tilespmem:$0x17800] =	vst v63  }
0x36: {  	_ =	swait.ge [sflag:s14], $0x8000  }
0x37: {  	[sflag:s14] =	ssyncset.done $0x0  }
0x38: {  	s30 =	sadd.s32 s19, s9;
	[sflag:s14] =	ssyncadd.s32 $0xFFFF8000  }
0x39: {  	[hbm4b:s30+s2] =	stream.linear.scatter [tilespmem:s12], [sflag:$0x4], $0x8000, $0x38;
	[tilespmem:$0x17800] =	vst v63  }
0x3a: {  	_ =	swait.ge [sflag:s15], $0x8000  }
0x3b: {  	[sflag:s15] =	ssyncset.done $0x0  }
0x3c: {  	[sflag:s15] =	ssyncadd.s32 $0xFFFF8000  }
0x3d: {  	[tilespmem:s12], [sflag:$0x1] =	stream.indirect.gather [hbm4b:s3+s11], $0x80, s20, s11, $0xb8;
	[tilespmem:$0x17800] =	vst v63  }
0x3e: {  	_ =	swait.ge [sflag:s16], $0x8000  }
0x3f: {  	[sflag:s16] =	ssyncset.done $0x0  }
0x40: {  	s31 =	sadd.s32 s19, s8;
	[sflag:s16] =	ssyncadd.s32 $0xFFFF8000  }
0x41: {  	[hbm4b:s31+s2] =	stream.linear.scatter [tilespmem:s13], [sflag:$0x3], $0x8000, $0x38;
	[tilespmem:$0x17800] =	vst v63  }
0x42: {  	_ =	swait.ge [sflag:s10], $0x8000  }
0x43: {  	[sflag:s10] =	ssyncset.done $0x0  }
0x44: {  	[sflag:s10] =	ssyncadd.s32 $0xFFFF8000  }
0x45: {  	[tilespmem:s13], [sflag:$0x2] =	stream.indirect.gather [hbm4b:s3+s11], $0x80, s17, s11, $0xb8;
	[tilespmem:$0x17800] =	vst v63  }
0x46: {  	_ =	swait.ge [sflag:s14], $0x8000  }
0x47: {  	[sflag:s14] =	ssyncset.done $0x0  }
0x48: {  	[sflag:s14] =	ssyncadd.s32 $0xFFFF8000  }
0x49: {  	[hbm4b:s6+s2] =	stream.linear.scatter [tilespmem:s12], [sflag:$0x4], $0x8000, $0x38;
	[tilespmem:$0x17800] =	vst v63  }
0x4a: {  	_ =	swait.ge [sflag:s15], $0x8000  }
0x4b: {  	[sflag:s15] =	ssyncset.done $0x0  }
0x4c: {  	[sflag:s15] =	ssyncadd.s32 $0xFFFF8000  }
0x4d: {  	s18 =	sadd.s32 $0x1, s18;
	_ =	swait.ge [sflag:s16], $0x8000  }
0x4e: {  	p0 =	sne.s32 s18, s5;
	[sflag:s16] =	ssyncset.done $0x0  }
.Ltmp1:
0x4f: {  	[sflag:s16] =	ssyncadd.s32 $0xFFFF8000;
	(pc) =	sbr.rel @p0 .LBB2_1-.Ltmp1, $4  }
0x50: {  	[hbm4b:s7+s2] =	stream.linear.scatter [tilespmem:s13], [sflag:$0x3], $0x8000, $0x38;
	[tilespmem:$0x17800] =	vst v63  }
0x51: {  	_ =	swait.ge [sflag:s10], $0x8000  }
0x52: {  	[sflag:s10] =	ssyncset.done $0x0  }
0x53: {  	[sflag:s10] =	ssyncadd.s32 $0xFFFF8000  }
0x54: {  	_ =	sfence.sel $0x180000  }
0x55: {  	[bflag:$0x0] =	sbarrier.arrive $0xFFFF  }
0x56: {  	p0 =	sne.s32 s0, $0x0;
	_ =	strace $0x9000004A  }
0x57: {  	s0 =	sadd.s32 @!p0 $0x100000, s1;
	[bflag:$0x2] =	sbarrier.arrive $0xFFFF  }
0x58: {  	[sflag:s0] =	ssyncadd.tile.s32 @!p0 $0x1;
	_ =	shalt  }
.Lfunc_end2:
_tile_overlayer_lowered:
.L_overlay_start_2:
0x59: {  	(tag) =	ssettag $0x2  }
0x5a: {  	s0 =	rddreg [dreg:$0x0];
	s2 =	stileid.u32  }
0x5b: {  	s1 =	rddreg [dreg:$0x1];
	p0 =	sne.s32 s2, $0x0  }
0x5c: {  	s3 =	rddreg [dreg:$0x2];
	[bflag:$0x3] =	sbarrier.arrive $0xFFFF;
	s2 =	simm.s32 @!p0 $0x1C03  }
0x5d: {  	[timem:s3], [sflag:s2] =	dma.local @!p0 [hbm:s0], s1  }
0x5e: {  	s0 =	simm.s32 @!p0 $0x3  }
0x5f: {  	_ =	swait.ge @!p0 [sflag:s0], s1  }
0x60: {  	s1 =	ssub.s32 @!p0 $0x0, s1;
	[sflag:s0] =	ssyncset.done @!p0 $0x0  }
0x61: {  	[sflag:s0] =	ssyncadd.s32 @!p0 s1  }
0x62: {  	[bflag:$0x3] =	sbarrier.arrive $0xFFFF  }
0x63: {  	_ =	shalt  }

// kernel: kernel.24.cloned.1.call-start
scs
__scs_entry_jumppad:
0x0: {  	(pc) =	sbr.rel $0x88, $3  }
0x1: {  	(tag) =	ssettag $0x0;
	lr =	simm.s32 $0x1  }
0x2: {  	[smem:$0x3F96] =	sst lr;
	_ =	strace $0xD0000000  }
0x3: {  	_ = 	snop  }
0x4: {  	_ = 	snop  }
0x5: {  	_ = 	snop  }
0x6: {  	_ = 	snop  }
0x7: {  	_ = 	snop  }
__scs_overlays_trampoline_lowered:
0x8: {  	[smem:$0x3FA5] =	sst s0  }
0x9: {  	[smem:$0x3FA6] =	sst s1  }
0xa: {  	[smem:$0x3FA7] =	sst s2  }
0xb: {  	[smem:$0x3FA8] =	sst s3  }
0xc: {  	[smem:$0x3FA9] =	sst s4  }
0xd: {  	[smem:$0x3FAA] =	sst s5  }
0xe: {  	[smem:$0x3FAB] =	sst s6  }
0xf: {  	[smem:$0x3FAC] =	sst s7  }
0x10: {  	[smem:$0x3FAD] =	sst s8  }
0x11: {  	[smem:$0x3FAE] =	sst s9;
	s0 =	simm.s32 @!p0 $0x0  }
0x12: {  	s1 =	sld [smem:$0x3F94];
	s0 =	simm.s32 @p0 $0x1  }
0x13: {  	[smem:$0x3FAF] =	sst s0;
	s0 =	simm.s32 @!p1 $0x0  }
0x14: {  	s2 =	sld [smem:$0x3F93];
	s0 =	simm.s32 @p1 $0x1  }
0x15: {  	[smem:$0x3FB0] =	sst s0;
	s0 =	simm.s32 @!p2 $0x0  }
0x16: {  	s3 =	sld [smem:$0x3FDB];
	s0 =	simm.s32 @p2 $0x1  }
0x17: {  	s4 =	simm.s32 $0x1BF5;
	[smem:$0x3FB2] =	sst s0  }
0x18: {  	s0 =	sld [smem:$0x3F95];
	_ =	swait.ge [sflag:s4], $0x0  }
0x19: {  	s7 =	sld [smem:$0x3F96]  }
0x1a: {  	s8 =	sadd.s32 $0xFFFFE003, lr  }
0x1b: {  	s9 =	sadd.s32 $0xFFFFFEF7, lr;
	s5 =	simm.s32 $0xFFFFFFFF;
	p2 =	slt.u32 s8, $0xFFFFF086  }
0x1c: {  	p1 =	slt.u32 s9, $0xF7A;
	s5 =	simm.s32 @!p2 $0x0  }
0x1d: {  	s5 =	simm.s32 @p1 $0x1;
	p0 =	seq.s32 s7, s2  }
0x1e: {  	s7 =	smul.u32 @!p0 $0xF7A, s2;
	p2 =	seq.s32 @!p0 s5, $0x0  }
0x1f: {  	s9 =	smul.u32 $0xF7A, s1;
	s8 =	simm.s32 @!p0 $0x1BF5;
	p2 =	por !p2, p0  }
0x20: {  	[sflag:s8] =	ssyncset.s32 @!p0 $0xFFFFF086;
	s6 =	sadd.s32 @!p0 s3, s7;
	s7 =	simm.s32 @!p0 $0x108  }
0x21: {  	s3 =	sadd.s32 s3, s9;
	s6 =	sadd.s32 @!p0 $0x88, s6;
	s7 =	simm.s32 @p2 $0x1082  }
0x22: {  	[simem:s7], [sflag:s8] =	dma.local @!p0 [hbm:s6], $0xF7A  }
0x23: {  	s9 =	sor.u32 $0xD0000000, s2;
	s6 =	simm.s32 $0x108;
	_ =	swait.ge @!p0 [sflag:s8], $0x0  }
0x24: {  	s3 =	sadd.s32 $0x88, s3;
	s6 =	simm.s32 @!p1 $0x1082;
	[sflag:s4] =	ssyncset.s32 $0xFFFFF086  }
0x25: {  	[simem:s6], [sflag:s4] =	dma.local [hbm:s3], $0xF7A  }
0x26: {  	[smem:$0x3F96] =	sst s1;
	(tag) =	ssettag s2;
	_ =	strace s9  }
0x27: {  	s1 =	sld [smem:$0x3FA6]  }
0x28: {  	s2 =	sld [smem:$0x3FA7]  }
0x29: {  	s4 =	sld [smem:$0x3FA9]  }
0x2a: {  	p0 =	seq.s32 s5, $0x0;
	s5 =	sld [smem:$0x3FAA]  }
0x2b: {  	s6 =	sld [smem:$0x3FAB]  }
0x2c: {  	s7 =	sld [smem:$0x3FAC]  }
0x2d: {  	s3 =	simm.s32 $0x108;
	s8 =	sld [smem:$0x3FAD]  }
0x2e: {  	s3 =	simm.s32 @!p0 $0x1082;
	s9 =	sld [smem:$0x3FAE]  }
0x2f: {  	lr =	sadd.s32 s0, s3;
	s0 =	sld [smem:$0x3FA5]  }
0x30: {  	s3 =	sld [smem:$0x3FA8]  }
0x31: {  	[smem:$0x3FB1] =	sst s10  }
0x32: {  	s10 =	sld [smem:$0x3FAF];
	_ =	sdelay $0x3  }
0x33: {  	p0 =	seq.s32 s10, $0x1;
	s10 =	sld [smem:$0x3FB1];
	_ =	sdelay $0x3  }
0x34: {  	[smem:$0x3FB1] =	sst s10  }
0x35: {  	s10 =	sld [smem:$0x3FB0];
	_ =	sdelay $0x3  }
0x36: {  	p1 =	seq.s32 s10, $0x1;
	s10 =	sld [smem:$0x3FB1];
	_ =	sdelay $0x3  }
0x37: {  	[smem:$0x3FB1] =	sst s10  }
0x38: {  	s10 =	sld [smem:$0x3FB2]  }
0x39: {  	_ = 	snop;
	(pc) =	sbr.ind lr, $3  }
0x3a: {  	_ = 	snop  }
0x3b: {  	_ = 	snop  }
0x3c: {  	p2 =	seq.s32 s10, $0x1;
	s10 =	sld [smem:$0x3FB1]  }
0x3d: {  	_ =	shalt  }
0x3e: {  	_ =	shalt  }
0x3f: {  	_ =	shalt  }
0x40: {  	_ =	shalt  }
0x41: {  	_ =	shalt  }
0x42: {  	_ =	shalt  }
0x43: {  	_ =	shalt  }
0x44: {  	_ =	shalt  }
0x45: {  	_ =	shalt  }
0x46: {  	_ =	shalt  }
0x47: {  	_ =	shalt  }
0x48: {  	_ =	shalt  }
0x49: {  	_ =	shalt  }
0x4a: {  	_ =	shalt  }
0x4b: {  	_ =	shalt  }
0x4c: {  	_ =	shalt  }
0x4d: {  	_ =	shalt  }
0x4e: {  	_ =	shalt  }
0x4f: {  	_ =	shalt  }
0x50: {  	_ =	shalt  }
0x51: {  	_ =	shalt  }
0x52: {  	_ =	shalt  }
0x53: {  	_ =	shalt  }
0x54: {  	_ =	shalt  }
0x55: {  	_ =	shalt  }
0x56: {  	_ =	shalt  }
0x57: {  	_ =	shalt  }
0x58: {  	_ =	shalt  }
0x59: {  	_ =	shalt  }
0x5a: {  	_ =	shalt  }
0x5b: {  	_ =	shalt  }
0x5c: {  	_ =	shalt  }
0x5d: {  	_ =	shalt  }
0x5e: {  	_ =	shalt  }
0x5f: {  	_ =	shalt  }
0x60: {  	_ =	shalt  }
0x61: {  	_ =	shalt  }
0x62: {  	_ =	shalt  }
0x63: {  	_ =	shalt  }
0x64: {  	_ =	shalt  }
0x65: {  	_ =	shalt  }
0x66: {  	_ =	shalt  }
0x67: {  	_ =	shalt  }
0x68: {  	_ =	shalt  }
0x69: {  	_ =	shalt  }
0x6a: {  	_ =	shalt  }
0x6b: {  	_ =	shalt  }
0x6c: {  	_ =	shalt  }
0x6d: {  	_ =	shalt  }
0x6e: {  	_ =	shalt  }
0x6f: {  	_ =	shalt  }
0x70: {  	_ =	shalt  }
0x71: {  	_ =	shalt  }
0x72: {  	_ =	shalt  }
0x73: {  	_ =	shalt  }
0x74: {  	_ =	shalt  }
0x75: {  	_ =	shalt  }
0x76: {  	_ =	shalt  }
0x77: {  	_ =	shalt  }
0x78: {  	_ =	shalt  }
0x79: {  	_ =	shalt  }
0x7a: {  	_ =	shalt  }
0x7b: {  	_ =	shalt  }
0x7c: {  	_ =	shalt  }
0x7d: {  	_ =	shalt  }
0x7e: {  	_ =	shalt  }
0x7f: {  	_ =	shalt  }
0x80: {  	_ =	shalt  }
0x81: {  	_ =	shalt  }
0x82: {  	_ =	shalt  }
0x83: {  	_ =	shalt  }
0x84: {  	_ =	shalt  }
0x85: {  	_ =	shalt  }
0x86: {  	_ =	shalt  }
0x87: {  	_ =	shalt  }
.Lfunc_end0:
.L_simem_size_0:
called_computation.2_lowered:
.L_overlay_start_0:
0x88: {  	s2 =	sld [smem:$0x3FD9]  }
0x89: {  	s3 =	sld [smem:$0x3FFE];
	_ =	sdelay $0x1  }
0x8a: {  	s1 =	srdreg.scid  }
0x8b: {  	s0 =	sand.u32 $0x1, s1  }
0x8c: {  	s17 =	sshll.u32 s0, $0xA;
	s2 =	sadd.s32 s3, s2  }
0x8d: {  	s2 =	sadd.s32 s2, s17  }
0x8e: {  	[smem:$0x3FBD] =	sst s2  }
0x8f: {  	_ = 	snop  }
0x90: {  	s2 =	sld [smem:$0x3FD0];
	(tm) =	ssettm $0x1  }
0x91: {  	s18 =	sld [smem:$0x3FFB];
	_ =	sdelay $0x3  }
0x92: {  	_ =	strace s18  }
0x93: {  	s3 =	sld [smem:$0x3FFC];
	_ =	sdelay $0x3  }
0x94: {  	_ =	strace s3  }
0x95: {  	s3 =	sld [smem:$0x3FFD];
	_ =	sdelay $0x3  }
0x96: {  	_ =	strace s3  }
0x97: {  	_ =	strace $0x8FFFFFFF  }
0x98: {  	s19 =	sld [smem:$0x3FDB];
	_ =	sdelay $0x1  }
0x99: {  	s4 =	simm.s32 $_scs_section_size  }
0x9a: {  	s5 =	simm.s32 $_size__tile_overlayer_lowered;
	s6 =	simm.s32 $_tile_overlayer_lowered  }
0x9b: {  	s22 =	simm.s32 $0x1BFF;
	s21 =	sshll.u32 s6, $0x1;
	s3 =	sadd.s32 s4, s19  }
0x9c: {  	s7 =	simm.s32 $0x0;
	s20 =	sshll.u32 s5, $0x1;
	s5 =	sadd.s32 s21, s3  }
0x9d: {  	[timem:s7], [sflag:s22] =	dma.local [hbm:s5], s20  }
0x9e: {  	_ =	swait.ge [sflag:s22], s20  }
0x9f: {  	s4 =	ssub.s32 $0x0, s20;
	[sflag:s22] =	ssyncset.done $0x0  }
0xa0: {  	[sflag:s22] =	ssyncadd.s32 s4;
	_ =	sdelay $0x1  }
0xa1: {  	s23 =	simm.s32 $0x1B8B  }
0xa2: {  	_ =	swait.ge [sflag:s23], $0x1  }
0xa3: {  	[sflag:s23] =	ssyncset.done $0x0  }
0xa4: {  	s25 =	simm.s32 $0x1B8E;
	s24 =	sld [smem:$0x3FFE];
	[sflag:s23] =	ssyncadd.s32 $0xFFFFFFFF  }
0xa5: {  	s26 =	simm.s32 $execute0_lowered;
	[smem:$0x3FD2] =	sst s25  }
0xa6: {  	s5 =	sshll.u32 s26, $0x1;
	_ =	strace $0x8000004C;
	[dreg:$0x1] =	wrdreg $0xFFFFFFFF  }
0xa7: {  	s28 =	simm.s32 $_size_execute0_lowered;
	s3 =	sadd.s32 s3, s5;
	[dreg:$0x0] =	wrdreg $0x0  }
0xa8: {  	s5 =	sshll.u32 s28, $0x1;
	[dreg:$0x2] =	wrdreg s3  }
0xa9: {  	[dreg:$0x3] =	wrdreg s5  }
0xaa: {  	[dreg:$0x4] =	wrdreg $0xC0  }
0xab: {  	_ =	task [dreg:s7], $0x5FFFF  }
0xac: {  	[dreg:$0x1] =	wrdreg $0xFFFFFFFF  }
0xad: {  	[dreg:$0x0] =	wrdreg $0x60  }
0xae: {  	[dreg:$0x2] =	wrdreg s2  }
0xaf: {  	[dreg:$0x3] =	wrdreg s24  }
0xb0: {  	[dreg:$0x4] =	wrdreg $0x9  }
0xb1: {  	_ =	task.clear_ibuf [dreg:s7], $0x5FFFF;
	_ =	strace $0x9000004C  }
0xb2: {  	s29 =	simm.s32 $0x9;
	_ =	strace $0x8000004E  }
0xb3: {  	_ =	swait.ge [sflag:s29], $0x1  }
0xb4: {  	[sflag:s29] =	ssyncadd.s32 $0xFFFFFFFF  }
0xb5: {  	_ =	strace $0x9000004E  }
0xb6: {  	_ =	sfence  }
0xb7: {  	s30 =	sld [smem:$0x0];
	_ =	sdelay $0x2  }
0xb8: {  	s31 =	sshll.u32 s1, $0xD;
	s1 =	sshrl.u32 s1, $0x2  }
0xb9: {  	s3 =	sand.u32 $0x4000, s31;
	s1 =	sadd.s32 s1, s30  }
0xba: {  	s0 =	sor.u32 s3, s0;
	s1 =	sshll.u32 s1, $0x11  }
0xbb: {  	s0 =	sor.u32 s1, s0  }
0xbc: {  	s0 =	sadd.s32 $0x8F2B, s0  }
0xbd: {  	[sflag:s0] =	ssyncadd.remote.s32 $0x1  }
0xbe: {  	_ =	sfence.sel $0xFFFF  }
0xbf: {  	[dreg:$0x0] =	wrdreg $0xFFFFFFFF;
	(pc) =	sbr.abs _section_cstart, $3  }
0xc0: {  	[dreg:$0x1] =	wrdreg $0xFFFFFFFF  }
0xc1: {  	_ =	task.clear_ibuf [dreg:s7], $0x2FFFF;
	_ =	strace $0x9FFFFFFF  }
0xc2: {  	(tm) =	ssettm $0x7FFFFFFF  }
0xc3: {  	_ =	shalt  }
tec
execute0_lowered:
.L_overlay_start_1:
0x0: {  	(tag) =	ssettag $0x1  }
0x1: {  	s1 =	srdreg.scid;
	s2 =	rddreg [dreg:$0x0]  }
0x2: {  	s0 =	stileid.u32;
	s6 =	rddreg [dreg:$0x1];
	s3 =	simm.s32 $0x0  }
0x3: {  	s13 =	simm.s32 $0xF800;
	s14 =	simm.s32 $0x1;
	s15 =	simm.s32 $0x4  }
0x4: {  	s16 =	simm.s32 $0x2;
	s17 =	simm.s32 $0x7700;
	s18 =	simm.s32 $0x0  }
0x5: {  	s4 =	sand.u32 $0x1, s1;
	s25 =	sshll.u32 s0, $0x1;
	s1 =	rddreg [dreg:$0x2]  }
0x6: {  	[smem:$0x7FF] =	sst s3;
	s9 =	smul.u32 $0x780000, s0;
	s12 =	sadd.s32 $0xE5A00, s6  }
0x7: {  	s5 =	sor.u32 s4, s25;
	s8 =	ssub.s32 $0x2, s4;
	s11 =	smul.u32 $0x3C0000, s4  }
0x8: {  	_ =	strace $0x8000004D;
	s7 =	smul.u32 $0xF00, s5;
	s10 =	sshrl.u32 s8, $0x1  }
0x9: {  	s5 =	smul.u32 $0x3C0000, s5;
	s28 =	ssub.s32 s8, s10;
	s30 =	sadd.s32 s11, s9  }
0xa: {  	s10 =	simm.s32 $0x3;
	s11 =	simm.s32 $0x100;
	s26 =	sadd.s32 s7, s6  }
0xb: {  	s29 =	sshrl.u32 s5, $0x3;
	s5 =	smax.u32 s28, $0x1;
	s9 =	sor.u32 $0x8000, s30  }
0xc: {  	s31 =	sshrl.u32 s30, $0x3;
	s4 =	sadd.s32 $0x26600, s26;
	s7 =	sadd.s32 s12, s29  }
0xd: {  	s9 =	sshrl.u32 s9, $0x3;
	s6 =	sadd.s32 $0x76000, s7;
	s7 =	sadd.s32 $0x77000, s7  }
0xe: {  	s8 =	sadd.s32 s9, s12;
	s9 =	sadd.s32 s31, s12;
	s12 =	simm.s32 $0x7800  }
.LBB2_1:
0xf: {  	[tilespmem:s3], [sflag:$0x3] =	stream.linear.gather [hbm4b:s4+s3], $0x7800, $0x38;
	[tilespmem:$0x17800] =	vst v63  }
0x10: {  	_ =	swait.ge [sflag:s10], $0x7800  }
0x11: {  	[sflag:s10] =	ssyncset.done $0x0  }
0x12: {  	[sflag:s10] =	ssyncadd.s32 $0xFFFF8800  }
0x13: {  	[tilespmem:s12], [sflag:$0x1] =	stream.indirect.gather [hbm4b:s2+s11], $0x80, s3, s11, $0xb8;
	[tilespmem:$0x17800] =	vst v63  }
0x14: {  	s19 =	simm.s32 $0x100  }
0x15: {  	[tilespmem:s13], [sflag:$0x2] =	stream.indirect.gather [hbm4b:s2+s11], $0x80, s19, s11, $0xb8;
	[tilespmem:$0x17800] =	vst v63  }
0x16: {  	_ =	swait.ge [sflag:s14], $0x8000  }
0x17: {  	[sflag:s14] =	ssyncset.done $0x0  }
0x18: {  	s29 =	sadd.s32 $0x0, s9;
	[sflag:s14] =	ssyncadd.s32 $0xFFFF8000  }
0x19: {  	[hbm4b:s29+s3] =	stream.linear.scatter [tilespmem:s12], [sflag:$0x4], $0x8000, $0x38;
	[tilespmem:$0x17800] =	vst v63  }
0x1a: {  	_ =	swait.ge [sflag:s15], $0x8000  }
0x1b: {  	[sflag:s15] =	ssyncset.done $0x0  }
0x1c: {  	s30 =	simm.s32 $0x200;
	[sflag:s15] =	ssyncadd.s32 $0xFFFF8000  }
0x1d: {  	[tilespmem:s12], [sflag:$0x1] =	stream.indirect.gather [hbm4b:s2+s11], $0x80, s30, s11, $0xb8;
	[tilespmem:$0x17800] =	vst v63  }
0x1e: {  	_ =	swait.ge [sflag:s16], $0x8000  }
0x1f: {  	[sflag:s16] =	ssyncset.done $0x0  }
0x20: {  	s31 =	sadd.s32 $0x0, s8;
	[sflag:s16] =	ssyncadd.s32 $0xFFFF8000  }
0x21: {  	[hbm4b:s31+s3] =	stream.linear.scatter [tilespmem:s13], [sflag:$0x3], $0x8000, $0x38;
	[tilespmem:$0x17800] =	vst v63  }
0x22: {  	s21 =	simm.s32 $0x4000;
	_ =	swait.ge [sflag:s10], $0x8000  }
0x23: {  	s20 =	simm.s32 $0x400;
	s19 =	simm.s32 $0x2000;
	[sflag:s10] =	ssyncset.done $0x0  }
.LBB2_2:
0x24: {  	p0 =	sne.s32 s21, $0x74000;
	s22 =	sadd.s32 $0xFFFFFF00, s20;
	[sflag:s10] =	ssyncadd.s32 $0xFFFF8000  }
0x25: {  	[tilespmem:s13], [sflag:$0x2] =	stream.indirect.gather [hbm4b:s2+s11], $0x80, s22, s11, $0xb8;
	[tilespmem:$0x17800] =	vst v63  }
0x26: {  	s22 =	smov.u32 s21;
	s21 =	sadd.s32 $0x2000, s21;
	_ =	swait.ge [sflag:s14], $0x8000  }
0x27: {  	[sflag:s14] =	ssyncset.done $0x0  }
0x28: {  	s23 =	sadd.s32 s19, s9;
	[sflag:s14] =	ssyncadd.s32 $0xFFFF8000  }
0x29: {  	[hbm4b:s23+s3] =	stream.linear.scatter [tilespmem:s12], [sflag:$0x4], $0x8000, $0x38;
	[tilespmem:$0x17800] =	vst v63  }
0x2a: {  	_ =	swait.ge [sflag:s15], $0x8000  }
0x2b: {  	[sflag:s15] =	ssyncset.done $0x0  }
0x2c: {  	[sflag:s15] =	ssyncadd.s32 $0xFFFF8000  }
0x2d: {  	[tilespmem:s12], [sflag:$0x1] =	stream.indirect.gather [hbm4b:s2+s11], $0x80, s20, s11, $0xb8;
	[tilespmem:$0x17800] =	vst v63  }
0x2e: {  	_ =	swait.ge [sflag:s16], $0x8000  }
.Ltmp0:
0x2f: {  	[sflag:s16] =	ssyncset.done $0x0;
	(pc) =	sbr.rel @p0 .LBB2_2-.Ltmp0, $4  }
0x30: {  	s23 =	sadd.s32 s19, s8;
	s19 =	smov.u32 s22;
	[sflag:s16] =	ssyncadd.s32 $0xFFFF8000  }
0x31: {  	[hbm4b:s23+s3] =	stream.linear.scatter [tilespmem:s13], [sflag:$0x3], $0x8000, $0x38;
	[tilespmem:$0x17800] =	vst v63  }
0x32: {  	_ =	swait.ge [sflag:s10], $0x8000  }
0x33: {  	s20 =	sadd.s32 $0x200, s20;
	[sflag:s10] =	ssyncset.done $0x0  }
0x34: {  	s21 =	sadd.s32 $0xFFFFFF00, s20;
	[sflag:s10] =	ssyncadd.s32 $0xFFFF8000  }
0x35: {  	[tilespmem:s13], [sflag:$0x2] =	stream.indirect.gather [hbm4b:s2+s11], $0x80, s21, s11, $0xb8;
	[tilespmem:$0x17800] =	vst v63  }
0x36: {  	_ =	swait.ge [sflag:s14], $0x8000  }
0x37: {  	[sflag:s14] =	ssyncset.done $0x0  }
0x38: {  	s30 =	sadd.s32 s19, s9;
	[sflag:s14] =	ssyncadd.s32 $0xFFFF8000  }
0x39: {  	[hbm4b:s30+s3] =	stream.linear.scatter [tilespmem:s12], [sflag:$0x4], $0x8000, $0x38;
	[tilespmem:$0x17800] =	vst v63  }
0x3a: {  	_ =	swait.ge [sflag:s15], $0x8000  }
0x3b: {  	[sflag:s15] =	ssyncset.done $0x0  }
0x3c: {  	[sflag:s15] =	ssyncadd.s32 $0xFFFF8000  }
0x3d: {  	[tilespmem:s12], [sflag:$0x1] =	stream.indirect.gather [hbm4b:s2+s11], $0x80, s20, s11, $0xb8;
	[tilespmem:$0x17800] =	vst v63  }
0x3e: {  	_ =	swait.ge [sflag:s16], $0x8000  }
0x3f: {  	[sflag:s16] =	ssyncset.done $0x0  }
0x40: {  	s31 =	sadd.s32 s19, s8;
	[sflag:s16] =	ssyncadd.s32 $0xFFFF8000  }
0x41: {  	[hbm4b:s31+s3] =	stream.linear.scatter [tilespmem:s13], [sflag:$0x3], $0x8000, $0x38;
	[tilespmem:$0x17800] =	vst v63  }
0x42: {  	_ =	swait.ge [sflag:s10], $0x8000  }
0x43: {  	[sflag:s10] =	ssyncset.done $0x0  }
0x44: {  	[sflag:s10] =	ssyncadd.s32 $0xFFFF8000  }
0x45: {  	[tilespmem:s13], [sflag:$0x2] =	stream.indirect.gather [hbm4b:s2+s11], $0x80, s17, s11, $0xb8;
	[tilespmem:$0x17800] =	vst v63  }
0x46: {  	_ =	swait.ge [sflag:s14], $0x8000  }
0x47: {  	[sflag:s14] =	ssyncset.done $0x0  }
0x48: {  	[sflag:s14] =	ssyncadd.s32 $0xFFFF8000  }
0x49: {  	[hbm4b:s6+s3] =	stream.linear.scatter [tilespmem:s12], [sflag:$0x4], $0x8000, $0x38;
	[tilespmem:$0x17800] =	vst v63  }
0x4a: {  	_ =	swait.ge [sflag:s15], $0x8000  }
0x4b: {  	[sflag:s15] =	ssyncset.done $0x0  }
0x4c: {  	[sflag:s15] =	ssyncadd.s32 $0xFFFF8000  }
0x4d: {  	s18 =	sadd.s32 $0x1, s18;
	_ =	swait.ge [sflag:s16], $0x8000  }
0x4e: {  	p0 =	sne.s32 s18, s5;
	[sflag:s16] =	ssyncset.done $0x0  }
.Ltmp1:
0x4f: {  	[sflag:s16] =	ssyncadd.s32 $0xFFFF8000;
	(pc) =	sbr.rel @p0 .LBB2_1-.Ltmp1, $4  }
0x50: {  	[hbm4b:s7+s3] =	stream.linear.scatter [tilespmem:s13], [sflag:$0x3], $0x8000, $0x38;
	[tilespmem:$0x17800] =	vst v63  }
0x51: {  	_ =	swait.ge [sflag:s10], $0x8000  }
0x52: {  	[sflag:s10] =	ssyncset.done $0x0  }
0x53: {  	[sflag:s10] =	ssyncadd.s32 $0xFFFF8000  }
0x54: {  	_ =	sfence.sel $0x180000  }
0x55: {  	[bflag:$0x0] =	sbarrier.arrive $0xFFFF  }
0x56: {  	p0 =	sne.s32 s0, $0x0;
	_ =	strace $0x9000004D  }
0x57: {  	s0 =	sadd.s32 @!p0 $0x100000, s1;
	[bflag:$0x2] =	sbarrier.arrive $0xFFFF  }
0x58: {  	[sflag:s0] =	ssyncadd.tile.s32 @!p0 $0x1;
	_ =	shalt  }
.Lfunc_end2:
_tile_overlayer_lowered:
.L_overlay_start_2:
0x59: {  	(tag) =	ssettag $0x2  }
0x5a: {  	s0 =	rddreg [dreg:$0x0];
	s2 =	stileid.u32  }
0x5b: {  	s1 =	rddreg [dreg:$0x1];
	p0 =	sne.s32 s2, $0x0  }
0x5c: {  	s3 =	rddreg [dreg:$0x2];
	[bflag:$0x3] =	sbarrier.arrive $0xFFFF;
	s2 =	simm.s32 @!p0 $0x1C03  }
0x5d: {  	[timem:s3], [sflag:s2] =	dma.local @!p0 [hbm:s0], s1  }
0x5e: {  	s0 =	simm.s32 @!p0 $0x3  }
0x5f: {  	_ =	swait.ge @!p0 [sflag:s0], s1  }
0x60: {  	s1 =	ssub.s32 @!p0 $0x0, s1;
	[sflag:s0] =	ssyncset.done @!p0 $0x0  }
0x61: {  	[sflag:s0] =	ssyncadd.s32 @!p0 s1  }
0x62: {  	[bflag:$0x3] =	sbarrier.arrive $0xFFFF  }
0x63: {  	_ =	shalt  }

// kernel: kernel.27.cloned.1.call-start
scs
__scs_entry_jumppad:
0x0: {  	(pc) =	sbr.rel $0x88, $3  }
0x1: {  	(tag) =	ssettag $0x0;
	lr =	simm.s32 $0x1  }
0x2: {  	[smem:$0x3F96] =	sst lr;
	_ =	strace $0xD0000000  }
0x3: {  	_ = 	snop  }
0x4: {  	_ = 	snop  }
0x5: {  	_ = 	snop  }
0x6: {  	_ = 	snop  }
0x7: {  	_ = 	snop  }
__scs_overlays_trampoline_lowered:
0x8: {  	[smem:$0x3FA5] =	sst s0  }
0x9: {  	[smem:$0x3FA6] =	sst s1  }
0xa: {  	[smem:$0x3FA7] =	sst s2  }
0xb: {  	[smem:$0x3FA8] =	sst s3  }
0xc: {  	[smem:$0x3FA9] =	sst s4  }
0xd: {  	[smem:$0x3FAA] =	sst s5  }
0xe: {  	[smem:$0x3FAB] =	sst s6  }
0xf: {  	[smem:$0x3FAC] =	sst s7  }
0x10: {  	[smem:$0x3FAD] =	sst s8  }
0x11: {  	[smem:$0x3FAE] =	sst s9;
	s0 =	simm.s32 @!p0 $0x0  }
0x12: {  	s1 =	sld [smem:$0x3F94];
	s0 =	simm.s32 @p0 $0x1  }
0x13: {  	[smem:$0x3FAF] =	sst s0;
	s0 =	simm.s32 @!p1 $0x0  }
0x14: {  	s2 =	sld [smem:$0x3F93];
	s0 =	simm.s32 @p1 $0x1  }
0x15: {  	[smem:$0x3FB0] =	sst s0;
	s0 =	simm.s32 @!p2 $0x0  }
0x16: {  	s3 =	sld [smem:$0x3FDB];
	s0 =	simm.s32 @p2 $0x1  }
0x17: {  	s4 =	simm.s32 $0x1BF5;
	[smem:$0x3FB2] =	sst s0  }
0x18: {  	s0 =	sld [smem:$0x3F95];
	_ =	swait.ge [sflag:s4], $0x0  }
0x19: {  	s7 =	sld [smem:$0x3F96]  }
0x1a: {  	s8 =	sadd.s32 $0xFFFFE003, lr  }
0x1b: {  	s9 =	sadd.s32 $0xFFFFFEF7, lr;
	s5 =	simm.s32 $0xFFFFFFFF;
	p2 =	slt.u32 s8, $0xFFFFF086  }
0x1c: {  	p1 =	slt.u32 s9, $0xF7A;
	s5 =	simm.s32 @!p2 $0x0  }
0x1d: {  	s5 =	simm.s32 @p1 $0x1;
	p0 =	seq.s32 s7, s2  }
0x1e: {  	s7 =	smul.u32 @!p0 $0xF7A, s2;
	p2 =	seq.s32 @!p0 s5, $0x0  }
0x1f: {  	s9 =	smul.u32 $0xF7A, s1;
	s8 =	simm.s32 @!p0 $0x1BF5;
	p2 =	por !p2, p0  }
0x20: {  	[sflag:s8] =	ssyncset.s32 @!p0 $0xFFFFF086;
	s6 =	sadd.s32 @!p0 s3, s7;
	s7 =	simm.s32 @!p0 $0x108  }
0x21: {  	s3 =	sadd.s32 s3, s9;
	s6 =	sadd.s32 @!p0 $0x88, s6;
	s7 =	simm.s32 @p2 $0x1082  }
0x22: {  	[simem:s7], [sflag:s8] =	dma.local @!p0 [hbm:s6], $0xF7A  }
0x23: {  	s9 =	sor.u32 $0xD0000000, s2;
	s6 =	simm.s32 $0x108;
	_ =	swait.ge @!p0 [sflag:s8], $0x0  }
0x24: {  	s3 =	sadd.s32 $0x88, s3;
	s6 =	simm.s32 @!p1 $0x1082;
	[sflag:s4] =	ssyncset.s32 $0xFFFFF086  }
0x25: {  	[simem:s6], [sflag:s4] =	dma.local [hbm:s3], $0xF7A  }
0x26: {  	[smem:$0x3F96] =	sst s1;
	(tag) =	ssettag s2;
	_ =	strace s9  }
0x27: {  	s1 =	sld [smem:$0x3FA6]  }
0x28: {  	s2 =	sld [smem:$0x3FA7]  }
0x29: {  	s4 =	sld [smem:$0x3FA9]  }
0x2a: {  	p0 =	seq.s32 s5, $0x0;
	s5 =	sld [smem:$0x3FAA]  }
0x2b: {  	s6 =	sld [smem:$0x3FAB]  }
0x2c: {  	s7 =	sld [smem:$0x3FAC]  }
0x2d: {  	s3 =	simm.s32 $0x108;
	s8 =	sld [smem:$0x3FAD]  }
0x2e: {  	s3 =	simm.s32 @!p0 $0x1082;
	s9 =	sld [smem:$0x3FAE]  }
0x2f: {  	lr =	sadd.s32 s0, s3;
	s0 =	sld [smem:$0x3FA5]  }
0x30: {  	s3 =	sld [smem:$0x3FA8]  }
0x31: {  	[smem:$0x3FB1] =	sst s10  }
0x32: {  	s10 =	sld [smem:$0x3FAF];
	_ =	sdelay $0x3  }
0x33: {  	p0 =	seq.s32 s10, $0x1;
	s10 =	sld [smem:$0x3FB1];
	_ =	sdelay $0x3  }
0x34: {  	[smem:$0x3FB1] =	sst s10  }
0x35: {  	s10 =	sld [smem:$0x3FB0];
	_ =	sdelay $0x3  }
0x36: {  	p1 =	seq.s32 s10, $0x1;
	s10 =	sld [smem:$0x3FB1];
	_ =	sdelay $0x3  }
0x37: {  	[smem:$0x3FB1] =	sst s10  }
0x38: {  	s10 =	sld [smem:$0x3FB2]  }
0x39: {  	_ = 	snop;
	(pc) =	sbr.ind lr, $3  }
0x3a: {  	_ = 	snop  }
0x3b: {  	_ = 	snop  }
0x3c: {  	p2 =	seq.s32 s10, $0x1;
	s10 =	sld [smem:$0x3FB1]  }
0x3d: {  	_ =	shalt  }
0x3e: {  	_ =	shalt  }
0x3f: {  	_ =	shalt  }
0x40: {  	_ =	shalt  }
0x41: {  	_ =	shalt  }
0x42: {  	_ =	shalt  }
0x43: {  	_ =	shalt  }
0x44: {  	_ =	shalt  }
0x45: {  	_ =	shalt  }
0x46: {  	_ =	shalt  }
0x47: {  	_ =	shalt  }
0x48: {  	_ =	shalt  }
0x49: {  	_ =	shalt  }
0x4a: {  	_ =	shalt  }
0x4b: {  	_ =	shalt  }
0x4c: {  	_ =	shalt  }
0x4d: {  	_ =	shalt  }
0x4e: {  	_ =	shalt  }
0x4f: {  	_ =	shalt  }
0x50: {  	_ =	shalt  }
0x51: {  	_ =	shalt  }
0x52: {  	_ =	shalt  }
0x53: {  	_ =	shalt  }
0x54: {  	_ =	shalt  }
0x55: {  	_ =	shalt  }
0x56: {  	_ =	shalt  }
0x57: {  	_ =	shalt  }
0x58: {  	_ =	shalt  }
0x59: {  	_ =	shalt  }
0x5a: {  	_ =	shalt  }
0x5b: {  	_ =	shalt  }
0x5c: {  	_ =	shalt  }
0x5d: {  	_ =	shalt  }
0x5e: {  	_ =	shalt  }
0x5f: {  	_ =	shalt  }
0x60: {  	_ =	shalt  }
0x61: {  	_ =	shalt  }
0x62: {  	_ =	shalt  }
0x63: {  	_ =	shalt  }
0x64: {  	_ =	shalt  }
0x65: {  	_ =	shalt  }
0x66: {  	_ =	shalt  }
0x67: {  	_ =	shalt  }
0x68: {  	_ =	shalt  }
0x69: {  	_ =	shalt  }
0x6a: {  	_ =	shalt  }
0x6b: {  	_ =	shalt  }
0x6c: {  	_ =	shalt  }
0x6d: {  	_ =	shalt  }
0x6e: {  	_ =	shalt  }
0x6f: {  	_ =	shalt  }
0x70: {  	_ =	shalt  }
0x71: {  	_ =	shalt  }
0x72: {  	_ =	shalt  }
0x73: {  	_ =	shalt  }
0x74: {  	_ =	shalt  }
0x75: {  	_ =	shalt  }
0x76: {  	_ =	shalt  }
0x77: {  	_ =	shalt  }
0x78: {  	_ =	shalt  }
0x79: {  	_ =	shalt  }
0x7a: {  	_ =	shalt  }
0x7b: {  	_ =	shalt  }
0x7c: {  	_ =	shalt  }
0x7d: {  	_ =	shalt  }
0x7e: {  	_ =	shalt  }
0x7f: {  	_ =	shalt  }
0x80: {  	_ =	shalt  }
0x81: {  	_ =	shalt  }
0x82: {  	_ =	shalt  }
0x83: {  	_ =	shalt  }
0x84: {  	_ =	shalt  }
0x85: {  	_ =	shalt  }
0x86: {  	_ =	shalt  }
0x87: {  	_ =	shalt  }
.Lfunc_end0:
.L_simem_size_0:
called_computation.3_lowered:
.L_overlay_start_0:
0x88: {  	s2 =	sld [smem:$0x3FD9]  }
0x89: {  	s3 =	sld [smem:$0x3FFE];
	_ =	sdelay $0x1  }
0x8a: {  	s1 =	srdreg.scid  }
0x8b: {  	s0 =	sand.u32 $0x1, s1  }
0x8c: {  	s16 =	sshll.u32 s0, $0xA;
	s2 =	sadd.s32 s3, s2  }
0x8d: {  	s2 =	sadd.s32 s2, s16  }
0x8e: {  	[smem:$0x3FBD] =	sst s2  }
0x8f: {  	_ = 	snop  }
0x90: {  	(tm) =	ssettm $0x1  }
0x91: {  	s17 =	sld [smem:$0x3FFB];
	_ =	sdelay $0x3  }
0x92: {  	_ =	strace s17  }
0x93: {  	s2 =	sld [smem:$0x3FFC];
	_ =	sdelay $0x3  }
0x94: {  	_ =	strace s2  }
0x95: {  	s2 =	sld [smem:$0x3FFD];
	_ =	sdelay $0x3  }
0x96: {  	_ =	strace s2  }
0x97: {  	_ =	strace $0x8FFFFFFF  }
0x98: {  	s18 =	sld [smem:$0x3FDB];
	_ =	sdelay $0x1  }
0x99: {  	s19 =	simm.s32 $_scs_section_size  }
0x9a: {  	s4 =	simm.s32 $_size__tile_overlayer_lowered;
	s5 =	simm.s32 $_tile_overlayer_lowered  }
0x9b: {  	s22 =	simm.s32 $0x1BFF;
	s21 =	sshll.u32 s5, $0x1;
	s2 =	sadd.s32 s19, s18  }
0x9c: {  	s6 =	simm.s32 $0x0;
	s20 =	sshll.u32 s4, $0x1;
	s4 =	sadd.s32 s21, s2  }
0x9d: {  	[timem:s6], [sflag:s22] =	dma.local [hbm:s4], s20  }
0x9e: {  	_ =	swait.ge [sflag:s22], s20  }
0x9f: {  	s3 =	ssub.s32 $0x0, s20;
	[sflag:s22] =	ssyncset.done $0x0  }
0xa0: {  	[sflag:s22] =	ssyncadd.s32 s3;
	_ =	sdelay $0x1  }
0xa1: {  	s23 =	simm.s32 $0x1B8B  }
0xa2: {  	_ =	swait.ge [sflag:s23], $0x1  }
0xa3: {  	[sflag:s23] =	ssyncset.done $0x0  }
0xa4: {  	s25 =	simm.s32 $0x1B8E;
	s24 =	sld [smem:$0x3FFE];
	[sflag:s23] =	ssyncadd.s32 $0xFFFFFFFF  }
0xa5: {  	s26 =	simm.s32 $execute0_lowered;
	[smem:$0x3FD2] =	sst s25  }
0xa6: {  	s4 =	sshll.u32 s26, $0x1;
	_ =	strace $0x8000004F;
	[dreg:$0x1] =	wrdreg $0xFFFFFFFF  }
0xa7: {  	s28 =	simm.s32 $_size_execute0_lowered;
	s2 =	sadd.s32 s2, s4;
	[dreg:$0x0] =	wrdreg $0x0  }
0xa8: {  	s4 =	sshll.u32 s28, $0x1;
	[dreg:$0x2] =	wrdreg s2  }
0xa9: {  	[dreg:$0x3] =	wrdreg s4  }
0xaa: {  	[dreg:$0x4] =	wrdreg $0xC0  }
0xab: {  	_ =	task [dreg:s6], $0x5FFFF  }
0xac: {  	[dreg:$0x1] =	wrdreg $0xFFFFFFFF  }
0xad: {  	[dreg:$0x0] =	wrdreg $0x60  }
0xae: {  	[dreg:$0x2] =	wrdreg s24  }
0xaf: {  	[dreg:$0x3] =	wrdreg $0x9  }
0xb0: {  	_ =	task.clear_ibuf [dreg:s6], $0x4FFFF;
	_ =	strace $0x9000004F  }
0xb1: {  	s29 =	simm.s32 $0x9;
	_ =	strace $0x80000051  }
0xb2: {  	_ =	swait.ge [sflag:s29], $0x1  }
0xb3: {  	[sflag:s29] =	ssyncadd.s32 $0xFFFFFFFF  }
0xb4: {  	_ =	strace $0x90000051  }
0xb5: {  	_ =	sfence  }
0xb6: {  	s30 =	sld [smem:$0x0];
	_ =	sdelay $0x2  }
0xb7: {  	s31 =	sshll.u32 s1, $0xD;
	s1 =	sshrl.u32 s1, $0x2  }
0xb8: {  	s3 =	sand.u32 $0x4000, s31;
	s1 =	sadd.s32 s1, s30  }
0xb9: {  	s0 =	sor.u32 s3, s0;
	s1 =	sshll.u32 s1, $0x11  }
0xba: {  	s0 =	sor.u32 s1, s0  }
0xbb: {  	s0 =	sadd.s32 $0x8F2B, s0  }
0xbc: {  	[sflag:s0] =	ssyncadd.remote.s32 $0x1  }
0xbd: {  	_ =	sfence.sel $0xFFFF  }
0xbe: {  	[dreg:$0x0] =	wrdreg $0xFFFFFFFF;
	(pc) =	sbr.abs _section_cstart, $3  }
0xbf: {  	[dreg:$0x1] =	wrdreg $0xFFFFFFFF  }
0xc0: {  	_ =	task.clear_ibuf [dreg:s6], $0x2FFFF;
	_ =	strace $0x9FFFFFFF  }
0xc1: {  	(tm) =	ssettm $0x7FFFFFFF  }
tec
execute0_lowered:
.L_overlay_start_1:
0x0: {  	(tag) =	ssettag $0x1  }
0x1: {  	s1 =	srdreg.scid;
	s0 =	stileid.u32  }
0x2: {  	s5 =	rddreg [dreg:$0x0];
	s2 =	simm.s32 $0x0;
	s13 =	simm.s32 $0xF800  }
0x3: {  	s14 =	simm.s32 $0x1;
	s15 =	simm.s32 $0x4;
	s16 =	simm.s32 $0x2  }
0x4: {  	s17 =	simm.s32 $0x7700;
	s18 =	simm.s32 $0x0;
	s4 =	sand.u32 $0x1, s1  }
0x5: {  	s24 =	sshll.u32 s0, $0x1;
	s1 =	rddreg [dreg:$0x1];
	s9 =	smul.u32 $0x780000, s0  }
0x6: {  	[smem:$0x7FF] =	sst s2;
	s3 =	sor.u32 s4, s24;
	s11 =	smul.u32 $0x3C0000, s4  }
0x7: {  	s12 =	sadd.s32 $0xE5A00, s5;
	s8 =	ssub.s32 $0x2, s4;
	s6 =	smul.u32 $0xF00, s3  }
0x8: {  	_ =	strace $0x80000050;
	s7 =	smul.u32 $0x3C0000, s3;
	s10 =	sshrl.u32 s8, $0x1  }
0x9: {  	s3 =	sadd.s32 $0x44600, s5;
	s26 =	ssub.s32 s8, s10;
	s29 =	sadd.s32 s11, s9  }
0xa: {  	s10 =	simm.s32 $0x3;
	s11 =	simm.s32 $0x100;
	s25 =	sadd.s32 s6, s5  }
0xb: {  	s28 =	sshrl.u32 s7, $0x3;
	s5 =	smax.u32 s26, $0x1;
	s9 =	sor.u32 $0x8000, s29  }
0xc: {  	s31 =	sshrl.u32 s29, $0x3;
	s4 =	sadd.s32 $0x26600, s25;
	s30 =	sadd.s32 s12, s28  }
0xd: {  	s9 =	sshrl.u32 s9, $0x3;
	s6 =	sadd.s32 $0x76000, s30;
	s7 =	sadd.s32 $0x77000, s30  }
0xe: {  	s8 =	sadd.s32 s9, s12;
	s9 =	sadd.s32 s31, s12;
	s12 =	simm.s32 $0x7800  }
.LBB2_1:
0xf: {  	[tilespmem:s2], [sflag:$0x3] =	stream.linear.gather [hbm4b:s4+s2], $0x7800, $0x38;
	[tilespmem:$0x17800] =	vst v63  }
0x10: {  	_ =	swait.ge [sflag:s10], $0x7800  }
0x11: {  	[sflag:s10] =	ssyncset.done $0x0  }
0x12: {  	[sflag:s10] =	ssyncadd.s32 $0xFFFF8800  }
0x13: {  	[tilespmem:s12], [sflag:$0x1] =	stream.indirect.gather [hbm4b:s3+s11], $0x80, s2, s11, $0xb8;
	[tilespmem:$0x17800] =	vst v63  }
0x14: {  	s19 =	simm.s32 $0x100  }
0x15: {  	[tilespmem:s13], [sflag:$0x2] =	stream.indirect.gather [hbm4b:s3+s11], $0x80, s19, s11, $0xb8;
	[tilespmem:$0x17800] =	vst v63  }
0x16: {  	_ =	swait.ge [sflag:s14], $0x8000  }
0x17: {  	[sflag:s14] =	ssyncset.done $0x0  }
0x18: {  	s29 =	sadd.s32 $0x0, s9;
	[sflag:s14] =	ssyncadd.s32 $0xFFFF8000  }
0x19: {  	[hbm4b:s29+s2] =	stream.linear.scatter [tilespmem:s12], [sflag:$0x4], $0x8000, $0x38;
	[tilespmem:$0x17800] =	vst v63  }
0x1a: {  	_ =	swait.ge [sflag:s15], $0x8000  }
0x1b: {  	[sflag:s15] =	ssyncset.done $0x0  }
0x1c: {  	s30 =	simm.s32 $0x200;
	[sflag:s15] =	ssyncadd.s32 $0xFFFF8000  }
0x1d: {  	[tilespmem:s12], [sflag:$0x1] =	stream.indirect.gather [hbm4b:s3+s11], $0x80, s30, s11, $0xb8;
	[tilespmem:$0x17800] =	vst v63  }
0x1e: {  	_ =	swait.ge [sflag:s16], $0x8000  }
0x1f: {  	[sflag:s16] =	ssyncset.done $0x0  }
0x20: {  	s31 =	sadd.s32 $0x0, s8;
	[sflag:s16] =	ssyncadd.s32 $0xFFFF8000  }
0x21: {  	[hbm4b:s31+s2] =	stream.linear.scatter [tilespmem:s13], [sflag:$0x3], $0x8000, $0x38;
	[tilespmem:$0x17800] =	vst v63  }
0x22: {  	s21 =	simm.s32 $0x4000;
	_ =	swait.ge [sflag:s10], $0x8000  }
0x23: {  	s20 =	simm.s32 $0x400;
	s19 =	simm.s32 $0x2000;
	[sflag:s10] =	ssyncset.done $0x0  }
.LBB2_2:
0x24: {  	p0 =	sne.s32 s21, $0x74000;
	s22 =	sadd.s32 $0xFFFFFF00, s20;
	[sflag:s10] =	ssyncadd.s32 $0xFFFF8000  }
0x25: {  	[tilespmem:s13], [sflag:$0x2] =	stream.indirect.gather [hbm4b:s3+s11], $0x80, s22, s11, $0xb8;
	[tilespmem:$0x17800] =	vst v63  }
0x26: {  	s22 =	smov.u32 s21;
	s21 =	sadd.s32 $0x2000, s21;
	_ =	swait.ge [sflag:s14], $0x8000  }
0x27: {  	[sflag:s14] =	ssyncset.done $0x0  }
0x28: {  	s23 =	sadd.s32 s19, s9;
	[sflag:s14] =	ssyncadd.s32 $0xFFFF8000  }
0x29: {  	[hbm4b:s23+s2] =	stream.linear.scatter [tilespmem:s12], [sflag:$0x4], $0x8000, $0x38;
	[tilespmem:$0x17800] =	vst v63  }
0x2a: {  	_ =	swait.ge [sflag:s15], $0x8000  }
0x2b: {  	[sflag:s15] =	ssyncset.done $0x0  }
0x2c: {  	[sflag:s15] =	ssyncadd.s32 $0xFFFF8000  }
0x2d: {  	[tilespmem:s12], [sflag:$0x1] =	stream.indirect.gather [hbm4b:s3+s11], $0x80, s20, s11, $0xb8;
	[tilespmem:$0x17800] =	vst v63  }
0x2e: {  	_ =	swait.ge [sflag:s16], $0x8000  }
.Ltmp0:
0x2f: {  	[sflag:s16] =	ssyncset.done $0x0;
	(pc) =	sbr.rel @p0 .LBB2_2-.Ltmp0, $4  }
0x30: {  	s23 =	sadd.s32 s19, s8;
	s19 =	smov.u32 s22;
	[sflag:s16] =	ssyncadd.s32 $0xFFFF8000  }
0x31: {  	[hbm4b:s23+s2] =	stream.linear.scatter [tilespmem:s13], [sflag:$0x3], $0x8000, $0x38;
	[tilespmem:$0x17800] =	vst v63  }
0x32: {  	_ =	swait.ge [sflag:s10], $0x8000  }
0x33: {  	s20 =	sadd.s32 $0x200, s20;
	[sflag:s10] =	ssyncset.done $0x0  }
0x34: {  	s21 =	sadd.s32 $0xFFFFFF00, s20;
	[sflag:s10] =	ssyncadd.s32 $0xFFFF8000  }
0x35: {  	[tilespmem:s13], [sflag:$0x2] =	stream.indirect.gather [hbm4b:s3+s11], $0x80, s21, s11, $0xb8;
	[tilespmem:$0x17800] =	vst v63  }
0x36: {  	_ =	swait.ge [sflag:s14], $0x8000  }
0x37: {  	[sflag:s14] =	ssyncset.done $0x0  }
0x38: {  	s30 =	sadd.s32 s19, s9;
	[sflag:s14] =	ssyncadd.s32 $0xFFFF8000  }
0x39: {  	[hbm4b:s30+s2] =	stream.linear.scatter [tilespmem:s12], [sflag:$0x4], $0x8000, $0x38;
	[tilespmem:$0x17800] =	vst v63  }
0x3a: {  	_ =	swait.ge [sflag:s15], $0x8000  }
0x3b: {  	[sflag:s15] =	ssyncset.done $0x0  }
0x3c: {  	[sflag:s15] =	ssyncadd.s32 $0xFFFF8000  }
0x3d: {  	[tilespmem:s12], [sflag:$0x1] =	stream.indirect.gather [hbm4b:s3+s11], $0x80, s20, s11, $0xb8;
	[tilespmem:$0x17800] =	vst v63  }
0x3e: {  	_ =	swait.ge [sflag:s16], $0x8000  }
0x3f: {  	[sflag:s16] =	ssyncset.done $0x0  }
0x40: {  	s31 =	sadd.s32 s19, s8;
	[sflag:s16] =	ssyncadd.s32 $0xFFFF8000  }
0x41: {  	[hbm4b:s31+s2] =	stream.linear.scatter [tilespmem:s13], [sflag:$0x3], $0x8000, $0x38;
	[tilespmem:$0x17800] =	vst v63  }
0x42: {  	_ =	swait.ge [sflag:s10], $0x8000  }
0x43: {  	[sflag:s10] =	ssyncset.done $0x0  }
0x44: {  	[sflag:s10] =	ssyncadd.s32 $0xFFFF8000  }
0x45: {  	[tilespmem:s13], [sflag:$0x2] =	stream.indirect.gather [hbm4b:s3+s11], $0x80, s17, s11, $0xb8;
	[tilespmem:$0x17800] =	vst v63  }
0x46: {  	_ =	swait.ge [sflag:s14], $0x8000  }
0x47: {  	[sflag:s14] =	ssyncset.done $0x0  }
0x48: {  	[sflag:s14] =	ssyncadd.s32 $0xFFFF8000  }
0x49: {  	[hbm4b:s6+s2] =	stream.linear.scatter [tilespmem:s12], [sflag:$0x4], $0x8000, $0x38;
	[tilespmem:$0x17800] =	vst v63  }
0x4a: {  	_ =	swait.ge [sflag:s15], $0x8000  }
0x4b: {  	[sflag:s15] =	ssyncset.done $0x0  }
0x4c: {  	[sflag:s15] =	ssyncadd.s32 $0xFFFF8000  }
0x4d: {  	s18 =	sadd.s32 $0x1, s18;
	_ =	swait.ge [sflag:s16], $0x8000  }
0x4e: {  	p0 =	sne.s32 s18, s5;
	[sflag:s16] =	ssyncset.done $0x0  }
.Ltmp1:
0x4f: {  	[sflag:s16] =	ssyncadd.s32 $0xFFFF8000;
	(pc) =	sbr.rel @p0 .LBB2_1-.Ltmp1, $4  }
0x50: {  	[hbm4b:s7+s2] =	stream.linear.scatter [tilespmem:s13], [sflag:$0x3], $0x8000, $0x38;
	[tilespmem:$0x17800] =	vst v63  }
0x51: {  	_ =	swait.ge [sflag:s10], $0x8000  }
0x52: {  	[sflag:s10] =	ssyncset.done $0x0  }
0x53: {  	[sflag:s10] =	ssyncadd.s32 $0xFFFF8000  }
0x54: {  	_ =	sfence.sel $0x180000  }
0x55: {  	[bflag:$0x0] =	sbarrier.arrive $0xFFFF  }
0x56: {  	p0 =	sne.s32 s0, $0x0;
	_ =	strace $0x90000050  }
0x57: {  	s0 =	sadd.s32 @!p0 $0x100000, s1;
	[bflag:$0x2] =	sbarrier.arrive $0xFFFF  }
0x58: {  	[sflag:s0] =	ssyncadd.tile.s32 @!p0 $0x1;
	_ =	shalt  }
.Lfunc_end2:
_tile_overlayer_lowered:
.L_overlay_start_2:
0x59: {  	(tag) =	ssettag $0x2  }
0x5a: {  	s0 =	rddreg [dreg:$0x0];
	s2 =	stileid.u32  }
0x5b: {  	s1 =	rddreg [dreg:$0x1];
	p0 =	sne.s32 s2, $0x0  }
0x5c: {  	s3 =	rddreg [dreg:$0x2];
	[bflag:$0x3] =	sbarrier.arrive $0xFFFF;
	s2 =	simm.s32 @!p0 $0x1C03  }
0x5d: {  	[timem:s3], [sflag:s2] =	dma.local @!p0 [hbm:s0], s1  }
0x5e: {  	s0 =	simm.s32 @!p0 $0x3  }
0x5f: {  	_ =	swait.ge @!p0 [sflag:s0], s1  }
0x60: {  	s1 =	ssub.s32 @!p0 $0x0, s1;
	[sflag:s0] =	ssyncset.done @!p0 $0x0  }
0x61: {  	[sflag:s0] =	ssyncadd.s32 @!p0 s1  }
0x62: {  	[bflag:$0x3] =	sbarrier.arrive $0xFFFF  }
0x63: {  	_ =	shalt  }

// kernel: kernel.30.cloned.1.call-start
scs
__scs_entry_jumppad:
0x0: {  	(pc) =	sbr.rel $0x88, $3  }
0x1: {  	(tag) =	ssettag $0x0;
	lr =	simm.s32 $0x1  }
0x2: {  	[smem:$0x3F96] =	sst lr;
	_ =	strace $0xD0000000  }
0x3: {  	_ = 	snop  }
0x4: {  	_ = 	snop  }
0x5: {  	_ = 	snop  }
0x6: {  	_ = 	snop  }
0x7: {  	_ = 	snop  }
__scs_overlays_trampoline_lowered:
0x8: {  	[smem:$0x3FA5] =	sst s0  }
0x9: {  	[smem:$0x3FA6] =	sst s1  }
0xa: {  	[smem:$0x3FA7] =	sst s2  }
0xb: {  	[smem:$0x3FA8] =	sst s3  }
0xc: {  	[smem:$0x3FA9] =	sst s4  }
0xd: {  	[smem:$0x3FAA] =	sst s5  }
0xe: {  	[smem:$0x3FAB] =	sst s6  }
0xf: {  	[smem:$0x3FAC] =	sst s7  }
0x10: {  	[smem:$0x3FAD] =	sst s8  }
0x11: {  	[smem:$0x3FAE] =	sst s9;
	s0 =	simm.s32 @!p0 $0x0  }
0x12: {  	s1 =	sld [smem:$0x3F94];
	s0 =	simm.s32 @p0 $0x1  }
0x13: {  	[smem:$0x3FAF] =	sst s0;
	s0 =	simm.s32 @!p1 $0x0  }
0x14: {  	s2 =	sld [smem:$0x3F93];
	s0 =	simm.s32 @p1 $0x1  }
0x15: {  	[smem:$0x3FB0] =	sst s0;
	s0 =	simm.s32 @!p2 $0x0  }
0x16: {  	s3 =	sld [smem:$0x3FDB];
	s0 =	simm.s32 @p2 $0x1  }
0x17: {  	s4 =	simm.s32 $0x1BF5;
	[smem:$0x3FB2] =	sst s0  }
0x18: {  	s0 =	sld [smem:$0x3F95];
	_ =	swait.ge [sflag:s4], $0x0  }
0x19: {  	s7 =	sld [smem:$0x3F96]  }
0x1a: {  	s8 =	sadd.s32 $0xFFFFE003, lr  }
0x1b: {  	s9 =	sadd.s32 $0xFFFFFEF7, lr;
	s5 =	simm.s32 $0xFFFFFFFF;
	p2 =	slt.u32 s8, $0xFFFFF086  }
0x1c: {  	p1 =	slt.u32 s9, $0xF7A;
	s5 =	simm.s32 @!p2 $0x0  }
0x1d: {  	s5 =	simm.s32 @p1 $0x1;
	p0 =	seq.s32 s7, s2  }
0x1e: {  	s7 =	smul.u32 @!p0 $0xF7A, s2;
	p2 =	seq.s32 @!p0 s5, $0x0  }
0x1f: {  	s9 =	smul.u32 $0xF7A, s1;
	s8 =	simm.s32 @!p0 $0x1BF5;
	p2 =	por !p2, p0  }
0x20: {  	[sflag:s8] =	ssyncset.s32 @!p0 $0xFFFFF086;
	s6 =	sadd.s32 @!p0 s3, s7;
	s7 =	simm.s32 @!p0 $0x108  }
0x21: {  	s3 =	sadd.s32 s3, s9;
	s6 =	sadd.s32 @!p0 $0x88, s6;
	s7 =	simm.s32 @p2 $0x1082  }
0x22: {  	[simem:s7], [sflag:s8] =	dma.local @!p0 [hbm:s6], $0xF7A  }
0x23: {  	s9 =	sor.u32 $0xD0000000, s2;
	s6 =	simm.s32 $0x108;
	_ =	swait.ge @!p0 [sflag:s8], $0x0  }
0x24: {  	s3 =	sadd.s32 $0x88, s3;
	s6 =	simm.s32 @!p1 $0x1082;
	[sflag:s4] =	ssyncset.s32 $0xFFFFF086  }
0x25: {  	[simem:s6], [sflag:s4] =	dma.local [hbm:s3], $0xF7A  }
0x26: {  	[smem:$0x3F96] =	sst s1;
	(tag) =	ssettag s2;
	_ =	strace s9  }
0x27: {  	s1 =	sld [smem:$0x3FA6]  }
0x28: {  	s2 =	sld [smem:$0x3FA7]  }
0x29: {  	s4 =	sld [smem:$0x3FA9]  }
0x2a: {  	p0 =	seq.s32 s5, $0x0;
	s5 =	sld [smem:$0x3FAA]  }
0x2b: {  	s6 =	sld [smem:$0x3FAB]  }
0x2c: {  	s7 =	sld [smem:$0x3FAC]  }
0x2d: {  	s3 =	simm.s32 $0x108;
	s8 =	sld [smem:$0x3FAD]  }
0x2e: {  	s3 =	simm.s32 @!p0 $0x1082;
	s9 =	sld [smem:$0x3FAE]  }
0x2f: {  	lr =	sadd.s32 s0, s3;
	s0 =	sld [smem:$0x3FA5]  }
0x30: {  	s3 =	sld [smem:$0x3FA8]  }
0x31: {  	[smem:$0x3FB1] =	sst s10  }
0x32: {  	s10 =	sld [smem:$0x3FAF];
	_ =	sdelay $0x3  }
0x33: {  	p0 =	seq.s32 s10, $0x1;
	s10 =	sld [smem:$0x3FB1];
	_ =	sdelay $0x3  }
0x34: {  	[smem:$0x3FB1] =	sst s10  }
0x35: {  	s10 =	sld [smem:$0x3FB0];
	_ =	sdelay $0x3  }
0x36: {  	p1 =	seq.s32 s10, $0x1;
	s10 =	sld [smem:$0x3FB1];
	_ =	sdelay $0x3  }
0x37: {  	[smem:$0x3FB1] =	sst s10  }
0x38: {  	s10 =	sld [smem:$0x3FB2]  }
0x39: {  	_ = 	snop;
	(pc) =	sbr.ind lr, $3  }
0x3a: {  	_ = 	snop  }
0x3b: {  	_ = 	snop  }
0x3c: {  	p2 =	seq.s32 s10, $0x1;
	s10 =	sld [smem:$0x3FB1]  }
0x3d: {  	_ =	shalt  }
0x3e: {  	_ =	shalt  }
0x3f: {  	_ =	shalt  }
0x40: {  	_ =	shalt  }
0x41: {  	_ =	shalt  }
0x42: {  	_ =	shalt  }
0x43: {  	_ =	shalt  }
0x44: {  	_ =	shalt  }
0x45: {  	_ =	shalt  }
0x46: {  	_ =	shalt  }
0x47: {  	_ =	shalt  }
0x48: {  	_ =	shalt  }
0x49: {  	_ =	shalt  }
0x4a: {  	_ =	shalt  }
0x4b: {  	_ =	shalt  }
0x4c: {  	_ =	shalt  }
0x4d: {  	_ =	shalt  }
0x4e: {  	_ =	shalt  }
0x4f: {  	_ =	shalt  }
0x50: {  	_ =	shalt  }
0x51: {  	_ =	shalt  }
0x52: {  	_ =	shalt  }
0x53: {  	_ =	shalt  }
0x54: {  	_ =	shalt  }
0x55: {  	_ =	shalt  }
0x56: {  	_ =	shalt  }
0x57: {  	_ =	shalt  }
0x58: {  	_ =	shalt  }
0x59: {  	_ =	shalt  }
0x5a: {  	_ =	shalt  }
0x5b: {  	_ =	shalt  }
0x5c: {  	_ =	shalt  }
0x5d: {  	_ =	shalt  }
0x5e: {  	_ =	shalt  }
0x5f: {  	_ =	shalt  }
0x60: {  	_ =	shalt  }
0x61: {  	_ =	shalt  }
0x62: {  	_ =	shalt  }
0x63: {  	_ =	shalt  }
0x64: {  	_ =	shalt  }
0x65: {  	_ =	shalt  }
0x66: {  	_ =	shalt  }
0x67: {  	_ =	shalt  }
0x68: {  	_ =	shalt  }
0x69: {  	_ =	shalt  }
0x6a: {  	_ =	shalt  }
0x6b: {  	_ =	shalt  }
0x6c: {  	_ =	shalt  }
0x6d: {  	_ =	shalt  }
0x6e: {  	_ =	shalt  }
0x6f: {  	_ =	shalt  }
0x70: {  	_ =	shalt  }
0x71: {  	_ =	shalt  }
0x72: {  	_ =	shalt  }
0x73: {  	_ =	shalt  }
0x74: {  	_ =	shalt  }
0x75: {  	_ =	shalt  }
0x76: {  	_ =	shalt  }
0x77: {  	_ =	shalt  }
0x78: {  	_ =	shalt  }
0x79: {  	_ =	shalt  }
0x7a: {  	_ =	shalt  }
0x7b: {  	_ =	shalt  }
0x7c: {  	_ =	shalt  }
0x7d: {  	_ =	shalt  }
0x7e: {  	_ =	shalt  }
0x7f: {  	_ =	shalt  }
0x80: {  	_ =	shalt  }
0x81: {  	_ =	shalt  }
0x82: {  	_ =	shalt  }
0x83: {  	_ =	shalt  }
0x84: {  	_ =	shalt  }
0x85: {  	_ =	shalt  }
0x86: {  	_ =	shalt  }
0x87: {  	_ =	shalt  }
.Lfunc_end0:
.L_simem_size_0:
called_computation.4_lowered:
.L_overlay_start_0:
0x88: {  	s2 =	sld [smem:$0x3FD9]  }
0x89: {  	s3 =	sld [smem:$0x3FFE];
	_ =	sdelay $0x1  }
0x8a: {  	s1 =	srdreg.scid  }
0x8b: {  	s0 =	sand.u32 $0x1, s1  }
0x8c: {  	s17 =	sshll.u32 s0, $0xA;
	s2 =	sadd.s32 s3, s2  }
0x8d: {  	s2 =	sadd.s32 s2, s17  }
0x8e: {  	[smem:$0x3FBD] =	sst s2  }
0x8f: {  	_ = 	snop  }
0x90: {  	s2 =	sld [smem:$0x3FD0];
	(tm) =	ssettm $0x1  }
0x91: {  	s18 =	sld [smem:$0x3FFB];
	_ =	sdelay $0x3  }
0x92: {  	_ =	strace s18  }
0x93: {  	s3 =	sld [smem:$0x3FFC];
	_ =	sdelay $0x3  }
0x94: {  	_ =	strace s3  }
0x95: {  	s3 =	sld [smem:$0x3FFD];
	_ =	sdelay $0x3  }
0x96: {  	_ =	strace s3  }
0x97: {  	_ =	strace $0x8FFFFFFF  }
0x98: {  	s19 =	sld [smem:$0x3FDB];
	_ =	sdelay $0x1  }
0x99: {  	s4 =	simm.s32 $_scs_section_size  }
0x9a: {  	s5 =	simm.s32 $_size__tile_overlayer_lowered;
	s6 =	simm.s32 $_tile_overlayer_lowered  }
0x9b: {  	s22 =	simm.s32 $0x1BFF;
	s21 =	sshll.u32 s6, $0x1;
	s3 =	sadd.s32 s4, s19  }
0x9c: {  	s7 =	simm.s32 $0x0;
	s20 =	sshll.u32 s5, $0x1;
	s5 =	sadd.s32 s21, s3  }
0x9d: {  	[timem:s7], [sflag:s22] =	dma.local [hbm:s5], s20  }
0x9e: {  	_ =	swait.ge [sflag:s22], s20  }
0x9f: {  	s4 =	ssub.s32 $0x0, s20;
	[sflag:s22] =	ssyncset.done $0x0  }
0xa0: {  	[sflag:s22] =	ssyncadd.s32 s4;
	_ =	sdelay $0x1  }
0xa1: {  	s23 =	simm.s32 $0x1B8B  }
0xa2: {  	_ =	swait.ge [sflag:s23], $0x1  }
0xa3: {  	[sflag:s23] =	ssyncset.done $0x0  }
0xa4: {  	s25 =	simm.s32 $0x1B8E;
	s24 =	sld [smem:$0x3FFE];
	[sflag:s23] =	ssyncadd.s32 $0xFFFFFFFF  }
0xa5: {  	s26 =	simm.s32 $execute0_lowered;
	[smem:$0x3FD2] =	sst s25  }
0xa6: {  	s5 =	sshll.u32 s26, $0x1;
	_ =	strace $0x80000052;
	[dreg:$0x1] =	wrdreg $0xFFFFFFFF  }
0xa7: {  	s28 =	simm.s32 $_size_execute0_lowered;
	s3 =	sadd.s32 s3, s5;
	[dreg:$0x0] =	wrdreg $0x0  }
0xa8: {  	s5 =	sshll.u32 s28, $0x1;
	[dreg:$0x2] =	wrdreg s3  }
0xa9: {  	[dreg:$0x3] =	wrdreg s5  }
0xaa: {  	[dreg:$0x4] =	wrdreg $0xC0  }
0xab: {  	_ =	task [dreg:s7], $0x5FFFF  }
0xac: {  	[dreg:$0x1] =	wrdreg $0xFFFFFFFF  }
0xad: {  	[dreg:$0x0] =	wrdreg $0x60  }
0xae: {  	[dreg:$0x2] =	wrdreg s2  }
0xaf: {  	[dreg:$0x3] =	wrdreg s24  }
0xb0: {  	[dreg:$0x4] =	wrdreg $0x9  }
0xb1: {  	_ =	task.clear_ibuf [dreg:s7], $0x5FFFF;
	_ =	strace $0x90000052  }
0xb2: {  	s29 =	simm.s32 $0x9;
	_ =	strace $0x80000054  }
0xb3: {  	_ =	swait.ge [sflag:s29], $0x1  }
0xb4: {  	[sflag:s29] =	ssyncadd.s32 $0xFFFFFFFF  }
0xb5: {  	_ =	strace $0x90000054  }
0xb6: {  	_ =	sfence  }
0xb7: {  	s30 =	sld [smem:$0x0];
	_ =	sdelay $0x2  }
0xb8: {  	s31 =	sshll.u32 s1, $0xD;
	s1 =	sshrl.u32 s1, $0x2  }
0xb9: {  	s3 =	sand.u32 $0x4000, s31;
	s1 =	sadd.s32 s1, s30  }
0xba: {  	s0 =	sor.u32 s3, s0;
	s1 =	sshll.u32 s1, $0x11  }
0xbb: {  	s0 =	sor.u32 s1, s0  }
0xbc: {  	s0 =	sadd.s32 $0x8F2B, s0  }
0xbd: {  	[sflag:s0] =	ssyncadd.remote.s32 $0x1  }
0xbe: {  	_ =	sfence.sel $0xFFFF  }
0xbf: {  	[dreg:$0x0] =	wrdreg $0xFFFFFFFF;
	(pc) =	sbr.abs _section_cstart, $3  }
0xc0: {  	[dreg:$0x1] =	wrdreg $0xFFFFFFFF  }
0xc1: {  	_ =	task.clear_ibuf [dreg:s7], $0x2FFFF;
	_ =	strace $0x9FFFFFFF  }
0xc2: {  	(tm) =	ssettm $0x7FFFFFFF  }
0xc3: {  	_ =	shalt  }
tec
execute0_lowered:
.L_overlay_start_1:
0x0: {  	(tag) =	ssettag $0x1  }
0x1: {  	s1 =	srdreg.scid;
	s2 =	rddreg [dreg:$0x0]  }
0x2: {  	s0 =	stileid.u32;
	s6 =	rddreg [dreg:$0x1];
	s3 =	simm.s32 $0x0  }
0x3: {  	s13 =	simm.s32 $0xF800;
	s14 =	simm.s32 $0x1;
	s15 =	simm.s32 $0x4  }
0x4: {  	s16 =	simm.s32 $0x2;
	s17 =	simm.s32 $0x7700;
	s18 =	simm.s32 $0x0  }
0x5: {  	s4 =	sand.u32 $0x1, s1;
	s25 =	sshll.u32 s0, $0x1;
	s1 =	rddreg [dreg:$0x2]  }
0x6: {  	[smem:$0x7FF] =	sst s3;
	s9 =	smul.u32 $0x780000, s0;
	s12 =	sadd.s32 $0xE5A00, s6  }
0x7: {  	s5 =	sor.u32 s4, s25;
	s8 =	ssub.s32 $0x2, s4;
	s11 =	smul.u32 $0x3C0000, s4  }
0x8: {  	_ =	strace $0x80000053;
	s7 =	smul.u32 $0xF00, s5;
	s10 =	sshrl.u32 s8, $0x1  }
0x9: {  	s5 =	smul.u32 $0x3C0000, s5;
	s28 =	ssub.s32 s8, s10;
	s30 =	sadd.s32 s11, s9  }
0xa: {  	s10 =	simm.s32 $0x3;
	s11 =	simm.s32 $0x100;
	s26 =	sadd.s32 s7, s6  }
0xb: {  	s29 =	sshrl.u32 s5, $0x3;
	s5 =	smax.u32 s28, $0x1;
	s9 =	sor.u32 $0x8000, s30  }
0xc: {  	s31 =	sshrl.u32 s30, $0x3;
	s4 =	sadd.s32 $0x26600, s26;
	s7 =	sadd.s32 s12, s29  }
0xd: {  	s9 =	sshrl.u32 s9, $0x3;
	s6 =	sadd.s32 $0x76000, s7;
	s7 =	sadd.s32 $0x77000, s7  }
0xe: {  	s8 =	sadd.s32 s9, s12;
	s9 =	sadd.s32 s31, s12;
	s12 =	simm.s32 $0x7800  }
.LBB2_1:
0xf: {  	[tilespmem:s3], [sflag:$0x3] =	stream.linear.gather [hbm4b:s4+s3], $0x7800, $0x38;
	[tilespmem:$0x17800] =	vst v63  }
0x10: {  	_ =	swait.ge [sflag:s10], $0x7800  }
0x11: {  	[sflag:s10] =	ssyncset.done $0x0  }
0x12: {  	[sflag:s10] =	ssyncadd.s32 $0xFFFF8800  }
0x13: {  	[tilespmem:s12], [sflag:$0x1] =	stream.indirect.gather [hbm4b:s2+s11], $0x80, s3, s11, $0xb8;
	[tilespmem:$0x17800] =	vst v63  }
0x14: {  	s19 =	simm.s32 $0x100  }
0x15: {  	[tilespmem:s13], [sflag:$0x2] =	stream.indirect.gather [hbm4b:s2+s11], $0x80, s19, s11, $0xb8;
	[tilespmem:$0x17800] =	vst v63  }
0x16: {  	_ =	swait.ge [sflag:s14], $0x8000  }
0x17: {  	[sflag:s14] =	ssyncset.done $0x0  }
0x18: {  	s29 =	sadd.s32 $0x0, s9;
	[sflag:s14] =	ssyncadd.s32 $0xFFFF8000  }
0x19: {  	[hbm4b:s29+s3] =	stream.linear.scatter [tilespmem:s12], [sflag:$0x4], $0x8000, $0x38;
	[tilespmem:$0x17800] =	vst v63  }
0x1a: {  	_ =	swait.ge [sflag:s15], $0x8000  }
0x1b: {  	[sflag:s15] =	ssyncset.done $0x0  }
0x1c: {  	s30 =	simm.s32 $0x200;
	[sflag:s15] =	ssyncadd.s32 $0xFFFF8000  }
0x1d: {  	[tilespmem:s12], [sflag:$0x1] =	stream.indirect.gather [hbm4b:s2+s11], $0x80, s30, s11, $0xb8;
	[tilespmem:$0x17800] =	vst v63  }
0x1e: {  	_ =	swait.ge [sflag:s16], $0x8000  }
0x1f: {  	[sflag:s16] =	ssyncset.done $0x0  }
0x20: {  	s31 =	sadd.s32 $0x0, s8;
	[sflag:s16] =	ssyncadd.s32 $0xFFFF8000  }
0x21: {  	[hbm4b:s31+s3] =	stream.linear.scatter [tilespmem:s13], [sflag:$0x3], $0x8000, $0x38;
	[tilespmem:$0x17800] =	vst v63  }
0x22: {  	s21 =	simm.s32 $0x4000;
	_ =	swait.ge [sflag:s10], $0x8000  }
0x23: {  	s20 =	simm.s32 $0x400;
	s19 =	simm.s32 $0x2000;
	[sflag:s10] =	ssyncset.done $0x0  }
.LBB2_2:
0x24: {  	p0 =	sne.s32 s21, $0x74000;
	s22 =	sadd.s32 $0xFFFFFF00, s20;
	[sflag:s10] =	ssyncadd.s32 $0xFFFF8000  }
0x25: {  	[tilespmem:s13], [sflag:$0x2] =	stream.indirect.gather [hbm4b:s2+s11], $0x80, s22, s11, $0xb8;
	[tilespmem:$0x17800] =	vst v63  }
0x26: {  	s22 =	smov.u32 s21;
	s21 =	sadd.s32 $0x2000, s21;
	_ =	swait.ge [sflag:s14], $0x8000  }
0x27: {  	[sflag:s14] =	ssyncset.done $0x0  }
0x28: {  	s23 =	sadd.s32 s19, s9;
	[sflag:s14] =	ssyncadd.s32 $0xFFFF8000  }
0x29: {  	[hbm4b:s23+s3] =	stream.linear.scatter [tilespmem:s12], [sflag:$0x4], $0x8000, $0x38;
	[tilespmem:$0x17800] =	vst v63  }
0x2a: {  	_ =	swait.ge [sflag:s15], $0x8000  }
0x2b: {  	[sflag:s15] =	ssyncset.done $0x0  }
0x2c: {  	[sflag:s15] =	ssyncadd.s32 $0xFFFF8000  }
0x2d: {  	[tilespmem:s12], [sflag:$0x1] =	stream.indirect.gather [hbm4b:s2+s11], $0x80, s20, s11, $0xb8;
	[tilespmem:$0x17800] =	vst v63  }
0x2e: {  	_ =	swait.ge [sflag:s16], $0x8000  }
.Ltmp0:
0x2f: {  	[sflag:s16] =	ssyncset.done $0x0;
	(pc) =	sbr.rel @p0 .LBB2_2-.Ltmp0, $4  }
0x30: {  	s23 =	sadd.s32 s19, s8;
	s19 =	smov.u32 s22;
	[sflag:s16] =	ssyncadd.s32 $0xFFFF8000  }
0x31: {  	[hbm4b:s23+s3] =	stream.linear.scatter [tilespmem:s13], [sflag:$0x3], $0x8000, $0x38;
	[tilespmem:$0x17800] =	vst v63  }
0x32: {  	_ =	swait.ge [sflag:s10], $0x8000  }
0x33: {  	s20 =	sadd.s32 $0x200, s20;
	[sflag:s10] =	ssyncset.done $0x0  }
0x34: {  	s21 =	sadd.s32 $0xFFFFFF00, s20;
	[sflag:s10] =	ssyncadd.s32 $0xFFFF8000  }
0x35: {  	[tilespmem:s13], [sflag:$0x2] =	stream.indirect.gather [hbm4b:s2+s11], $0x80, s21, s11, $0xb8;
	[tilespmem:$0x17800] =	vst v63  }
0x36: {  	_ =	swait.ge [sflag:s14], $0x8000  }
0x37: {  	[sflag:s14] =	ssyncset.done $0x0  }
0x38: {  	s30 =	sadd.s32 s19, s9;
	[sflag:s14] =	ssyncadd.s32 $0xFFFF8000  }
0x39: {  	[hbm4b:s30+s3] =	stream.linear.scatter [tilespmem:s12], [sflag:$0x4], $0x8000, $0x38;
	[tilespmem:$0x17800] =	vst v63  }
0x3a: {  	_ =	swait.ge [sflag:s15], $0x8000  }
0x3b: {  	[sflag:s15] =	ssyncset.done $0x0  }
0x3c: {  	[sflag:s15] =	ssyncadd.s32 $0xFFFF8000  }
0x3d: {  	[tilespmem:s12], [sflag:$0x1] =	stream.indirect.gather [hbm4b:s2+s11], $0x80, s20, s11, $0xb8;
	[tilespmem:$0x17800] =	vst v63  }
0x3e: {  	_ =	swait.ge [sflag:s16], $0x8000  }
0x3f: {  	[sflag:s16] =	ssyncset.done $0x0  }
0x40: {  	s31 =	sadd.s32 s19, s8;
	[sflag:s16] =	ssyncadd.s32 $0xFFFF8000  }
0x41: {  	[hbm4b:s31+s3] =	stream.linear.scatter [tilespmem:s13], [sflag:$0x3], $0x8000, $0x38;
	[tilespmem:$0x17800] =	vst v63  }
0x42: {  	_ =	swait.ge [sflag:s10], $0x8000  }
0x43: {  	[sflag:s10] =	ssyncset.done $0x0  }
0x44: {  	[sflag:s10] =	ssyncadd.s32 $0xFFFF8000  }
0x45: {  	[tilespmem:s13], [sflag:$0x2] =	stream.indirect.gather [hbm4b:s2+s11], $0x80, s17, s11, $0xb8;
	[tilespmem:$0x17800] =	vst v63  }
0x46: {  	_ =	swait.ge [sflag:s14], $0x8000  }
0x47: {  	[sflag:s14] =	ssyncset.done $0x0  }
0x48: {  	[sflag:s14] =	ssyncadd.s32 $0xFFFF8000  }
0x49: {  	[hbm4b:s6+s3] =	stream.linear.scatter [tilespmem:s12], [sflag:$0x4], $0x8000, $0x38;
	[tilespmem:$0x17800] =	vst v63  }
0x4a: {  	_ =	swait.ge [sflag:s15], $0x8000  }
0x4b: {  	[sflag:s15] =	ssyncset.done $0x0  }
0x4c: {  	[sflag:s15] =	ssyncadd.s32 $0xFFFF8000  }
0x4d: {  	s18 =	sadd.s32 $0x1, s18;
	_ =	swait.ge [sflag:s16], $0x8000  }
0x4e: {  	p0 =	sne.s32 s18, s5;
	[sflag:s16] =	ssyncset.done $0x0  }
.Ltmp1:
0x4f: {  	[sflag:s16] =	ssyncadd.s32 $0xFFFF8000;
	(pc) =	sbr.rel @p0 .LBB2_1-.Ltmp1, $4  }
0x50: {  	[hbm4b:s7+s3] =	stream.linear.scatter [tilespmem:s13], [sflag:$0x3], $0x8000, $0x38;
	[tilespmem:$0x17800] =	vst v63  }
0x51: {  	_ =	swait.ge [sflag:s10], $0x8000  }
0x52: {  	[sflag:s10] =	ssyncset.done $0x0  }
0x53: {  	[sflag:s10] =	ssyncadd.s32 $0xFFFF8000  }
0x54: {  	_ =	sfence.sel $0x180000  }
0x55: {  	[bflag:$0x0] =	sbarrier.arrive $0xFFFF  }
0x56: {  	p0 =	sne.s32 s0, $0x0;
	_ =	strace $0x90000053  }
0x57: {  	s0 =	sadd.s32 @!p0 $0x100000, s1;
	[bflag:$0x2] =	sbarrier.arrive $0xFFFF  }
0x58: {  	[sflag:s0] =	ssyncadd.tile.s32 @!p0 $0x1;
	_ =	shalt  }
.Lfunc_end2:
_tile_overlayer_lowered:
.L_overlay_start_2:
0x59: {  	(tag) =	ssettag $0x2  }
0x5a: {  	s0 =	rddreg [dreg:$0x0];
	s2 =	stileid.u32  }
0x5b: {  	s1 =	rddreg [dreg:$0x1];
	p0 =	sne.s32 s2, $0x0  }
0x5c: {  	s3 =	rddreg [dreg:$0x2];
	[bflag:$0x3] =	sbarrier.arrive $0xFFFF;
	s2 =	simm.s32 @!p0 $0x1C03  }
0x5d: {  	[timem:s3], [sflag:s2] =	dma.local @!p0 [hbm:s0], s1  }
0x5e: {  	s0 =	simm.s32 @!p0 $0x3  }
0x5f: {  	_ =	swait.ge @!p0 [sflag:s0], s1  }
0x60: {  	s1 =	ssub.s32 @!p0 $0x0, s1;
	[sflag:s0] =	ssyncset.done @!p0 $0x0  }
0x61: {  	[sflag:s0] =	ssyncadd.s32 @!p0 s1  }
0x62: {  	[bflag:$0x3] =	sbarrier.arrive $0xFFFF  }
0x63: {  	_ =	shalt  }

// kernel: kernel.33.cloned.1.call-start
scs
__scs_entry_jumppad:
0x0: {  	(pc) =	sbr.rel $0x88, $3  }
0x1: {  	(tag) =	ssettag $0x0;
	lr =	simm.s32 $0x1  }
0x2: {  	[smem:$0x3F96] =	sst lr;
	_ =	strace $0xD0000000  }
0x3: {  	_ = 	snop  }
0x4: {  	_ = 	snop  }
0x5: {  	_ = 	snop  }
0x6: {  	_ = 	snop  }
0x7: {  	_ = 	snop  }
__scs_overlays_trampoline_lowered:
0x8: {  	[smem:$0x3FA5] =	sst s0  }
0x9: {  	[smem:$0x3FA6] =	sst s1  }
0xa: {  	[smem:$0x3FA7] =	sst s2  }
0xb: {  	[smem:$0x3FA8] =	sst s3  }
0xc: {  	[smem:$0x3FA9] =	sst s4  }
0xd: {  	[smem:$0x3FAA] =	sst s5  }
0xe: {  	[smem:$0x3FAB] =	sst s6  }
0xf: {  	[smem:$0x3FAC] =	sst s7  }
0x10: {  	[smem:$0x3FAD] =	sst s8  }
0x11: {  	[smem:$0x3FAE] =	sst s9;
	s0 =	simm.s32 @!p0 $0x0  }
0x12: {  	s1 =	sld [smem:$0x3F94];
	s0 =	simm.s32 @p0 $0x1  }
0x13: {  	[smem:$0x3FAF] =	sst s0;
	s0 =	simm.s32 @!p1 $0x0  }
0x14: {  	s2 =	sld [smem:$0x3F93];
	s0 =	simm.s32 @p1 $0x1  }
0x15: {  	[smem:$0x3FB0] =	sst s0;
	s0 =	simm.s32 @!p2 $0x0  }
0x16: {  	s3 =	sld [smem:$0x3FDB];
	s0 =	simm.s32 @p2 $0x1  }
0x17: {  	s4 =	simm.s32 $0x1BF5;
	[smem:$0x3FB2] =	sst s0  }
0x18: {  	s0 =	sld [smem:$0x3F95];
	_ =	swait.ge [sflag:s4], $0x0  }
0x19: {  	s7 =	sld [smem:$0x3F96]  }
0x1a: {  	s8 =	sadd.s32 $0xFFFFE003, lr  }
0x1b: {  	s9 =	sadd.s32 $0xFFFFFEF7, lr;
	s5 =	simm.s32 $0xFFFFFFFF;
	p2 =	slt.u32 s8, $0xFFFFF086  }
0x1c: {  	p1 =	slt.u32 s9, $0xF7A;
	s5 =	simm.s32 @!p2 $0x0  }
0x1d: {  	s5 =	simm.s32 @p1 $0x1;
	p0 =	seq.s32 s7, s2  }
0x1e: {  	s7 =	smul.u32 @!p0 $0xF7A, s2;
	p2 =	seq.s32 @!p0 s5, $0x0  }
0x1f: {  	s9 =	smul.u32 $0xF7A, s1;
	s8 =	simm.s32 @!p0 $0x1BF5;
	p2 =	por !p2, p0  }
0x20: {  	[sflag:s8] =	ssyncset.s32 @!p0 $0xFFFFF086;
	s6 =	sadd.s32 @!p0 s3, s7;
	s7 =	simm.s32 @!p0 $0x108  }
0x21: {  	s3 =	sadd.s32 s3, s9;
	s6 =	sadd.s32 @!p0 $0x88, s6;
	s7 =	simm.s32 @p2 $0x1082  }
0x22: {  	[simem:s7], [sflag:s8] =	dma.local @!p0 [hbm:s6], $0xF7A  }
0x23: {  	s9 =	sor.u32 $0xD0000000, s2;
	s6 =	simm.s32 $0x108;
	_ =	swait.ge @!p0 [sflag:s8], $0x0  }
0x24: {  	s3 =	sadd.s32 $0x88, s3;
	s6 =	simm.s32 @!p1 $0x1082;
	[sflag:s4] =	ssyncset.s32 $0xFFFFF086  }
0x25: {  	[simem:s6], [sflag:s4] =	dma.local [hbm:s3], $0xF7A  }
0x26: {  	[smem:$0x3F96] =	sst s1;
	(tag) =	ssettag s2;
	_ =	strace s9  }
0x27: {  	s1 =	sld [smem:$0x3FA6]  }
0x28: {  	s2 =	sld [smem:$0x3FA7]  }
0x29: {  	s4 =	sld [smem:$0x3FA9]  }
0x2a: {  	p0 =	seq.s32 s5, $0x0;
	s5 =	sld [smem:$0x3FAA]  }
0x2b: {  	s6 =	sld [smem:$0x3FAB]  }
0x2c: {  	s7 =	sld [smem:$0x3FAC]  }
0x2d: {  	s3 =	simm.s32 $0x108;
	s8 =	sld [smem:$0x3FAD]  }
0x2e: {  	s3 =	simm.s32 @!p0 $0x1082;
	s9 =	sld [smem:$0x3FAE]  }
0x2f: {  	lr =	sadd.s32 s0, s3;
	s0 =	sld [smem:$0x3FA5]  }
0x30: {  	s3 =	sld [smem:$0x3FA8]  }
0x31: {  	[smem:$0x3FB1] =	sst s10  }
0x32: {  	s10 =	sld [smem:$0x3FAF];
	_ =	sdelay $0x3  }
0x33: {  	p0 =	seq.s32 s10, $0x1;
	s10 =	sld [smem:$0x3FB1];
	_ =	sdelay $0x3  }
0x34: {  	[smem:$0x3FB1] =	sst s10  }
0x35: {  	s10 =	sld [smem:$0x3FB0];
	_ =	sdelay $0x3  }
0x36: {  	p1 =	seq.s32 s10, $0x1;
	s10 =	sld [smem:$0x3FB1];
	_ =	sdelay $0x3  }
0x37: {  	[smem:$0x3FB1] =	sst s10  }
0x38: {  	s10 =	sld [smem:$0x3FB2]  }
0x39: {  	_ = 	snop;
	(pc) =	sbr.ind lr, $3  }
0x3a: {  	_ = 	snop  }
0x3b: {  	_ = 	snop  }
0x3c: {  	p2 =	seq.s32 s10, $0x1;
	s10 =	sld [smem:$0x3FB1]  }
0x3d: {  	_ =	shalt  }
0x3e: {  	_ =	shalt  }
0x3f: {  	_ =	shalt  }
0x40: {  	_ =	shalt  }
0x41: {  	_ =	shalt  }
0x42: {  	_ =	shalt  }
0x43: {  	_ =	shalt  }
0x44: {  	_ =	shalt  }
0x45: {  	_ =	shalt  }
0x46: {  	_ =	shalt  }
0x47: {  	_ =	shalt  }
0x48: {  	_ =	shalt  }
0x49: {  	_ =	shalt  }
0x4a: {  	_ =	shalt  }
0x4b: {  	_ =	shalt  }
0x4c: {  	_ =	shalt  }
0x4d: {  	_ =	shalt  }
0x4e: {  	_ =	shalt  }
0x4f: {  	_ =	shalt  }
0x50: {  	_ =	shalt  }
0x51: {  	_ =	shalt  }
0x52: {  	_ =	shalt  }
0x53: {  	_ =	shalt  }
0x54: {  	_ =	shalt  }
0x55: {  	_ =	shalt  }
0x56: {  	_ =	shalt  }
0x57: {  	_ =	shalt  }
0x58: {  	_ =	shalt  }
0x59: {  	_ =	shalt  }
0x5a: {  	_ =	shalt  }
0x5b: {  	_ =	shalt  }
0x5c: {  	_ =	shalt  }
0x5d: {  	_ =	shalt  }
0x5e: {  	_ =	shalt  }
0x5f: {  	_ =	shalt  }
0x60: {  	_ =	shalt  }
0x61: {  	_ =	shalt  }
0x62: {  	_ =	shalt  }
0x63: {  	_ =	shalt  }
0x64: {  	_ =	shalt  }
0x65: {  	_ =	shalt  }
0x66: {  	_ =	shalt  }
0x67: {  	_ =	shalt  }
0x68: {  	_ =	shalt  }
0x69: {  	_ =	shalt  }
0x6a: {  	_ =	shalt  }
0x6b: {  	_ =	shalt  }
0x6c: {  	_ =	shalt  }
0x6d: {  	_ =	shalt  }
0x6e: {  	_ =	shalt  }
0x6f: {  	_ =	shalt  }
0x70: {  	_ =	shalt  }
0x71: {  	_ =	shalt  }
0x72: {  	_ =	shalt  }
0x73: {  	_ =	shalt  }
0x74: {  	_ =	shalt  }
0x75: {  	_ =	shalt  }
0x76: {  	_ =	shalt  }
0x77: {  	_ =	shalt  }
0x78: {  	_ =	shalt  }
0x79: {  	_ =	shalt  }
0x7a: {  	_ =	shalt  }
0x7b: {  	_ =	shalt  }
0x7c: {  	_ =	shalt  }
0x7d: {  	_ =	shalt  }
0x7e: {  	_ =	shalt  }
0x7f: {  	_ =	shalt  }
0x80: {  	_ =	shalt  }
0x81: {  	_ =	shalt  }
0x82: {  	_ =	shalt  }
0x83: {  	_ =	shalt  }
0x84: {  	_ =	shalt  }
0x85: {  	_ =	shalt  }
0x86: {  	_ =	shalt  }
0x87: {  	_ =	shalt  }
.Lfunc_end0:
.L_simem_size_0:
called_computation.5_lowered:
.L_overlay_start_0:
0x88: {  	s2 =	sld [smem:$0x3FD9]  }
0x89: {  	s3 =	sld [smem:$0x3FFE];
	_ =	sdelay $0x1  }
0x8a: {  	s1 =	srdreg.scid  }
0x8b: {  	s0 =	sand.u32 $0x1, s1  }
0x8c: {  	s16 =	sshll.u32 s0, $0xA;
	s2 =	sadd.s32 s3, s2  }
0x8d: {  	s2 =	sadd.s32 s2, s16  }
0x8e: {  	[smem:$0x3FBD] =	sst s2  }
0x8f: {  	_ = 	snop  }
0x90: {  	(tm) =	ssettm $0x1  }
0x91: {  	s17 =	sld [smem:$0x3FFB];
	_ =	sdelay $0x3  }
0x92: {  	_ =	strace s17  }
0x93: {  	s2 =	sld [smem:$0x3FFC];
	_ =	sdelay $0x3  }
0x94: {  	_ =	strace s2  }
0x95: {  	s2 =	sld [smem:$0x3FFD];
	_ =	sdelay $0x3  }
0x96: {  	_ =	strace s2  }
0x97: {  	_ =	strace $0x8FFFFFFF  }
0x98: {  	s18 =	sld [smem:$0x3FDB];
	_ =	sdelay $0x1  }
0x99: {  	s19 =	simm.s32 $_scs_section_size  }
0x9a: {  	s4 =	simm.s32 $_size__tile_overlayer_lowered;
	s5 =	simm.s32 $_tile_overlayer_lowered  }
0x9b: {  	s22 =	simm.s32 $0x1BFF;
	s21 =	sshll.u32 s5, $0x1;
	s2 =	sadd.s32 s19, s18  }
0x9c: {  	s6 =	simm.s32 $0x0;
	s20 =	sshll.u32 s4, $0x1;
	s4 =	sadd.s32 s21, s2  }
0x9d: {  	[timem:s6], [sflag:s22] =	dma.local [hbm:s4], s20  }
0x9e: {  	_ =	swait.ge [sflag:s22], s20  }
0x9f: {  	s3 =	ssub.s32 $0x0, s20;
	[sflag:s22] =	ssyncset.done $0x0  }
0xa0: {  	[sflag:s22] =	ssyncadd.s32 s3;
	_ =	sdelay $0x1  }
0xa1: {  	s23 =	simm.s32 $0x1B8B  }
0xa2: {  	_ =	swait.ge [sflag:s23], $0x1  }
0xa3: {  	[sflag:s23] =	ssyncset.done $0x0  }
0xa4: {  	s25 =	simm.s32 $0x1B8E;
	s24 =	sld [smem:$0x3FFE];
	[sflag:s23] =	ssyncadd.s32 $0xFFFFFFFF  }
0xa5: {  	s26 =	simm.s32 $execute0_lowered;
	[smem:$0x3FD2] =	sst s25  }
0xa6: {  	s4 =	sshll.u32 s26, $0x1;
	_ =	strace $0x80000055;
	[dreg:$0x1] =	wrdreg $0xFFFFFFFF  }
0xa7: {  	s28 =	simm.s32 $_size_execute0_lowered;
	s2 =	sadd.s32 s2, s4;
	[dreg:$0x0] =	wrdreg $0x0  }
0xa8: {  	s4 =	sshll.u32 s28, $0x1;
	[dreg:$0x2] =	wrdreg s2  }
0xa9: {  	[dreg:$0x3] =	wrdreg s4  }
0xaa: {  	[dreg:$0x4] =	wrdreg $0xC0  }
0xab: {  	_ =	task [dreg:s6], $0x5FFFF  }
0xac: {  	[dreg:$0x1] =	wrdreg $0xFFFFFFFF  }
0xad: {  	[dreg:$0x0] =	wrdreg $0x60  }
0xae: {  	[dreg:$0x2] =	wrdreg s24  }
0xaf: {  	[dreg:$0x3] =	wrdreg $0x9  }
0xb0: {  	_ =	task.clear_ibuf [dreg:s6], $0x4FFFF;
	_ =	strace $0x90000055  }
0xb1: {  	s29 =	simm.s32 $0x9;
	_ =	strace $0x80000057  }
0xb2: {  	_ =	swait.ge [sflag:s29], $0x1  }
0xb3: {  	[sflag:s29] =	ssyncadd.s32 $0xFFFFFFFF  }
0xb4: {  	_ =	strace $0x90000057  }
0xb5: {  	_ =	sfence  }
0xb6: {  	s30 =	sld [smem:$0x0];
	_ =	sdelay $0x2  }
0xb7: {  	s31 =	sshll.u32 s1, $0xD;
	s1 =	sshrl.u32 s1, $0x2  }
0xb8: {  	s3 =	sand.u32 $0x4000, s31;
	s1 =	sadd.s32 s1, s30  }
0xb9: {  	s0 =	sor.u32 s3, s0;
	s1 =	sshll.u32 s1, $0x11  }
0xba: {  	s0 =	sor.u32 s1, s0  }
0xbb: {  	s0 =	sadd.s32 $0x8F2B, s0  }
0xbc: {  	[sflag:s0] =	ssyncadd.remote.s32 $0x1  }
0xbd: {  	_ =	sfence.sel $0xFFFF  }
0xbe: {  	[dreg:$0x0] =	wrdreg $0xFFFFFFFF;
	(pc) =	sbr.abs _section_cstart, $3  }
0xbf: {  	[dreg:$0x1] =	wrdreg $0xFFFFFFFF  }
0xc0: {  	_ =	task.clear_ibuf [dreg:s6], $0x2FFFF;
	_ =	strace $0x9FFFFFFF  }
0xc1: {  	(tm) =	ssettm $0x7FFFFFFF  }
tec
execute0_lowered:
.L_overlay_start_1:
0x0: {  	(tag) =	ssettag $0x1  }
0x1: {  	s1 =	srdreg.scid;
	s0 =	stileid.u32  }
0x2: {  	s5 =	rddreg [dreg:$0x0];
	s2 =	simm.s32 $0x0;
	s13 =	simm.s32 $0xF800  }
0x3: {  	s14 =	simm.s32 $0x1;
	s15 =	simm.s32 $0x4;
	s16 =	simm.s32 $0x2  }
0x4: {  	s17 =	simm.s32 $0x7700;
	s18 =	simm.s32 $0x0;
	s4 =	sand.u32 $0x1, s1  }
0x5: {  	s24 =	sshll.u32 s0, $0x1;
	s1 =	rddreg [dreg:$0x1];
	s9 =	smul.u32 $0x780000, s0  }
0x6: {  	[smem:$0x7FF] =	sst s2;
	s3 =	sor.u32 s4, s24;
	s11 =	smul.u32 $0x3C0000, s4  }
0x7: {  	s12 =	sadd.s32 $0xE5A00, s5;
	s8 =	ssub.s32 $0x2, s4;
	s6 =	smul.u32 $0xF00, s3  }
0x8: {  	_ =	strace $0x80000056;
	s7 =	smul.u32 $0x3C0000, s3;
	s10 =	sshrl.u32 s8, $0x1  }
0x9: {  	s3 =	sadd.s32 $0x44600, s5;
	s26 =	ssub.s32 s8, s10;
	s29 =	sadd.s32 s11, s9  }
0xa: {  	s10 =	simm.s32 $0x3;
	s11 =	simm.s32 $0x100;
	s25 =	sadd.s32 s6, s5  }
0xb: {  	s28 =	sshrl.u32 s7, $0x3;
	s5 =	smax.u32 s26, $0x1;
	s9 =	sor.u32 $0x8000, s29  }
0xc: {  	s31 =	sshrl.u32 s29, $0x3;
	s4 =	sadd.s32 $0x26600, s25;
	s30 =	sadd.s32 s12, s28  }
0xd: {  	s9 =	sshrl.u32 s9, $0x3;
	s6 =	sadd.s32 $0x76000, s30;
	s7 =	sadd.s32 $0x77000, s30  }
0xe: {  	s8 =	sadd.s32 s9, s12;
	s9 =	sadd.s32 s31, s12;
	s12 =	simm.s32 $0x7800  }
.LBB2_1:
0xf: {  	[tilespmem:s2], [sflag:$0x3] =	stream.linear.gather [hbm4b:s4+s2], $0x7800, $0x38;
	[tilespmem:$0x17800] =	vst v63  }
0x10: {  	_ =	swait.ge [sflag:s10], $0x7800  }
0x11: {  	[sflag:s10] =	ssyncset.done $0x0  }
0x12: {  	[sflag:s10] =	ssyncadd.s32 $0xFFFF8800  }
0x13: {  	[tilespmem:s12], [sflag:$0x1] =	stream.indirect.gather [hbm4b:s3+s11], $0x80, s2, s11, $0xb8;
	[tilespmem:$0x17800] =	vst v63  }
0x14: {  	s19 =	simm.s32 $0x100  }
0x15: {  	[tilespmem:s13], [sflag:$0x2] =	stream.indirect.gather [hbm4b:s3+s11], $0x80, s19, s11, $0xb8;
	[tilespmem:$0x17800] =	vst v63  }
0x16: {  	_ =	swait.ge [sflag:s14], $0x8000  }
0x17: {  	[sflag:s14] =	ssyncset.done $0x0  }
0x18: {  	s29 =	sadd.s32 $0x0, s9;
	[sflag:s14] =	ssyncadd.s32 $0xFFFF8000  }
0x19: {  	[hbm4b:s29+s2] =	stream.linear.scatter [tilespmem:s12], [sflag:$0x4], $0x8000, $0x38;
	[tilespmem:$0x17800] =	vst v63  }
0x1a: {  	_ =	swait.ge [sflag:s15], $0x8000  }
0x1b: {  	[sflag:s15] =	ssyncset.done $0x0  }
0x1c: {  	s30 =	simm.s32 $0x200;
	[sflag:s15] =	ssyncadd.s32 $0xFFFF8000  }
0x1d: {  	[tilespmem:s12], [sflag:$0x1] =	stream.indirect.gather [hbm4b:s3+s11], $0x80, s30, s11, $0xb8;
	[tilespmem:$0x17800] =	vst v63  }
0x1e: {  	_ =	swait.ge [sflag:s16], $0x8000  }
0x1f: {  	[sflag:s16] =	ssyncset.done $0x0  }
0x20: {  	s31 =	sadd.s32 $0x0, s8;
	[sflag:s16] =	ssyncadd.s32 $0xFFFF8000  }
0x21: {  	[hbm4b:s31+s2] =	stream.linear.scatter [tilespmem:s13], [sflag:$0x3], $0x8000, $0x38;
	[tilespmem:$0x17800] =	vst v63  }
0x22: {  	s21 =	simm.s32 $0x4000;
	_ =	swait.ge [sflag:s10], $0x8000  }
0x23: {  	s20 =	simm.s32 $0x400;
	s19 =	simm.s32 $0x2000;
	[sflag:s10] =	ssyncset.done $0x0  }
.LBB2_2:
0x24: {  	p0 =	sne.s32 s21, $0x74000;
	s22 =	sadd.s32 $0xFFFFFF00, s20;
	[sflag:s10] =	ssyncadd.s32 $0xFFFF8000  }
0x25: {  	[tilespmem:s13], [sflag:$0x2] =	stream.indirect.gather [hbm4b:s3+s11], $0x80, s22, s11, $0xb8;
	[tilespmem:$0x17800] =	vst v63  }
0x26: {  	s22 =	smov.u32 s21;
	s21 =	sadd.s32 $0x2000, s21;
	_ =	swait.ge [sflag:s14], $0x8000  }
0x27: {  	[sflag:s14] =	ssyncset.done $0x0  }
0x28: {  	s23 =	sadd.s32 s19, s9;
	[sflag:s14] =	ssyncadd.s32 $0xFFFF8000  }
0x29: {  	[hbm4b:s23+s2] =	stream.linear.scatter [tilespmem:s12], [sflag:$0x4], $0x8000, $0x38;
	[tilespmem:$0x17800] =	vst v63  }
0x2a: {  	_ =	swait.ge [sflag:s15], $0x8000  }
0x2b: {  	[sflag:s15] =	ssyncset.done $0x0  }
0x2c: {  	[sflag:s15] =	ssyncadd.s32 $0xFFFF8000  }
0x2d: {  	[tilespmem:s12], [sflag:$0x1] =	stream.indirect.gather [hbm4b:s3+s11], $0x80, s20, s11, $0xb8;
	[tilespmem:$0x17800] =	vst v63  }
0x2e: {  	_ =	swait.ge [sflag:s16], $0x8000  }
.Ltmp0:
0x2f: {  	[sflag:s16] =	ssyncset.done $0x0;
	(pc) =	sbr.rel @p0 .LBB2_2-.Ltmp0, $4  }
0x30: {  	s23 =	sadd.s32 s19, s8;
	s19 =	smov.u32 s22;
	[sflag:s16] =	ssyncadd.s32 $0xFFFF8000  }
0x31: {  	[hbm4b:s23+s2] =	stream.linear.scatter [tilespmem:s13], [sflag:$0x3], $0x8000, $0x38;
	[tilespmem:$0x17800] =	vst v63  }
0x32: {  	_ =	swait.ge [sflag:s10], $0x8000  }
0x33: {  	s20 =	sadd.s32 $0x200, s20;
	[sflag:s10] =	ssyncset.done $0x0  }
0x34: {  	s21 =	sadd.s32 $0xFFFFFF00, s20;
	[sflag:s10] =	ssyncadd.s32 $0xFFFF8000  }
0x35: {  	[tilespmem:s13], [sflag:$0x2] =	stream.indirect.gather [hbm4b:s3+s11], $0x80, s21, s11, $0xb8;
	[tilespmem:$0x17800] =	vst v63  }
0x36: {  	_ =	swait.ge [sflag:s14], $0x8000  }
0x37: {  	[sflag:s14] =	ssyncset.done $0x0  }
0x38: {  	s30 =	sadd.s32 s19, s9;
	[sflag:s14] =	ssyncadd.s32 $0xFFFF8000  }
0x39: {  	[hbm4b:s30+s2] =	stream.linear.scatter [tilespmem:s12], [sflag:$0x4], $0x8000, $0x38;
	[tilespmem:$0x17800] =	vst v63  }
0x3a: {  	_ =	swait.ge [sflag:s15], $0x8000  }
0x3b: {  	[sflag:s15] =	ssyncset.done $0x0  }
0x3c: {  	[sflag:s15] =	ssyncadd.s32 $0xFFFF8000  }
0x3d: {  	[tilespmem:s12], [sflag:$0x1] =	stream.indirect.gather [hbm4b:s3+s11], $0x80, s20, s11, $0xb8;
	[tilespmem:$0x17800] =	vst v63  }
0x3e: {  	_ =	swait.ge [sflag:s16], $0x8000  }
0x3f: {  	[sflag:s16] =	ssyncset.done $0x0  }
0x40: {  	s31 =	sadd.s32 s19, s8;
	[sflag:s16] =	ssyncadd.s32 $0xFFFF8000  }
0x41: {  	[hbm4b:s31+s2] =	stream.linear.scatter [tilespmem:s13], [sflag:$0x3], $0x8000, $0x38;
	[tilespmem:$0x17800] =	vst v63  }
0x42: {  	_ =	swait.ge [sflag:s10], $0x8000  }
0x43: {  	[sflag:s10] =	ssyncset.done $0x0  }
0x44: {  	[sflag:s10] =	ssyncadd.s32 $0xFFFF8000  }
0x45: {  	[tilespmem:s13], [sflag:$0x2] =	stream.indirect.gather [hbm4b:s3+s11], $0x80, s17, s11, $0xb8;
	[tilespmem:$0x17800] =	vst v63  }
0x46: {  	_ =	swait.ge [sflag:s14], $0x8000  }
0x47: {  	[sflag:s14] =	ssyncset.done $0x0  }
0x48: {  	[sflag:s14] =	ssyncadd.s32 $0xFFFF8000  }
0x49: {  	[hbm4b:s6+s2] =	stream.linear.scatter [tilespmem:s12], [sflag:$0x4], $0x8000, $0x38;
	[tilespmem:$0x17800] =	vst v63  }
0x4a: {  	_ =	swait.ge [sflag:s15], $0x8000  }
0x4b: {  	[sflag:s15] =	ssyncset.done $0x0  }
0x4c: {  	[sflag:s15] =	ssyncadd.s32 $0xFFFF8000  }
0x4d: {  	s18 =	sadd.s32 $0x1, s18;
	_ =	swait.ge [sflag:s16], $0x8000  }
0x4e: {  	p0 =	sne.s32 s18, s5;
	[sflag:s16] =	ssyncset.done $0x0  }
.Ltmp1:
0x4f: {  	[sflag:s16] =	ssyncadd.s32 $0xFFFF8000;
	(pc) =	sbr.rel @p0 .LBB2_1-.Ltmp1, $4  }
0x50: {  	[hbm4b:s7+s2] =	stream.linear.scatter [tilespmem:s13], [sflag:$0x3], $0x8000, $0x38;
	[tilespmem:$0x17800] =	vst v63  }
0x51: {  	_ =	swait.ge [sflag:s10], $0x8000  }
0x52: {  	[sflag:s10] =	ssyncset.done $0x0  }
0x53: {  	[sflag:s10] =	ssyncadd.s32 $0xFFFF8000  }
0x54: {  	_ =	sfence.sel $0x180000  }
0x55: {  	[bflag:$0x0] =	sbarrier.arrive $0xFFFF  }
0x56: {  	p0 =	sne.s32 s0, $0x0;
	_ =	strace $0x90000056  }
0x57: {  	s0 =	sadd.s32 @!p0 $0x100000, s1;
	[bflag:$0x2] =	sbarrier.arrive $0xFFFF  }
0x58: {  	[sflag:s0] =	ssyncadd.tile.s32 @!p0 $0x1;
	_ =	shalt  }
.Lfunc_end2:
_tile_overlayer_lowered:
.L_overlay_start_2:
0x59: {  	(tag) =	ssettag $0x2  }
0x5a: {  	s0 =	rddreg [dreg:$0x0];
	s2 =	stileid.u32  }
0x5b: {  	s1 =	rddreg [dreg:$0x1];
	p0 =	sne.s32 s2, $0x0  }
0x5c: {  	s3 =	rddreg [dreg:$0x2];
	[bflag:$0x3] =	sbarrier.arrive $0xFFFF;
	s2 =	simm.s32 @!p0 $0x1C03  }
0x5d: {  	[timem:s3], [sflag:s2] =	dma.local @!p0 [hbm:s0], s1  }
0x5e: {  	s0 =	simm.s32 @!p0 $0x3  }
0x5f: {  	_ =	swait.ge @!p0 [sflag:s0], s1  }
0x60: {  	s1 =	ssub.s32 @!p0 $0x0, s1;
	[sflag:s0] =	ssyncset.done @!p0 $0x0  }
0x61: {  	[sflag:s0] =	ssyncadd.s32 @!p0 s1  }
0x62: {  	[bflag:$0x3] =	sbarrier.arrive $0xFFFF  }
0x63: {  	_ =	shalt  }

// kernel: kernel.36.cloned.1.call-start
scs
__scs_entry_jumppad:
0x0: {  	(pc) =	sbr.rel $0x88, $3  }
0x1: {  	(tag) =	ssettag $0x0;
	lr =	simm.s32 $0x1  }
0x2: {  	[smem:$0x3F96] =	sst lr;
	_ =	strace $0xD0000000  }
0x3: {  	_ = 	snop  }
0x4: {  	_ = 	snop  }
0x5: {  	_ = 	snop  }
0x6: {  	_ = 	snop  }
0x7: {  	_ = 	snop  }
__scs_overlays_trampoline_lowered:
0x8: {  	[smem:$0x3FA5] =	sst s0  }
0x9: {  	[smem:$0x3FA6] =	sst s1  }
0xa: {  	[smem:$0x3FA7] =	sst s2  }
0xb: {  	[smem:$0x3FA8] =	sst s3  }
0xc: {  	[smem:$0x3FA9] =	sst s4  }
0xd: {  	[smem:$0x3FAA] =	sst s5  }
0xe: {  	[smem:$0x3FAB] =	sst s6  }
0xf: {  	[smem:$0x3FAC] =	sst s7  }
0x10: {  	[smem:$0x3FAD] =	sst s8  }
0x11: {  	[smem:$0x3FAE] =	sst s9;
	s0 =	simm.s32 @!p0 $0x0  }
0x12: {  	s1 =	sld [smem:$0x3F94];
	s0 =	simm.s32 @p0 $0x1  }
0x13: {  	[smem:$0x3FAF] =	sst s0;
	s0 =	simm.s32 @!p1 $0x0  }
0x14: {  	s2 =	sld [smem:$0x3F93];
	s0 =	simm.s32 @p1 $0x1  }
0x15: {  	[smem:$0x3FB0] =	sst s0;
	s0 =	simm.s32 @!p2 $0x0  }
0x16: {  	s3 =	sld [smem:$0x3FDB];
	s0 =	simm.s32 @p2 $0x1  }
0x17: {  	s4 =	simm.s32 $0x1BF5;
	[smem:$0x3FB2] =	sst s0  }
0x18: {  	s0 =	sld [smem:$0x3F95];
	_ =	swait.ge [sflag:s4], $0x0  }
0x19: {  	s7 =	sld [smem:$0x3F96]  }
0x1a: {  	s8 =	sadd.s32 $0xFFFFE003, lr  }
0x1b: {  	s9 =	sadd.s32 $0xFFFFFEF7, lr;
	s5 =	simm.s32 $0xFFFFFFFF;
	p2 =	slt.u32 s8, $0xFFFFF086  }
0x1c: {  	p1 =	slt.u32 s9, $0xF7A;
	s5 =	simm.s32 @!p2 $0x0  }
0x1d: {  	s5 =	simm.s32 @p1 $0x1;
	p0 =	seq.s32 s7, s2  }
0x1e: {  	s7 =	smul.u32 @!p0 $0xF7A, s2;
	p2 =	seq.s32 @!p0 s5, $0x0  }
0x1f: {  	s9 =	smul.u32 $0xF7A, s1;
	s8 =	simm.s32 @!p0 $0x1BF5;
	p2 =	por !p2, p0  }
0x20: {  	[sflag:s8] =	ssyncset.s32 @!p0 $0xFFFFF086;
	s6 =	sadd.s32 @!p0 s3, s7;
	s7 =	simm.s32 @!p0 $0x108  }
0x21: {  	s3 =	sadd.s32 s3, s9;
	s6 =	sadd.s32 @!p0 $0x88, s6;
	s7 =	simm.s32 @p2 $0x1082  }
0x22: {  	[simem:s7], [sflag:s8] =	dma.local @!p0 [hbm:s6], $0xF7A  }
0x23: {  	s9 =	sor.u32 $0xD0000000, s2;
	s6 =	simm.s32 $0x108;
	_ =	swait.ge @!p0 [sflag:s8], $0x0  }
0x24: {  	s3 =	sadd.s32 $0x88, s3;
	s6 =	simm.s32 @!p1 $0x1082;
	[sflag:s4] =	ssyncset.s32 $0xFFFFF086  }
0x25: {  	[simem:s6], [sflag:s4] =	dma.local [hbm:s3], $0xF7A  }
0x26: {  	[smem:$0x3F96] =	sst s1;
	(tag) =	ssettag s2;
	_ =	strace s9  }
0x27: {  	s1 =	sld [smem:$0x3FA6]  }
0x28: {  	s2 =	sld [smem:$0x3FA7]  }
0x29: {  	s4 =	sld [smem:$0x3FA9]  }
0x2a: {  	p0 =	seq.s32 s5, $0x0;
	s5 =	sld [smem:$0x3FAA]  }
0x2b: {  	s6 =	sld [smem:$0x3FAB]  }
0x2c: {  	s7 =	sld [smem:$0x3FAC]  }
0x2d: {  	s3 =	simm.s32 $0x108;
	s8 =	sld [smem:$0x3FAD]  }
0x2e: {  	s3 =	simm.s32 @!p0 $0x1082;
	s9 =	sld [smem:$0x3FAE]  }
0x2f: {  	lr =	sadd.s32 s0, s3;
	s0 =	sld [smem:$0x3FA5]  }
0x30: {  	s3 =	sld [smem:$0x3FA8]  }
0x31: {  	[smem:$0x3FB1] =	sst s10  }
0x32: {  	s10 =	sld [smem:$0x3FAF];
	_ =	sdelay $0x3  }
0x33: {  	p0 =	seq.s32 s10, $0x1;
	s10 =	sld [smem:$0x3FB1];
	_ =	sdelay $0x3  }
0x34: {  	[smem:$0x3FB1] =	sst s10  }
0x35: {  	s10 =	sld [smem:$0x3FB0];
	_ =	sdelay $0x3  }
0x36: {  	p1 =	seq.s32 s10, $0x1;
	s10 =	sld [smem:$0x3FB1];
	_ =	sdelay $0x3  }
0x37: {  	[smem:$0x3FB1] =	sst s10  }
0x38: {  	s10 =	sld [smem:$0x3FB2]  }
0x39: {  	_ = 	snop;
	(pc) =	sbr.ind lr, $3  }
0x3a: {  	_ = 	snop  }
0x3b: {  	_ = 	snop  }
0x3c: {  	p2 =	seq.s32 s10, $0x1;
	s10 =	sld [smem:$0x3FB1]  }
0x3d: {  	_ =	shalt  }
0x3e: {  	_ =	shalt  }
0x3f: {  	_ =	shalt  }
0x40: {  	_ =	shalt  }
0x41: {  	_ =	shalt  }
0x42: {  	_ =	shalt  }
0x43: {  	_ =	shalt  }
0x44: {  	_ =	shalt  }
0x45: {  	_ =	shalt  }
0x46: {  	_ =	shalt  }
0x47: {  	_ =	shalt  }
0x48: {  	_ =	shalt  }
0x49: {  	_ =	shalt  }
0x4a: {  	_ =	shalt  }
0x4b: {  	_ =	shalt  }
0x4c: {  	_ =	shalt  }
0x4d: {  	_ =	shalt  }
0x4e: {  	_ =	shalt  }
0x4f: {  	_ =	shalt  }
0x50: {  	_ =	shalt  }
0x51: {  	_ =	shalt  }
0x52: {  	_ =	shalt  }
0x53: {  	_ =	shalt  }
0x54: {  	_ =	shalt  }
0x55: {  	_ =	shalt  }
0x56: {  	_ =	shalt  }
0x57: {  	_ =	shalt  }
0x58: {  	_ =	shalt  }
0x59: {  	_ =	shalt  }
0x5a: {  	_ =	shalt  }
0x5b: {  	_ =	shalt  }
0x5c: {  	_ =	shalt  }
0x5d: {  	_ =	shalt  }
0x5e: {  	_ =	shalt  }
0x5f: {  	_ =	shalt  }
0x60: {  	_ =	shalt  }
0x61: {  	_ =	shalt  }
0x62: {  	_ =	shalt  }
0x63: {  	_ =	shalt  }
0x64: {  	_ =	shalt  }
0x65: {  	_ =	shalt  }
0x66: {  	_ =	shalt  }
0x67: {  	_ =	shalt  }
0x68: {  	_ =	shalt  }
0x69: {  	_ =	shalt  }
0x6a: {  	_ =	shalt  }
0x6b: {  	_ =	shalt  }
0x6c: {  	_ =	shalt  }
0x6d: {  	_ =	shalt  }
0x6e: {  	_ =	shalt  }
0x6f: {  	_ =	shalt  }
0x70: {  	_ =	shalt  }
0x71: {  	_ =	shalt  }
0x72: {  	_ =	shalt  }
0x73: {  	_ =	shalt  }
0x74: {  	_ =	shalt  }
0x75: {  	_ =	shalt  }
0x76: {  	_ =	shalt  }
0x77: {  	_ =	shalt  }
0x78: {  	_ =	shalt  }
0x79: {  	_ =	shalt  }
0x7a: {  	_ =	shalt  }
0x7b: {  	_ =	shalt  }
0x7c: {  	_ =	shalt  }
0x7d: {  	_ =	shalt  }
0x7e: {  	_ =	shalt  }
0x7f: {  	_ =	shalt  }
0x80: {  	_ =	shalt  }
0x81: {  	_ =	shalt  }
0x82: {  	_ =	shalt  }
0x83: {  	_ =	shalt  }
0x84: {  	_ =	shalt  }
0x85: {  	_ =	shalt  }
0x86: {  	_ =	shalt  }
0x87: {  	_ =	shalt  }
.Lfunc_end0:
.L_simem_size_0:
called_computation.6_lowered:
.L_overlay_start_0:
0x88: {  	s2 =	sld [smem:$0x3FD9]  }
0x89: {  	s3 =	sld [smem:$0x3FFE];
	_ =	sdelay $0x1  }
0x8a: {  	s1 =	srdreg.scid  }
0x8b: {  	s0 =	sand.u32 $0x1, s1  }
0x8c: {  	s17 =	sshll.u32 s0, $0xA;
	s2 =	sadd.s32 s3, s2  }
0x8d: {  	s2 =	sadd.s32 s2, s17  }
0x8e: {  	[smem:$0x3FBD] =	sst s2  }
0x8f: {  	_ = 	snop  }
0x90: {  	s2 =	sld [smem:$0x3FD0];
	(tm) =	ssettm $0x1  }
0x91: {  	s18 =	sld [smem:$0x3FFB];
	_ =	sdelay $0x3  }
0x92: {  	_ =	strace s18  }
0x93: {  	s3 =	sld [smem:$0x3FFC];
	_ =	sdelay $0x3  }
0x94: {  	_ =	strace s3  }
0x95: {  	s3 =	sld [smem:$0x3FFD];
	_ =	sdelay $0x3  }
0x96: {  	_ =	strace s3  }
0x97: {  	_ =	strace $0x8FFFFFFF  }
0x98: {  	s19 =	sld [smem:$0x3FDB];
	_ =	sdelay $0x1  }
0x99: {  	s4 =	simm.s32 $_scs_section_size  }
0x9a: {  	s5 =	simm.s32 $_size__tile_overlayer_lowered;
	s6 =	simm.s32 $_tile_overlayer_lowered  }
0x9b: {  	s22 =	simm.s32 $0x1BFF;
	s21 =	sshll.u32 s6, $0x1;
	s3 =	sadd.s32 s4, s19  }
0x9c: {  	s7 =	simm.s32 $0x0;
	s20 =	sshll.u32 s5, $0x1;
	s5 =	sadd.s32 s21, s3  }
0x9d: {  	[timem:s7], [sflag:s22] =	dma.local [hbm:s5], s20  }
0x9e: {  	_ =	swait.ge [sflag:s22], s20  }
0x9f: {  	s4 =	ssub.s32 $0x0, s20;
	[sflag:s22] =	ssyncset.done $0x0  }
0xa0: {  	[sflag:s22] =	ssyncadd.s32 s4;
	_ =	sdelay $0x1  }
0xa1: {  	s23 =	simm.s32 $0x1B8B  }
0xa2: {  	_ =	swait.ge [sflag:s23], $0x1  }
0xa3: {  	[sflag:s23] =	ssyncset.done $0x0  }
0xa4: {  	s25 =	simm.s32 $0x1B8E;
	s24 =	sld [smem:$0x3FFE];
	[sflag:s23] =	ssyncadd.s32 $0xFFFFFFFF  }
0xa5: {  	s26 =	simm.s32 $execute0_lowered;
	[smem:$0x3FD2] =	sst s25  }
0xa6: {  	s5 =	sshll.u32 s26, $0x1;
	_ =	strace $0x80000058;
	[dreg:$0x1] =	wrdreg $0xFFFFFFFF  }
0xa7: {  	s28 =	simm.s32 $_size_execute0_lowered;
	s3 =	sadd.s32 s3, s5;
	[dreg:$0x0] =	wrdreg $0x0  }
0xa8: {  	s5 =	sshll.u32 s28, $0x1;
	[dreg:$0x2] =	wrdreg s3  }
0xa9: {  	[dreg:$0x3] =	wrdreg s5  }
0xaa: {  	[dreg:$0x4] =	wrdreg $0xC0  }
0xab: {  	_ =	task [dreg:s7], $0x5FFFF  }
0xac: {  	[dreg:$0x1] =	wrdreg $0xFFFFFFFF  }
0xad: {  	[dreg:$0x0] =	wrdreg $0x60  }
0xae: {  	[dreg:$0x2] =	wrdreg s2  }
0xaf: {  	[dreg:$0x3] =	wrdreg s24  }
0xb0: {  	[dreg:$0x4] =	wrdreg $0x9  }
0xb1: {  	_ =	task.clear_ibuf [dreg:s7], $0x5FFFF;
	_ =	strace $0x90000058  }
0xb2: {  	s29 =	simm.s32 $0x9;
	_ =	strace $0x8000005A  }
0xb3: {  	_ =	swait.ge [sflag:s29], $0x1  }
0xb4: {  	[sflag:s29] =	ssyncadd.s32 $0xFFFFFFFF  }
0xb5: {  	_ =	strace $0x9000005A  }
0xb6: {  	_ =	sfence  }
0xb7: {  	s30 =	sld [smem:$0x0];
	_ =	sdelay $0x2  }
0xb8: {  	s31 =	sshll.u32 s1, $0xD;
	s1 =	sshrl.u32 s1, $0x2  }
0xb9: {  	s3 =	sand.u32 $0x4000, s31;
	s1 =	sadd.s32 s1, s30  }
0xba: {  	s0 =	sor.u32 s3, s0;
	s1 =	sshll.u32 s1, $0x11  }
0xbb: {  	s0 =	sor.u32 s1, s0  }
0xbc: {  	s0 =	sadd.s32 $0x8F2B, s0  }
0xbd: {  	[sflag:s0] =	ssyncadd.remote.s32 $0x1  }
0xbe: {  	_ =	sfence.sel $0xFFFF  }
0xbf: {  	[dreg:$0x0] =	wrdreg $0xFFFFFFFF;
	(pc) =	sbr.abs _section_cstart, $3  }
0xc0: {  	[dreg:$0x1] =	wrdreg $0xFFFFFFFF  }
0xc1: {  	_ =	task.clear_ibuf [dreg:s7], $0x2FFFF;
	_ =	strace $0x9FFFFFFF  }
0xc2: {  	(tm) =	ssettm $0x7FFFFFFF  }
0xc3: {  	_ =	shalt  }
tec
execute0_lowered:
.L_overlay_start_1:
0x0: {  	(tag) =	ssettag $0x1  }
0x1: {  	s1 =	srdreg.scid;
	s2 =	rddreg [dreg:$0x0]  }
0x2: {  	s0 =	stileid.u32;
	s6 =	rddreg [dreg:$0x1];
	s3 =	simm.s32 $0x0  }
0x3: {  	s13 =	simm.s32 $0xF800;
	s14 =	simm.s32 $0x1;
	s15 =	simm.s32 $0x4  }
0x4: {  	s16 =	simm.s32 $0x2;
	s17 =	simm.s32 $0x7700;
	s18 =	simm.s32 $0x0  }
0x5: {  	s4 =	sand.u32 $0x1, s1;
	s25 =	sshll.u32 s0, $0x1;
	s1 =	rddreg [dreg:$0x2]  }
0x6: {  	[smem:$0x7FF] =	sst s3;
	s9 =	smul.u32 $0x780000, s0;
	s12 =	sadd.s32 $0x1085A00, s6  }
0x7: {  	s5 =	sor.u32 s4, s25;
	s8 =	ssub.s32 $0x2, s4;
	s11 =	smul.u32 $0x3C0000, s4  }
0x8: {  	_ =	strace $0x80000059;
	s7 =	smul.u32 $0xF00, s5;
	s10 =	sshrl.u32 s8, $0x1  }
0x9: {  	s5 =	smul.u32 $0x3C0000, s5;
	s28 =	ssub.s32 s8, s10;
	s30 =	sadd.s32 s11, s9  }
0xa: {  	s10 =	simm.s32 $0x3;
	s11 =	simm.s32 $0x100;
	s26 =	sadd.s32 s7, s6  }
0xb: {  	s29 =	sshrl.u32 s5, $0x3;
	s5 =	smax.u32 s28, $0x1;
	s9 =	sor.u32 $0x8000, s30  }
0xc: {  	s31 =	sshrl.u32 s30, $0x3;
	s4 =	sadd.s32 $0x26600, s26;
	s7 =	sadd.s32 s12, s29  }
0xd: {  	s9 =	sshrl.u32 s9, $0x3;
	s6 =	sadd.s32 $0x76000, s7;
	s7 =	sadd.s32 $0x77000, s7  }
0xe: {  	s8 =	sadd.s32 s9, s12;
	s9 =	sadd.s32 s31, s12;
	s12 =	simm.s32 $0x7800  }
.LBB2_1:
0xf: {  	[tilespmem:s3], [sflag:$0x3] =	stream.linear.gather [hbm4b:s4+s3], $0x7800, $0x38;
	[tilespmem:$0x17800] =	vst v63  }
0x10: {  	_ =	swait.ge [sflag:s10], $0x7800  }
0x11: {  	[sflag:s10] =	ssyncset.done $0x0  }
0x12: {  	[sflag:s10] =	ssyncadd.s32 $0xFFFF8800  }
0x13: {  	[tilespmem:s12], [sflag:$0x1] =	stream.indirect.gather [hbm4b:s2+s11], $0x80, s3, s11, $0xb8;
	[tilespmem:$0x17800] =	vst v63  }
0x14: {  	s19 =	simm.s32 $0x100  }
0x15: {  	[tilespmem:s13], [sflag:$0x2] =	stream.indirect.gather [hbm4b:s2+s11], $0x80, s19, s11, $0xb8;
	[tilespmem:$0x17800] =	vst v63  }
0x16: {  	_ =	swait.ge [sflag:s14], $0x8000  }
0x17: {  	[sflag:s14] =	ssyncset.done $0x0  }
0x18: {  	s29 =	sadd.s32 $0x0, s9;
	[sflag:s14] =	ssyncadd.s32 $0xFFFF8000  }
0x19: {  	[hbm4b:s29+s3] =	stream.linear.scatter [tilespmem:s12], [sflag:$0x4], $0x8000, $0x38;
	[tilespmem:$0x17800] =	vst v63  }
0x1a: {  	_ =	swait.ge [sflag:s15], $0x8000  }
0x1b: {  	[sflag:s15] =	ssyncset.done $0x0  }
0x1c: {  	s30 =	simm.s32 $0x200;
	[sflag:s15] =	ssyncadd.s32 $0xFFFF8000  }
0x1d: {  	[tilespmem:s12], [sflag:$0x1] =	stream.indirect.gather [hbm4b:s2+s11], $0x80, s30, s11, $0xb8;
	[tilespmem:$0x17800] =	vst v63  }
0x1e: {  	_ =	swait.ge [sflag:s16], $0x8000  }
0x1f: {  	[sflag:s16] =	ssyncset.done $0x0  }
0x20: {  	s31 =	sadd.s32 $0x0, s8;
	[sflag:s16] =	ssyncadd.s32 $0xFFFF8000  }
0x21: {  	[hbm4b:s31+s3] =	stream.linear.scatter [tilespmem:s13], [sflag:$0x3], $0x8000, $0x38;
	[tilespmem:$0x17800] =	vst v63  }
0x22: {  	s21 =	simm.s32 $0x4000;
	_ =	swait.ge [sflag:s10], $0x8000  }
0x23: {  	s20 =	simm.s32 $0x400;
	s19 =	simm.s32 $0x2000;
	[sflag:s10] =	ssyncset.done $0x0  }
.LBB2_2:
0x24: {  	p0 =	sne.s32 s21, $0x74000;
	s22 =	sadd.s32 $0xFFFFFF00, s20;
	[sflag:s10] =	ssyncadd.s32 $0xFFFF8000  }
0x25: {  	[tilespmem:s13], [sflag:$0x2] =	stream.indirect.gather [hbm4b:s2+s11], $0x80, s22, s11, $0xb8;
	[tilespmem:$0x17800] =	vst v63  }
0x26: {  	s22 =	smov.u32 s21;
	s21 =	sadd.s32 $0x2000, s21;
	_ =	swait.ge [sflag:s14], $0x8000  }
0x27: {  	[sflag:s14] =	ssyncset.done $0x0  }
0x28: {  	s23 =	sadd.s32 s19, s9;
	[sflag:s14] =	ssyncadd.s32 $0xFFFF8000  }
0x29: {  	[hbm4b:s23+s3] =	stream.linear.scatter [tilespmem:s12], [sflag:$0x4], $0x8000, $0x38;
	[tilespmem:$0x17800] =	vst v63  }
0x2a: {  	_ =	swait.ge [sflag:s15], $0x8000  }
0x2b: {  	[sflag:s15] =	ssyncset.done $0x0  }
0x2c: {  	[sflag:s15] =	ssyncadd.s32 $0xFFFF8000  }
0x2d: {  	[tilespmem:s12], [sflag:$0x1] =	stream.indirect.gather [hbm4b:s2+s11], $0x80, s20, s11, $0xb8;
	[tilespmem:$0x17800] =	vst v63  }
0x2e: {  	_ =	swait.ge [sflag:s16], $0x8000  }
.Ltmp0:
0x2f: {  	[sflag:s16] =	ssyncset.done $0x0;
	(pc) =	sbr.rel @p0 .LBB2_2-.Ltmp0, $4  }
0x30: {  	s23 =	sadd.s32 s19, s8;
	s19 =	smov.u32 s22;
	[sflag:s16] =	ssyncadd.s32 $0xFFFF8000  }
0x31: {  	[hbm4b:s23+s3] =	stream.linear.scatter [tilespmem:s13], [sflag:$0x3], $0x8000, $0x38;
	[tilespmem:$0x17800] =	vst v63  }
0x32: {  	_ =	swait.ge [sflag:s10], $0x8000  }
0x33: {  	s20 =	sadd.s32 $0x200, s20;
	[sflag:s10] =	ssyncset.done $0x0  }
0x34: {  	s21 =	sadd.s32 $0xFFFFFF00, s20;
	[sflag:s10] =	ssyncadd.s32 $0xFFFF8000  }
0x35: {  	[tilespmem:s13], [sflag:$0x2] =	stream.indirect.gather [hbm4b:s2+s11], $0x80, s21, s11, $0xb8;
	[tilespmem:$0x17800] =	vst v63  }
0x36: {  	_ =	swait.ge [sflag:s14], $0x8000  }
0x37: {  	[sflag:s14] =	ssyncset.done $0x0  }
0x38: {  	s30 =	sadd.s32 s19, s9;
	[sflag:s14] =	ssyncadd.s32 $0xFFFF8000  }
0x39: {  	[hbm4b:s30+s3] =	stream.linear.scatter [tilespmem:s12], [sflag:$0x4], $0x8000, $0x38;
	[tilespmem:$0x17800] =	vst v63  }
0x3a: {  	_ =	swait.ge [sflag:s15], $0x8000  }
0x3b: {  	[sflag:s15] =	ssyncset.done $0x0  }
0x3c: {  	[sflag:s15] =	ssyncadd.s32 $0xFFFF8000  }
0x3d: {  	[tilespmem:s12], [sflag:$0x1] =	stream.indirect.gather [hbm4b:s2+s11], $0x80, s20, s11, $0xb8;
	[tilespmem:$0x17800] =	vst v63  }
0x3e: {  	_ =	swait.ge [sflag:s16], $0x8000  }
0x3f: {  	[sflag:s16] =	ssyncset.done $0x0  }
0x40: {  	s31 =	sadd.s32 s19, s8;
	[sflag:s16] =	ssyncadd.s32 $0xFFFF8000  }
0x41: {  	[hbm4b:s31+s3] =	stream.linear.scatter [tilespmem:s13], [sflag:$0x3], $0x8000, $0x38;
	[tilespmem:$0x17800] =	vst v63  }
0x42: {  	_ =	swait.ge [sflag:s10], $0x8000  }
0x43: {  	[sflag:s10] =	ssyncset.done $0x0  }
0x44: {  	[sflag:s10] =	ssyncadd.s32 $0xFFFF8000  }
0x45: {  	[tilespmem:s13], [sflag:$0x2] =	stream.indirect.gather [hbm4b:s2+s11], $0x80, s17, s11, $0xb8;
	[tilespmem:$0x17800] =	vst v63  }
0x46: {  	_ =	swait.ge [sflag:s14], $0x8000  }
0x47: {  	[sflag:s14] =	ssyncset.done $0x0  }
0x48: {  	[sflag:s14] =	ssyncadd.s32 $0xFFFF8000  }
0x49: {  	[hbm4b:s6+s3] =	stream.linear.scatter [tilespmem:s12], [sflag:$0x4], $0x8000, $0x38;
	[tilespmem:$0x17800] =	vst v63  }
0x4a: {  	_ =	swait.ge [sflag:s15], $0x8000  }
0x4b: {  	[sflag:s15] =	ssyncset.done $0x0  }
0x4c: {  	[sflag:s15] =	ssyncadd.s32 $0xFFFF8000  }
0x4d: {  	s18 =	sadd.s32 $0x1, s18;
	_ =	swait.ge [sflag:s16], $0x8000  }
0x4e: {  	p0 =	sne.s32 s18, s5;
	[sflag:s16] =	ssyncset.done $0x0  }
.Ltmp1:
0x4f: {  	[sflag:s16] =	ssyncadd.s32 $0xFFFF8000;
	(pc) =	sbr.rel @p0 .LBB2_1-.Ltmp1, $4  }
0x50: {  	[hbm4b:s7+s3] =	stream.linear.scatter [tilespmem:s13], [sflag:$0x3], $0x8000, $0x38;
	[tilespmem:$0x17800] =	vst v63  }
0x51: {  	_ =	swait.ge [sflag:s10], $0x8000  }
0x52: {  	[sflag:s10] =	ssyncset.done $0x0  }
0x53: {  	[sflag:s10] =	ssyncadd.s32 $0xFFFF8000  }
0x54: {  	_ =	sfence.sel $0x180000  }
0x55: {  	[bflag:$0x0] =	sbarrier.arrive $0xFFFF  }
0x56: {  	p0 =	sne.s32 s0, $0x0;
	_ =	strace $0x90000059  }
0x57: {  	s0 =	sadd.s32 @!p0 $0x100000, s1;
	[bflag:$0x2] =	sbarrier.arrive $0xFFFF  }
0x58: {  	[sflag:s0] =	ssyncadd.tile.s32 @!p0 $0x1;
	_ =	shalt  }
.Lfunc_end2:
_tile_overlayer_lowered:
.L_overlay_start_2:
0x59: {  	(tag) =	ssettag $0x2  }
0x5a: {  	s0 =	rddreg [dreg:$0x0];
	s2 =	stileid.u32  }
0x5b: {  	s1 =	rddreg [dreg:$0x1];
	p0 =	sne.s32 s2, $0x0  }
0x5c: {  	s3 =	rddreg [dreg:$0x2];
	[bflag:$0x3] =	sbarrier.arrive $0xFFFF;
	s2 =	simm.s32 @!p0 $0x1C03  }
0x5d: {  	[timem:s3], [sflag:s2] =	dma.local @!p0 [hbm:s0], s1  }
0x5e: {  	s0 =	simm.s32 @!p0 $0x3  }
0x5f: {  	_ =	swait.ge @!p0 [sflag:s0], s1  }
0x60: {  	s1 =	ssub.s32 @!p0 $0x0, s1;
	[sflag:s0] =	ssyncset.done @!p0 $0x0  }
0x61: {  	[sflag:s0] =	ssyncadd.s32 @!p0 s1  }
0x62: {  	[bflag:$0x3] =	sbarrier.arrive $0xFFFF  }
0x63: {  	_ =	shalt  }

</sc_bundles>
